<compile_context>
chip_gen: v7x
topology: tpu7x:2x2x1
jax: 0.10.2.dev20260603
libtpu: 0.0.44.dev20260713+nightly
codegen_flags: <defaults>
</compile_context>

<pallas_src>
import functools

import jax
import jax.numpy as jnp
from jax import lax
from jax.experimental import pallas as pl
from jax.experimental.pallas import tpu as pltpu
from jax.experimental.pallas import tpu_sc as plsc

_ALPHA = 0.05
_W = 1733
_U = 173


def _loss_kernel(x_ref, t_ref, out_ref, m_run, se_run, sx_run):
    i = pl.program_id(0)
    nb = pl.num_programs(0)
    V = nb * _W
    neg_inf = jnp.full(t_ref.shape, -jnp.inf, jnp.float32)
    zero = jnp.zeros(t_ref.shape, jnp.float32)

    @pl.when(i == 0)
    def _init():
        m_run[...] = neg_inf
        se_run[...] = zero
        sx_run[...] = zero


    def p1(j, carry):
        m0, m1, s0, s1 = carry
        for u in range(_U):
            c = x_ref[j * _U + u]
            if u % 2 == 0:
                m0 = jnp.maximum(m0, c)
                s0 = s0 + c
            else:
                m1 = jnp.maximum(m1, c)
                s1 = s1 + c
        return m0, m1, s0, s1

    m0, m1, s0, s1 = jax.lax.fori_loop(
        0, _W // _U, p1, (neg_inf, neg_inf, zero, zero))
    for k in range((_W // _U) * _U, _W):
        c = x_ref[k]
        m0 = jnp.maximum(m0, c)
        s0 = s0 + c
    bm = jnp.maximum(m0, m1)
    m_old = m_run[...]
    m_new = jnp.maximum(m_old, bm)

    def p2(j, carry):
        e0, e1 = carry
        for u in range(_U):
            c = x_ref[j * _U + u]
            e = jnp.exp(c - m_new)
            if u % 2 == 0:
                e0 = e0 + e
            else:
                e1 = e1 + e
        return e0, e1

    e0, e1 = jax.lax.fori_loop(0, _W // _U, p2, (zero, zero))
    for k in range((_W // _U) * _U, _W):
        e0 = e0 + jnp.exp(x_ref[k] - m_new)

    m_run[...] = m_new
    se_run[...] = se_run[...] * jnp.exp(m_old - m_new) + (e0 + e1)
    sx_run[...] = sx_run[...] + (s0 + s1)

    @pl.when(i == nb - 1)
    def _fin():
        raw = t_ref[...]
        ts = jnp.concatenate(
            [raw[:, 1:], jnp.zeros((raw.shape[0], 1), jnp.int32)], axis=1)
        lse = m_run[...] + jnp.log(se_run[...])
        base = (_ALPHA / V) * sx_run[...] - lse
        mask = ts != 0
        out_ref[0, 0] = jnp.sum(jnp.where(mask, base, 0.0))
        out_ref[0, 1] = jnp.sum(jnp.where(mask, 1.0, 0.0))


def _sc_gather_call(x1, t_flat, n_pos):
    info = plsc.get_sparse_core_info()
    nw = info.num_cores * info.num_subcores
    per_w = n_pos // nw
    mesh = plsc.VectorSubcoreMesh(core_axis_name="c", subcore_axis_name="s")

    @functools.partial(
        pl.kernel,
        mesh=mesh,
        out_type=jax.ShapeDtypeStruct((nw, per_w), jnp.float32),
        scratch_types=[
            pltpu.VMEM((per_w,), jnp.int32),
            pltpu.VMEM((per_w,), jnp.int32),
            pltpu.VMEM((per_w,), jnp.float32),
            pltpu.VMEM((per_w,), jnp.float32),
            pltpu.SemaphoreType.DMA,
        ],
    )
    def sc_gather(x_hbm, t_hbm, out_hbm, tv, eidx, vals, ov, sem):
        wid = lax.axis_index("s") * info.num_cores + lax.axis_index("c")
        base = wid * per_w
        pltpu.sync_copy(t_hbm.at[pl.ds(base, per_w)], tv)
        for c2 in range(per_w // 16):
            rr = lax.iota(jnp.int32, 16) + (c2 * 16)
            tvc = tv[pl.ds(c2 * 16, 16)]
            eidx[pl.ds(c2 * 16, 16)] = tvc * 1024 + rr + base
        pltpu.async_copy(x_hbm.at[eidx], vals, sem).wait()
        for c2 in range(per_w // 16):
            tvc = tv[pl.ds(c2 * 16, 16)]
            g16 = vals[pl.ds(c2 * 16, 16)]
            ov[pl.ds(c2 * 16, 16)] = jnp.where(tvc != 0, g16, 0.0)
        pltpu.sync_copy(ov, out_hbm.at[wid])

    return sc_gather(x1, t_flat)


def kernel(model_out, tgt):
    S, B, V = model_out.shape
    xt = jnp.transpose(model_out, (2, 1, 0))
    tgt = tgt.astype(jnp.int32)
    t_shift = jnp.roll(tgt, -1, axis=1).at[:, -1].set(0)
    x1 = jnp.reshape(xt, (V * B * S,))
    sc_out = _sc_gather_call(x1, t_shift.reshape(-1), B * S)
    nb = V // _W
    tc_out = pl.pallas_call(
        _loss_kernel,
        grid=(nb,),
        in_specs=[
            pl.BlockSpec((_W, B, S), lambda i: (i, 0, 0)),
            pl.BlockSpec((B, S), lambda i: (0, 0)),
        ],
        out_specs=pl.BlockSpec(memory_space=pltpu.SMEM),
        out_shape=jax.ShapeDtypeStruct((1, 2), jnp.float32),
        scratch_shapes=[pltpu.VMEM((B, S), jnp.float32) for _ in range(3)],
        compiler_params=pltpu.CompilerParams(dimension_semantics=("arbitrary",)),
    )(xt, tgt)
    g_sum = jnp.sum(sc_out)
    return -(tc_out[0, 0] + (1.0 - _ALPHA) * g_sum) / tc_out[0, 1]

# --- scband reference (transcript-rebuilt; emitter-appended) ---
"""Pipeline reference for scband-seq-generation-loss-60086592471714 (READ-ONLY COPY).

The authoritative reference and input builder live on the scoring server;
editing this copy changes nothing except your own understanding.
"""

import jax, jax.numpy as jnp
import numpy as np

SEQ, BATCH, VOCAB = 128, 8, 50257

def setup_inputs(seed: int = 0) -> dict:
    key = jax.random.key(seed)
    k1, k2 = jax.random.split(key)
    model_out = jax.random.normal(k1, (SEQ, BATCH, VOCAB), dtype=jnp.float32)
    tgt = jax.random.randint(k2, (BATCH, SEQ), 0, VOCAB, dtype=jnp.int64)
    return {"model_out": model_out, "tgt": tgt}

def reference(model_out, tgt):
    seq_size, batch_size, vocab_size = model_out.shape
    alpha = 0.05
    # tgt_shift = roll(tgt, -1, dims=1); tgt_shift[:, -1] = 0
    tgt_shift = jnp.roll(tgt, -1, axis=1)
    tgt_shift = tgt_shift.at[:, -1].set(0)
    # scatter (1 - alpha) into one-hot positions along vocab dim
    b_idx = jnp.arange(batch_size)[:, None]
    s_idx = jnp.arange(seq_size)[None, :]
    tgt_vocab = jnp.zeros((batch_size, seq_size, vocab_size), dtype=model_out.dtype)
    tgt_vocab = tgt_vocab.at[b_idx, s_idx, tgt_shift].set(1.0 - alpha)
    tgt_vocab = tgt_vocab + alpha / vocab_size
    tgt_vocab = jnp.transpose(tgt_vocab, (1, 0, 2))  # (seq, batch, vocab)
    log_probs = jax.nn.log_softmax(model_out, axis=2)
    tgt_shift_p = jnp.transpose(tgt_shift[:, :, None], (1, 0, 2))  # (seq, batch, 1)
    pad_mask = tgt_shift_p != 0  # (seq, batch, 1)
    tgt_mask = jnp.broadcast_to(pad_mask, (seq_size, batch_size, vocab_size))
    # masked_select(out) * masked_select(tgt) then sum == sum over masked entries
    prod = jnp.where(tgt_mask, log_probs * tgt_vocab, 0.0)
    loss = -prod.sum() / pad_mask.sum().astype(model_out.dtype)
    return loss

if __name__ == "__main__":
    import jax
    _d = setup_inputs()
    print(jax.jit(kernel)(*tuple(_d.values())))

</pallas_src>

<mosaic_0001>
#map = affine_map<(d0, d1) -> (0)>
#map1 = affine_map<(d0, d1) -> (0, 0)>
module attributes {stable_mosaic.version = 14 : i64} {
  func.func @sc_gather(%arg0: i32, %arg1: i32, %arg2: memref<51463168xf32, #tpu.memory_space<hbm>>, %arg3: memref<1024xi32, #tpu.memory_space<hbm>>, %arg4: memref<32x32xf32, #tpu.memory_space<hbm>>, %arg5: memref<32xi32, #tpu.memory_space<vmem>>, %arg6: memref<32xi32, #tpu.memory_space<vmem>>, %arg7: memref<32xf32, #tpu.memory_space<vmem>>, %arg8: memref<32xf32, #tpu.memory_space<vmem>>, %arg9: memref<!tpu.dma_semaphore, #tpu.memory_space<semaphore_mem>>) attributes {dimension_semantics = [#tpu.dimension_semantics<core_parallel>, #tpu.dimension_semantics<subcore_parallel>], iteration_bounds = array<i64: 2, 16>, scalar_prefetch = 0 : i64, scratch_operands = 5 : i64, tpu.core_type = #tpu.core_type<sc_vector_subcore>, window_params = [{transform_indices = #map}, {transform_indices = #map}, {transform_indices = #map1}]} {
    %mul3A = arith.constant 2 : i32
    %mul3A_0 = arith.muli %arg1, %mul3A : i32
    %add3A = arith.addi %mul3A_0, %arg0 : i32
    %mul3A_1 = arith.constant 32 : i32
    %mul3A_2 = arith.muli %add3A, %mul3A_1 : i32
    "tpu.region"() ({
      %run_scoped3A = tpu.sem_alloc : memref<!tpu.dma_semaphore, #tpu.memory_space<semaphore_mem>>
      %dma_start3A_64 = tpu.memref_slice %arg3[%mul3A_2] : memref<1024xi32, #tpu.memory_space<hbm>> -> memref<32xi32, #tpu.memory_space<hbm>>
      %dma_start3A_65 = tpu.memref_slice %arg3[%mul3A_2] : memref<1024xi32, #tpu.memory_space<hbm>> -> memref<32xi32, #tpu.memory_space<hbm>>
      tpu.enqueue_dma source(%dma_start3A_65 : memref<32xi32, #tpu.memory_space<hbm>>) target(%arg5 : memref<32xi32, #tpu.memory_space<vmem>>) target_semaphore(%run_scoped3A : memref<!tpu.dma_semaphore, #tpu.memory_space<semaphore_mem>>)
      %dma_wait3A_66 = tpu.memref_slice %arg3[%mul3A_2] : memref<1024xi32, #tpu.memory_space<hbm>> -> memref<32xi32, #tpu.memory_space<hbm>>
      %dma_wait3A_67 = tpu.memref_slice %arg3[%mul3A_2] : memref<1024xi32, #tpu.memory_space<hbm>> -> memref<32xi32, #tpu.memory_space<hbm>>
      tpu.wait_dma2 semaphore(%run_scoped3A : memref<!tpu.dma_semaphore, #tpu.memory_space<semaphore_mem>>) src(%dma_wait3A_67 : memref<32xi32, #tpu.memory_space<hbm>>) dst(%arg5 : memref<32xi32, #tpu.memory_space<vmem>>)
      tpu.yield
    }) : () -> ()
    %iota3A = tpu.iota {dimensions = array<i32: 0>} : vector<16xi32>
    %add3A_3 = arith.constant 0 : i32
    %add3A_4 = vector.broadcast %add3A_3 : i32 to vector<16xi32>
    %add3A_5 = arith.addi %iota3A, %add3A_4 : vector<16xi32>
    %get3A = arith.constant 0 : index
    %get3A_6 = tpu.vector_load %arg5[%get3A] {strides = array<i32>} : memref<32xi32, #tpu.memory_space<vmem>>, vector<16xi32>,
    %get3A_7 = vector.shape_cast %get3A_6 : vector<16xi32> to vector<16xi32>
    %mul3A_8 = arith.constant 1024 : i32
    %mul3A_9 = vector.broadcast %mul3A_8 : i32 to vector<16xi32>
    %mul3A_10 = arith.muli %get3A_7, %mul3A_9 : vector<16xi32>
    %add3A_11 = arith.addi %mul3A_10, %add3A_5 : vector<16xi32>
    %add3A_12 = vector.broadcast %mul3A_2 : i32 to vector<16xi32>
    %add3A_13 = arith.addi %add3A_11, %add3A_12 : vector<16xi32>
    %swap3A = arith.constant 0 : index
    %swap3A_14 = tpu.vector_load %arg6[%swap3A] {strides = array<i32>} : memref<32xi32, #tpu.memory_space<vmem>>, vector<16xi32>,
    %swap3A_15 = vector.shape_cast %swap3A_14 : vector<16xi32> to vector<16xi32>
    %swap3A_16 = vector.shape_cast %add3A_13 : vector<16xi32> to vector<16xi32>
    tpu.vector_store %arg6[%swap3A], %swap3A_16 {strides = array<i32>} : memref<32xi32, #tpu.memory_space<vmem>>, vector<16xi32>,
    %iota3A_17 = tpu.iota {dimensions = array<i32: 0>} : vector<16xi32>
    %add3A_18 = arith.constant 16 : i32
    %add3A_19 = vector.broadcast %add3A_18 : i32 to vector<16xi32>
    %add3A_20 = arith.addi %iota3A_17, %add3A_19 : vector<16xi32>
    %get3A_21 = arith.constant 16 : index
    %get3A_22 = tpu.vector_load %arg5[%get3A_21] {strides = array<i32>} : memref<32xi32, #tpu.memory_space<vmem>>, vector<16xi32>,
    %get3A_23 = vector.shape_cast %get3A_22 : vector<16xi32> to vector<16xi32>
    %mul3A_24 = arith.constant 1024 : i32
    %mul3A_25 = vector.broadcast %mul3A_24 : i32 to vector<16xi32>
    %mul3A_26 = arith.muli %get3A_23, %mul3A_25 : vector<16xi32>
    %add3A_27 = arith.addi %mul3A_26, %add3A_20 : vector<16xi32>
    %add3A_28 = vector.broadcast %mul3A_2 : i32 to vector<16xi32>
    %add3A_29 = arith.addi %add3A_27, %add3A_28 : vector<16xi32>
    %swap3A_30 = arith.constant 16 : index
    %swap3A_31 = tpu.vector_load %arg6[%swap3A_30] {strides = array<i32>} : memref<32xi32, #tpu.memory_space<vmem>>, vector<16xi32>,
    %swap3A_32 = vector.shape_cast %swap3A_31 : vector<16xi32> to vector<16xi32>
    %swap3A_33 = vector.shape_cast %add3A_29 : vector<16xi32> to vector<16xi32>
    tpu.vector_store %arg6[%swap3A_30], %swap3A_33 {strides = array<i32>} : memref<32xi32, #tpu.memory_space<vmem>>, vector<16xi32>,
    %dma_start3A = arith.constant 0 : i32
    %dma_start3A_34 = tpu.memref_slice %arg2[%dma_start3A] : memref<51463168xf32, #tpu.memory_space<hbm>> -> memref<51463168xf32, #tpu.memory_space<hbm>>
    tpu.enqueue_indirect_dma source(%dma_start3A_34 : memref<51463168xf32, #tpu.memory_space<hbm>>) target(%arg7 : memref<32xf32, #tpu.memory_space<vmem>>) offsets(%arg6 : memref<32xi32, #tpu.memory_space<vmem>>) semaphore(%arg9 : memref<!tpu.dma_semaphore, #tpu.memory_space<semaphore_mem>>)
    %dma_wait3A = arith.constant 0 : i32
    %dma_wait3A_35 = tpu.memref_slice %arg2[%dma_wait3A] : memref<51463168xf32, #tpu.memory_space<hbm>> -> memref<51463168xf32, #tpu.memory_space<hbm>>
    tpu.wait_indirect_dma semaphore(%arg9 : memref<!tpu.dma_semaphore, #tpu.memory_space<semaphore_mem>>) src(%dma_wait3A_35 : memref<51463168xf32, #tpu.memory_space<hbm>>) dst(%arg7 : memref<32xf32, #tpu.memory_space<vmem>>)
    %get3A_36 = arith.constant 0 : index
    %get3A_37 = tpu.vector_load %arg5[%get3A_36] {strides = array<i32>} : memref<32xi32, #tpu.memory_space<vmem>>, vector<16xi32>,
    %get3A_38 = vector.shape_cast %get3A_37 : vector<16xi32> to vector<16xi32>
    %get3A_39 = arith.constant 0 : index
    %get3A_40 = tpu.vector_load %arg7[%get3A_39] {strides = array<i32>} : memref<32xf32, #tpu.memory_space<vmem>>, vector<16xf32>,
    %get3A_41 = vector.shape_cast %get3A_40 : vector<16xf32> to vector<16xf32>
    %ne3A = arith.constant 0 : i32
    %ne3A_42 = vector.broadcast %ne3A : i32 to vector<16xi32>
    %ne3A_43 = arith.cmpi ne, %get3A_38, %ne3A_42 : vector<16xi32>
    %jit3A = arith.constant 0.000000e+00 : f32
    %broadcast_in_dim3A = vector.broadcast %jit3A : f32 to vector<16xf32>
    %select_n3A = arith.select %ne3A_43, %get3A_41, %broadcast_in_dim3A : vector<16xi1>, vector<16xf32>
    %swap3A_44 = arith.constant 0 : index
    %swap3A_45 = tpu.vector_load %arg8[%swap3A_44] {strides = array<i32>} : memref<32xf32, #tpu.memory_space<vmem>>, vector<16xf32>,
    %swap3A_46 = vector.shape_cast %swap3A_45 : vector<16xf32> to vector<16xf32>
    %swap3A_47 = vector.shape_cast %select_n3A : vector<16xf32> to vector<16xf32>
    tpu.vector_store %arg8[%swap3A_44], %swap3A_47 {strides = array<i32>} : memref<32xf32, #tpu.memory_space<vmem>>, vector<16xf32>,
    %get3A_48 = arith.constant 16 : index
    %get3A_49 = tpu.vector_load %arg5[%get3A_48] {strides = array<i32>} : memref<32xi32, #tpu.memory_space<vmem>>, vector<16xi32>,
    %get3A_50 = vector.shape_cast %get3A_49 : vector<16xi32> to vector<16xi32>
    %get3A_51 = arith.constant 16 : index
    %get3A_52 = tpu.vector_load %arg7[%get3A_51] {strides = array<i32>} : memref<32xf32, #tpu.memory_space<vmem>>, vector<16xf32>,
    %get3A_53 = vector.shape_cast %get3A_52 : vector<16xf32> to vector<16xf32>
    %ne3A_54 = arith.constant 0 : i32
    %ne3A_55 = vector.broadcast %ne3A_54 : i32 to vector<16xi32>
    %ne3A_56 = arith.cmpi ne, %get3A_50, %ne3A_55 : vector<16xi32>
    %jit3A_57 = arith.constant 0.000000e+00 : f32
    %broadcast_in_dim3A_58 = vector.broadcast %jit3A_57 : f32 to vector<16xf32>
    %select_n3A_59 = arith.select %ne3A_56, %get3A_53, %broadcast_in_dim3A_58 : vector<16xi1>, vector<16xf32>
    %swap3A_60 = arith.constant 16 : index
    %swap3A_61 = tpu.vector_load %arg8[%swap3A_60] {strides = array<i32>} : memref<32xf32, #tpu.memory_space<vmem>>, vector<16xf32>,
    %swap3A_62 = vector.shape_cast %swap3A_61 : vector<16xf32> to vector<16xf32>
    %swap3A_63 = vector.shape_cast %select_n3A_59 : vector<16xf32> to vector<16xf32>
    tpu.vector_store %arg8[%swap3A_60], %swap3A_63 {strides = array<i32>} : memref<32xf32, #tpu.memory_space<vmem>>, vector<16xf32>,
    "tpu.region"() ({
      %run_scoped3A = tpu.sem_alloc : memref<!tpu.dma_semaphore, #tpu.memory_space<semaphore_mem>>
      %dma_start3A_64 = arith.constant 0 : i32
      %dma_start3A_65 = tpu.memref_slice %arg4[%add3A, %dma_start3A_64] : memref<32x32xf32, #tpu.memory_space<hbm>> -> memref<1x32xf32, #tpu.memory_space<hbm>>
      %dma_start3A_66 = tpu.memref_squeeze %dma_start3A_65 : memref<1x32xf32, #tpu.memory_space<hbm>> -> memref<32xf32, #tpu.memory_space<hbm>>
      %dma_start3A_67 = arith.constant 0 : i32
      %dma_start3A_68 = tpu.memref_slice %arg4[%add3A, %dma_start3A_67] : memref<32x32xf32, #tpu.memory_space<hbm>> -> memref<1x32xf32, #tpu.memory_space<hbm>>
      %dma_start3A_69 = tpu.memref_squeeze %dma_start3A_68 : memref<1x32xf32, #tpu.memory_space<hbm>> -> memref<32xf32, #tpu.memory_space<hbm>>
      tpu.enqueue_dma source(%arg8 : memref<32xf32, #tpu.memory_space<vmem>>) target(%dma_start3A_69 : memref<32xf32, #tpu.memory_space<hbm>>) target_semaphore(%run_scoped3A : memref<!tpu.dma_semaphore, #tpu.memory_space<semaphore_mem>>)
      %dma_wait3A_70 = arith.constant 0 : i32
      %dma_wait3A_71 = tpu.memref_slice %arg4[%add3A, %dma_wait3A_70] : memref<32x32xf32, #tpu.memory_space<hbm>> -> memref<1x32xf32, #tpu.memory_space<hbm>>
      %dma_wait3A_72 = tpu.memref_squeeze %dma_wait3A_71 : memref<1x32xf32, #tpu.memory_space<hbm>> -> memref<32xf32, #tpu.memory_space<hbm>>
      %dma_wait3A_73 = arith.constant 0 : i32
      %dma_wait3A_74 = tpu.memref_slice %arg4[%add3A, %dma_wait3A_73] : memref<32x32xf32, #tpu.memory_space<hbm>> -> memref<1x32xf32, #tpu.memory_space<hbm>>
      %dma_wait3A_75 = tpu.memref_squeeze %dma_wait3A_74 : memref<1x32xf32, #tpu.memory_space<hbm>> -> memref<32xf32, #tpu.memory_space<hbm>>
      tpu.wait_dma2 semaphore(%run_scoped3A : memref<!tpu.dma_semaphore, #tpu.memory_space<semaphore_mem>>) src(%arg8 : memref<32xf32, #tpu.memory_space<vmem>>) dst(%dma_wait3A_75 : memref<32xf32, #tpu.memory_space<hbm>>)
      tpu.yield
    }) : () -> ()
    return
  }
}

module attributes {stable_mosaic.version = 14 : i64} {
  func.func @_loss_kernel(%arg0: i32, %arg1: memref<1733x8x128xf32, #tpu.memory_space<vmem>>, %arg2: memref<8x128xi32, #tpu.memory_space<vmem>>, %arg3: memref<1x2xf32, #tpu.memory_space<smem>>, %arg4: memref<8x128xf32, #tpu.memory_space<vmem>>, %arg5: memref<8x128xf32, #tpu.memory_space<vmem>>, %arg6: memref<8x128xf32, #tpu.memory_space<vmem>>) attributes {dimension_semantics = [#tpu.dimension_semantics<arbitrary>], iteration_bounds = array<i64: 29>, scalar_prefetch = 0 : i64, scratch_operands = 3 : i64, tpu.core_type = #tpu.core_type<tc>, window_params = [{transform_indices = @transform_0, window_bounds = array<i64: 1733, 8, 128>}, {pipeline_mode = #tpu.pipeline_mode<synchronous>, transform_indices = @transform_1, window_bounds = array<i64: 8, 128>}, {transform_indices = @transform_2, window_bounds = array<i64: 1, 2>}]} {
    %broadcast_in_dim3A = arith.constant 0xFF800000 : f32
    %broadcast_in_dim3A_0 = vector.broadcast %broadcast_in_dim3A : f32 to vector<8x128xf32>
    %broadcast_in_dim3A_1 = arith.constant 0.000000e+00 : f32
    %broadcast_in_dim3A_2 = vector.broadcast %broadcast_in_dim3A_1 : f32 to vector<8x128xf32>
    %eq3A = arith.constant 0 : i32
    %eq3A_3 = arith.cmpi eq, %arg0, %eq3A : i32
    %convert_element_type3A = arith.extui %eq3A_3 : i1 to i32
    %cond3A = arith.constant 0 : i32
    %cond3A_4 = arith.cmpi ne, %convert_element_type3A, %cond3A : i32
    scf.if %cond3A_4 {
      %swap3A_86 = arith.constant 0 : index
      %swap3A_87 = arith.constant 0 : index
      %swap3A_88 = vector.load %arg4[%swap3A_86, %swap3A_87] : memref<8x128xf32, #tpu.memory_space<vmem>>, vector<8x128xf32>
      tpu.vector_store %arg4[%swap3A_86, %swap3A_87], %broadcast_in_dim3A_0 {strides = array<i32>} : memref<8x128xf32, #tpu.memory_space<vmem>>, vector<8x128xf32>,
      %swap3A_89 = arith.constant 0 : index
      %swap3A_90 = arith.constant 0 : index
      %swap3A_91 = vector.load %arg5[%swap3A_89, %swap3A_90] : memref<8x128xf32, #tpu.memory_space<vmem>>, vector<8x128xf32>
      tpu.vector_store %arg5[%swap3A_89, %swap3A_90], %broadcast_in_dim3A_2 {strides = array<i32>} : memref<8x128xf32, #tpu.memory_space<vmem>>, vector<8x128xf32>,
      %swap3A_92 = arith.constant 0 : index
      %swap3A_93 = arith.constant 0 : index
      %swap3A_94 = vector.load %arg6[%swap3A_92, %swap3A_93] : memref<8x128xf32, #tpu.memory_space<vmem>>, vector<8x128xf32>
      tpu.vector_store %arg6[%swap3A_92, %swap3A_93], %broadcast_in_dim3A_2 {strides = array<i32>} : memref<8x128xf32, #tpu.memory_space<vmem>>, vector<8x128xf32>,
    } else {
    }
    %scan3A = arith.constant 0 : i32
    %scan3A_5 = arith.constant 10 : i32
    %scan3A_6 = arith.addi %scan3A, %scan3A_5 : i32
    %scan3A_7 = arith.constant 1 : i32
    %scan3A_8:4 = scf.for %scan3A_86 = %scan3A to %scan3A_6 step %scan3A_7 iter_args(%scan3A_87 = %broadcast_in_dim3A_0, %scan3A_88 = %broadcast_in_dim3A_0, %scan3A_89 = %broadcast_in_dim3A_2, %scan3A_90 = %broadcast_in_dim3A_2) -> (vector<8x128xf32>, vector<8x128xf32>, vector<8x128xf32>, vector<8x128xf32>)  : i32 {
      %mul3A_91 = arith.constant 173 : i32
      %mul3A_92 = arith.muli %scan3A_86, %mul3A_91 : i32
      %add3A_93 = arith.constant 0 : i32
      %add3A_94 = arith.addi %mul3A_92, %add3A_93 : i32
      %get3A_95 = arith.index_cast %add3A_94 : i32 to index
      %get3A_96 = arith.constant 0 : index
      %get3A_97 = arith.constant 0 : index
      %get3A_98 = vector.load %arg1[%get3A_95, %get3A_96, %get3A_97] : memref<1733x8x128xf32, #tpu.memory_space<vmem>>, vector<1x8x128xf32>
      %get3A_99 = vector.shape_cast %get3A_98 : vector<1x8x128xf32> to vector<8x128xf32>
      %max3A_100 = arith.maximumf %scan3A_87, %get3A_99 : vector<8x128xf32>
      %add3A_101 = arith.addf %scan3A_89, %get3A_99 : vector<8x128xf32>
      %mul3A_102 = arith.constant 173 : i32
      %mul3A_103 = arith.muli %scan3A_86, %mul3A_102 : i32
      %add3A_104 = arith.constant 1 : i32
      %add3A_105 = arith.addi %mul3A_103, %add3A_104 : i32
      %get3A_106 = arith.index_cast %add3A_105 : i32 to index
      %get3A_107 = arith.constant 0 : index
      %get3A_108 = arith.constant 0 : index
      %get3A_109 = vector.load %arg1[%get3A_106, %get3A_107, %get3A_108] : memref<1733x8x128xf32, #tpu.memory_space<vmem>>, vector<1x8x128xf32>
      %get3A_110 = vector.shape_cast %get3A_109 : vector<1x8x128xf32> to vector<8x128xf32>
      %max3A_111 = arith.maximumf %scan3A_88, %get3A_110 : vector<8x128xf32>
      %add3A_112 = arith.addf %scan3A_90, %get3A_110 : vector<8x128xf32>
      %mul3A_113 = arith.constant 173 : i32
      %mul3A_114 = arith.muli %scan3A_86, %mul3A_113 : i32
      %add3A_115 = arith.constant 2 : i32
      %add3A_116 = arith.addi %mul3A_114, %add3A_115 : i32
      %get3A_117 = arith.index_cast %add3A_116 : i32 to index
      %get3A_118 = arith.constant 0 : index
      %get3A_119 = arith.constant 0 : index
      %get3A_120 = vector.load %arg1[%get3A_117, %get3A_118, %get3A_119] : memref<1733x8x128xf32, #tpu.memory_space<vmem>>, vector<1x8x128xf32>
      %get3A_121 = vector.shape_cast %get3A_120 : vector<1x8x128xf32> to vector<8x128xf32>
      %max3A_122 = arith.maximumf %max3A_100, %get3A_121 : vector<8x128xf32>
      %add3A_123 = arith.addf %add3A_101, %get3A_121 : vector<8x128xf32>
      %mul3A_124 = arith.constant 173 : i32
      %mul3A_125 = arith.muli %scan3A_86, %mul3A_124 : i32
      %add3A_126 = arith.constant 3 : i32
      %add3A_127 = arith.addi %mul3A_125, %add3A_126 : i32
      %get3A_128 = arith.index_cast %add3A_127 : i32 to index
      %get3A_129 = arith.constant 0 : index
      %get3A_130 = arith.constant 0 : index
      %get3A_131 = vector.load %arg1[%get3A_128, %get3A_129, %get3A_130] : memref<1733x8x128xf32, #tpu.memory_space<vmem>>, vector<1x8x128xf32>
      %get3A_132 = vector.shape_cast %get3A_131 : vector<1x8x128xf32> to vector<8x128xf32>
      %max3A_133 = arith.maximumf %max3A_111, %get3A_132 : vector<8x128xf32>
      %add3A_134 = arith.addf %add3A_112, %get3A_132 : vector<8x128xf32>
      %mul3A_135 = arith.constant 173 : i32
      %mul3A_136 = arith.muli %scan3A_86, %mul3A_135 : i32
      %add3A_137 = arith.constant 4 : i32
      %add3A_138 = arith.addi %mul3A_136, %add3A_137 : i32
      %get3A_139 = arith.index_cast %add3A_138 : i32 to index
      %get3A_140 = arith.constant 0 : index
      %get3A_141 = arith.constant 0 : index
      %get3A_142 = vector.load %arg1[%get3A_139, %get3A_140, %get3A_141] : memref<1733x8x128xf32, #tpu.memory_space<vmem>>, vector<1x8x128xf32>
      %get3A_143 = vector.shape_cast %get3A_142 : vector<1x8x128xf32> to vector<8x128xf32>
      %max3A_144 = arith.maximumf %max3A_122, %get3A_143 : vector<8x128xf32>
      %add3A_145 = arith.addf %add3A_123, %get3A_143 : vector<8x128xf32>
      %mul3A_146 = arith.constant 173 : i32
      %mul3A_147 = arith.muli %scan3A_86, %mul3A_146 : i32
      %add3A_148 = arith.constant 5 : i32
      %add3A_149 = arith.addi %mul3A_147, %add3A_148 : i32
      %get3A_150 = arith.index_cast %add3A_149 : i32 to index
      %get3A_151 = arith.constant 0 : index
      %get3A_152 = arith.constant 0 : index
      %get3A_153 = vector.load %arg1[%get3A_150, %get3A_151, %get3A_152] : memref<1733x8x128xf32, #tpu.memory_space<vmem>>, vector<1x8x128xf32>
      %get3A_154 = vector.shape_cast %get3A_153 : vector<1x8x128xf32> to vector<8x128xf32>
      %max3A_155 = arith.maximumf %max3A_133, %get3A_154 : vector<8x128xf32>
      %add3A_156 = arith.addf %add3A_134, %get3A_154 : vector<8x128xf32>
      %mul3A_157 = arith.constant 173 : i32
      %mul3A_158 = arith.muli %scan3A_86, %mul3A_157 : i32
      %add3A_159 = arith.constant 6 : i32
      %add3A_160 = arith.addi %mul3A_158, %add3A_159 : i32
      %get3A_161 = arith.index_cast %add3A_160 : i32 to index
      %get3A_162 = arith.constant 0 : index
      %get3A_163 = arith.constant 0 : index
      %get3A_164 = vector.load %arg1[%get3A_161, %get3A_162, %get3A_163] : memref<1733x8x128xf32, #tpu.memory_space<vmem>>, vector<1x8x128xf32>
      %get3A_165 = vector.shape_cast %get3A_164 : vector<1x8x128xf32> to vector<8x128xf32>
      %max3A_166 = arith.maximumf %max3A_144, %get3A_165 : vector<8x128xf32>
      %add3A_167 = arith.addf %add3A_145, %get3A_165 : vector<8x128xf32>
      %mul3A_168 = arith.constant 173 : i32
      %mul3A_169 = arith.muli %scan3A_86, %mul3A_168 : i32
      %add3A_170 = arith.constant 7 : i32
      %add3A_171 = arith.addi %mul3A_169, %add3A_170 : i32
      %get3A_172 = arith.index_cast %add3A_171 : i32 to index
      %get3A_173 = arith.constant 0 : index
      %get3A_174 = arith.constant 0 : index
      %get3A_175 = vector.load %arg1[%get3A_172, %get3A_173, %get3A_174] : memref<1733x8x128xf32, #tpu.memory_space<vmem>>, vector<1x8x128xf32>
      %get3A_176 = vector.shape_cast %get3A_175 : vector<1x8x128xf32> to vector<8x128xf32>
      %max3A_177 = arith.maximumf %max3A_155, %get3A_176 : vector<8x128xf32>
      %add3A_178 = arith.addf %add3A_156, %get3A_176 : vector<8x128xf32>
      %mul3A_179 = arith.constant 173 : i32
      %mul3A_180 = arith.muli %scan3A_86, %mul3A_179 : i32
      %add3A_181 = arith.constant 8 : i32
      %add3A_182 = arith.addi %mul3A_180, %add3A_181 : i32
      %get3A_183 = arith.index_cast %add3A_182 : i32 to index
      %get3A_184 = arith.constant 0 : index
      %get3A_185 = arith.constant 0 : index
      %get3A_186 = vector.load %arg1[%get3A_183, %get3A_184, %get3A_185] : memref<1733x8x128xf32, #tpu.memory_space<vmem>>, vector<1x8x128xf32>
      %get3A_187 = vector.shape_cast %get3A_186 : vector<1x8x128xf32> to vector<8x128xf32>
      %max3A_188 = arith.maximumf %max3A_166, %get3A_187 : vector<8x128xf32>
      %add3A_189 = arith.addf %add3A_167, %get3A_187 : vector<8x128xf32>
      %mul3A_190 = arith.constant 173 : i32
      %mul3A_191 = arith.muli %scan3A_86, %mul3A_190 : i32
      %add3A_192 = arith.constant 9 : i32
      %add3A_193 = arith.addi %mul3A_191, %add3A_192 : i32
      %get3A_194 = arith.index_cast %add3A_193 : i32 to index
      %get3A_195 = arith.constant 0 : index
      %get3A_196 = arith.constant 0 : index
      %get3A_197 = vector.load %arg1[%get3A_194, %get3A_195, %get3A_196] : memref<1733x8x128xf32, #tpu.memory_space<vmem>>, vector<1x8x128xf32>
      %get3A_198 = vector.shape_cast %get3A_197 : vector<1x8x128xf32> to vector<8x128xf32>
      %max3A_199 = arith.maximumf %max3A_177, %get3A_198 : vector<8x128xf32>
      %add3A_200 = arith.addf %add3A_178, %get3A_198 : vector<8x128xf32>
      %mul3A_201 = arith.constant 173 : i32
      %mul3A_202 = arith.muli %scan3A_86, %mul3A_201 : i32
      %add3A_203 = arith.constant 10 : i32
      %add3A_204 = arith.addi %mul3A_202, %add3A_203 : i32
      %get3A_205 = arith.index_cast %add3A_204 : i32 to index
      %get3A_206 = arith.constant 0 : index
      %get3A_207 = arith.constant 0 : index
      %get3A_208 = vector.load %arg1[%get3A_205, %get3A_206, %get3A_207] : memref<1733x8x128xf32, #tpu.memory_space<vmem>>, vector<1x8x128xf32>
      %get3A_209 = vector.shape_cast %get3A_208 : vector<1x8x128xf32> to vector<8x128xf32>
      %max3A_210 = arith.maximumf %max3A_188, %get3A_209 : vector<8x128xf32>
      %add3A_211 = arith.addf %add3A_189, %get3A_209 : vector<8x128xf32>
      %mul3A_212 = arith.constant 173 : i32
      %mul3A_213 = arith.muli %scan3A_86, %mul3A_212 : i32
      %add3A_214 = arith.constant 11 : i32
      %add3A_215 = arith.addi %mul3A_213, %add3A_214 : i32
      %get3A_216 = arith.index_cast %add3A_215 : i32 to index
      %get3A_217 = arith.constant 0 : index
      %get3A_218 = arith.constant 0 : index
      %get3A_219 = vector.load %arg1[%get3A_216, %get3A_217, %get3A_218] : memref<1733x8x128xf32, #tpu.memory_space<vmem>>, vector<1x8x128xf32>
      %get3A_220 = vector.shape_cast %get3A_219 : vector<1x8x128xf32> to vector<8x128xf32>
      %max3A_221 = arith.maximumf %max3A_199, %get3A_220 : vector<8x128xf32>
      %add3A_222 = arith.addf %add3A_200, %get3A_220 : vector<8x128xf32>
      %mul3A_223 = arith.constant 173 : i32
      %mul3A_224 = arith.muli %scan3A_86, %mul3A_223 : i32
      %add3A_225 = arith.constant 12 : i32
      %add3A_226 = arith.addi %mul3A_224, %add3A_225 : i32
      %get3A_227 = arith.index_cast %add3A_226 : i32 to index
      %get3A_228 = arith.constant 0 : index
      %get3A_229 = arith.constant 0 : index
      %get3A_230 = vector.load %arg1[%get3A_227, %get3A_228, %get3A_229] : memref<1733x8x128xf32, #tpu.memory_space<vmem>>, vector<1x8x128xf32>
      %get3A_231 = vector.shape_cast %get3A_230 : vector<1x8x128xf32> to vector<8x128xf32>
      %max3A_232 = arith.maximumf %max3A_210, %get3A_231 : vector<8x128xf32>
      %add3A_233 = arith.addf %add3A_211, %get3A_231 : vector<8x128xf32>
      %mul3A_234 = arith.constant 173 : i32
      %mul3A_235 = arith.muli %scan3A_86, %mul3A_234 : i32
      %add3A_236 = arith.constant 13 : i32
      %add3A_237 = arith.addi %mul3A_235, %add3A_236 : i32
      %get3A_238 = arith.index_cast %add3A_237 : i32 to index
      %get3A_239 = arith.constant 0 : index
      %get3A_240 = arith.constant 0 : index
      %get3A_241 = vector.load %arg1[%get3A_238, %get3A_239, %get3A_240] : memref<1733x8x128xf32, #tpu.memory_space<vmem>>, vector<1x8x128xf32>
      %get3A_242 = vector.shape_cast %get3A_241 : vector<1x8x128xf32> to vector<8x128xf32>
      %max3A_243 = arith.maximumf %max3A_221, %get3A_242 : vector<8x128xf32>
      %add3A_244 = arith.addf %add3A_222, %get3A_242 : vector<8x128xf32>
      %mul3A_245 = arith.constant 173 : i32
      %mul3A_246 = arith.muli %scan3A_86, %mul3A_245 : i32
      %add3A_247 = arith.constant 14 : i32
      %add3A_248 = arith.addi %mul3A_246, %add3A_247 : i32
      %get3A_249 = arith.index_cast %add3A_248 : i32 to index
      %get3A_250 = arith.constant 0 : index
      %get3A_251 = arith.constant 0 : index
      %get3A_252 = vector.load %arg1[%get3A_249, %get3A_250, %get3A_251] : memref<1733x8x128xf32, #tpu.memory_space<vmem>>, vector<1x8x128xf32>
      %get3A_253 = vector.shape_cast %get3A_252 : vector<1x8x128xf32> to vector<8x128xf32>
      %max3A_254 = arith.maximumf %max3A_232, %get3A_253 : vector<8x128xf32>
      %add3A_255 = arith.addf %add3A_233, %get3A_253 : vector<8x128xf32>
      %mul3A_256 = arith.constant 173 : i32
      %mul3A_257 = arith.muli %scan3A_86, %mul3A_256 : i32
      %add3A_258 = arith.constant 15 : i32
      %add3A_259 = arith.addi %mul3A_257, %add3A_258 : i32
      %get3A_260 = arith.index_cast %add3A_259 : i32 to index
      %get3A_261 = arith.constant 0 : index
      %get3A_262 = arith.constant 0 : index
      %get3A_263 = vector.load %arg1[%get3A_260, %get3A_261, %get3A_262] : memref<1733x8x128xf32, #tpu.memory_space<vmem>>, vector<1x8x128xf32>
      %get3A_264 = vector.shape_cast %get3A_263 : vector<1x8x128xf32> to vector<8x128xf32>
      %max3A_265 = arith.maximumf %max3A_243, %get3A_264 : vector<8x128xf32>
      %add3A_266 = arith.addf %add3A_244, %get3A_264 : vector<8x128xf32>
      %mul3A_267 = arith.constant 173 : i32
      %mul3A_268 = arith.muli %scan3A_86, %mul3A_267 : i32
      %add3A_269 = arith.constant 16 : i32
      %add3A_270 = arith.addi %mul3A_268, %add3A_269 : i32
      %get3A_271 = arith.index_cast %add3A_270 : i32 to index
      %get3A_272 = arith.constant 0 : index
      %get3A_273 = arith.constant 0 : index
      %get3A_274 = vector.load %arg1[%get3A_271, %get3A_272, %get3A_273] : memref<1733x8x128xf32, #tpu.memory_space<vmem>>, vector<1x8x128xf32>
      %get3A_275 = vector.shape_cast %get3A_274 : vector<1x8x128xf32> to vector<8x128xf32>
      %max3A_276 = arith.maximumf %max3A_254, %get3A_275 : vector<8x128xf32>
      %add3A_277 = arith.addf %add3A_255, %get3A_275 : vector<8x128xf32>
      %mul3A_278 = arith.constant 173 : i32
      %mul3A_279 = arith.muli %scan3A_86, %mul3A_278 : i32
      %add3A_280 = arith.constant 17 : i32
      %add3A_281 = arith.addi %mul3A_279, %add3A_280 : i32
      %get3A_282 = arith.index_cast %add3A_281 : i32 to index
      %get3A_283 = arith.constant 0 : index
      %get3A_284 = arith.constant 0 : index
      %get3A_285 = vector.load %arg1[%get3A_282, %get3A_283, %get3A_284] : memref<1733x8x128xf32, #tpu.memory_space<vmem>>, vector<1x8x128xf32>
      %get3A_286 = vector.shape_cast %get3A_285 : vector<1x8x128xf32> to vector<8x128xf32>
      %max3A_287 = arith.maximumf %max3A_265, %get3A_286 : vector<8x128xf32>
      %add3A_288 = arith.addf %add3A_266, %get3A_286 : vector<8x128xf32>
      %mul3A_289 = arith.constant 173 : i32
      %mul3A_290 = arith.muli %scan3A_86, %mul3A_289 : i32
      %add3A_291 = arith.constant 18 : i32
      %add3A_292 = arith.addi %mul3A_290, %add3A_291 : i32
      %get3A_293 = arith.index_cast %add3A_292 : i32 to index
      %get3A_294 = arith.constant 0 : index
      %get3A_295 = arith.constant 0 : index
      %get3A_296 = vector.load %arg1[%get3A_293, %get3A_294, %get3A_295] : memref<1733x8x128xf32, #tpu.memory_space<vmem>>, vector<1x8x128xf32>
      %get3A_297 = vector.shape_cast %get3A_296 : vector<1x8x128xf32> to vector<8x128xf32>
      %max3A_298 = arith.maximumf %max3A_276, %get3A_297 : vector<8x128xf32>
      %add3A_299 = arith.addf %add3A_277, %get3A_297 : vector<8x128xf32>
      %mul3A_300 = arith.constant 173 : i32
      %mul3A_301 = arith.muli %scan3A_86, %mul3A_300 : i32
      %add3A_302 = arith.constant 19 : i32
      %add3A_303 = arith.addi %mul3A_301, %add3A_302 : i32
      %get3A_304 = arith.index_cast %add3A_303 : i32 to index
      %get3A_305 = arith.constant 0 : index
      %get3A_306 = arith.constant 0 : index
      %get3A_307 = vector.load %arg1[%get3A_304, %get3A_305, %get3A_306] : memref<1733x8x128xf32, #tpu.memory_space<vmem>>, vector<1x8x128xf32>
      %get3A_308 = vector.shape_cast %get3A_307 : vector<1x8x128xf32> to vector<8x128xf32>
      %max3A_309 = arith.maximumf %max3A_287, %get3A_308 : vector<8x128xf32>
      %add3A_310 = arith.addf %add3A_288, %get3A_308 : vector<8x128xf32>
      %mul3A_311 = arith.constant 173 : i32
      %mul3A_312 = arith.muli %scan3A_86, %mul3A_311 : i32
      %add3A_313 = arith.constant 20 : i32
      %add3A_314 = arith.addi %mul3A_312, %add3A_313 : i32
      %get3A_315 = arith.index_cast %add3A_314 : i32 to index
      %get3A_316 = arith.constant 0 : index
      %get3A_317 = arith.constant 0 : index
      %get3A_318 = vector.load %arg1[%get3A_315, %get3A_316, %get3A_317] : memref<1733x8x128xf32, #tpu.memory_space<vmem>>, vector<1x8x128xf32>
      %get3A_319 = vector.shape_cast %get3A_318 : vector<1x8x128xf32> to vector<8x128xf32>
      %max3A_320 = arith.maximumf %max3A_298, %get3A_319 : vector<8x128xf32>
      %add3A_321 = arith.addf %add3A_299, %get3A_319 : vector<8x128xf32>
      %mul3A_322 = arith.constant 173 : i32
      %mul3A_323 = arith.muli %scan3A_86, %mul3A_322 : i32
      %add3A_324 = arith.constant 21 : i32
      %add3A_325 = arith.addi %mul3A_323, %add3A_324 : i32
      %get3A_326 = arith.index_cast %add3A_325 : i32 to index
      %get3A_327 = arith.constant 0 : index
      %get3A_328 = arith.constant 0 : index
      %get3A_329 = vector.load %arg1[%get3A_326, %get3A_327, %get3A_328] : memref<1733x8x128xf32, #tpu.memory_space<vmem>>, vector<1x8x128xf32>
      %get3A_330 = vector.shape_cast %get3A_329 : vector<1x8x128xf32> to vector<8x128xf32>
      %max3A_331 = arith.maximumf %max3A_309, %get3A_330 : vector<8x128xf32>
      %add3A_332 = arith.addf %add3A_310, %get3A_330 : vector<8x128xf32>
      %mul3A_333 = arith.constant 173 : i32
      %mul3A_334 = arith.muli %scan3A_86, %mul3A_333 : i32
      %add3A_335 = arith.constant 22 : i32
      %add3A_336 = arith.addi %mul3A_334, %add3A_335 : i32
      %get3A_337 = arith.index_cast %add3A_336 : i32 to index
      %get3A_338 = arith.constant 0 : index
      %get3A_339 = arith.constant 0 : index
      %get3A_340 = vector.load %arg1[%get3A_337, %get3A_338, %get3A_339] : memref<1733x8x128xf32, #tpu.memory_space<vmem>>, vector<1x8x128xf32>
      %get3A_341 = vector.shape_cast %get3A_340 : vector<1x8x128xf32> to vector<8x128xf32>
      %max3A_342 = arith.maximumf %max3A_320, %get3A_341 : vector<8x128xf32>
      %add3A_343 = arith.addf %add3A_321, %get3A_341 : vector<8x128xf32>
      %mul3A_344 = arith.constant 173 : i32
      %mul3A_345 = arith.muli %scan3A_86, %mul3A_344 : i32
      %add3A_346 = arith.constant 23 : i32
      %add3A_347 = arith.addi %mul3A_345, %add3A_346 : i32
      %get3A_348 = arith.index_cast %add3A_347 : i32 to index
      %get3A_349 = arith.constant 0 : index
      %get3A_350 = arith.constant 0 : index
      %get3A_351 = vector.load %arg1[%get3A_348, %get3A_349, %get3A_350] : memref<1733x8x128xf32, #tpu.memory_space<vmem>>, vector<1x8x128xf32>
      %get3A_352 = vector.shape_cast %get3A_351 : vector<1x8x128xf32> to vector<8x128xf32>
      %max3A_353 = arith.maximumf %max3A_331, %get3A_352 : vector<8x128xf32>
      %add3A_354 = arith.addf %add3A_332, %get3A_352 : vector<8x128xf32>
      %mul3A_355 = arith.constant 173 : i32
      %mul3A_356 = arith.muli %scan3A_86, %mul3A_355 : i32
      %add3A_357 = arith.constant 24 : i32
      %add3A_358 = arith.addi %mul3A_356, %add3A_357 : i32
      %get3A_359 = arith.index_cast %add3A_358 : i32 to index
      %get3A_360 = arith.constant 0 : index
      %get3A_361 = arith.constant 0 : index
      %get3A_362 = vector.load %arg1[%get3A_359, %get3A_360, %get3A_361] : memref<1733x8x128xf32, #tpu.memory_space<vmem>>, vector<1x8x128xf32>
      %get3A_363 = vector.shape_cast %get3A_362 : vector<1x8x128xf32> to vector<8x128xf32>
      %max3A_364 = arith.maximumf %max3A_342, %get3A_363 : vector<8x128xf32>
      %add3A_365 = arith.addf %add3A_343, %get3A_363 : vector<8x128xf32>
      %mul3A_366 = arith.constant 173 : i32
      %mul3A_367 = arith.muli %scan3A_86, %mul3A_366 : i32
      %add3A_368 = arith.constant 25 : i32
      %add3A_369 = arith.addi %mul3A_367, %add3A_368 : i32
      %get3A_370 = arith.index_cast %add3A_369 : i32 to index
      %get3A_371 = arith.constant 0 : index
      %get3A_372 = arith.constant 0 : index
      %get3A_373 = vector.load %arg1[%get3A_370, %get3A_371, %get3A_372] : memref<1733x8x128xf32, #tpu.memory_space<vmem>>, vector<1x8x128xf32>
      %get3A_374 = vector.shape_cast %get3A_373 : vector<1x8x128xf32> to vector<8x128xf32>
      %max3A_375 = arith.maximumf %max3A_353, %get3A_374 : vector<8x128xf32>
      %add3A_376 = arith.addf %add3A_354, %get3A_374 : vector<8x128xf32>
      %mul3A_377 = arith.constant 173 : i32
      %mul3A_378 = arith.muli %scan3A_86, %mul3A_377 : i32
      %add3A_379 = arith.constant 26 : i32
      %add3A_380 = arith.addi %mul3A_378, %add3A_379 : i32
      %get3A_381 = arith.index_cast %add3A_380 : i32 to index
      %get3A_382 = arith.constant 0 : index
      %get3A_383 = arith.constant 0 : index
      %get3A_384 = vector.load %arg1[%get3A_381, %get3A_382, %get3A_383] : memref<1733x8x128xf32, #tpu.memory_space<vmem>>, vector<1x8x128xf32>
      %get3A_385 = vector.shape_cast %get3A_384 : vector<1x8x128xf32> to vector<8x128xf32>
      %max3A_386 = arith.maximumf %max3A_364, %get3A_385 : vector<8x128xf32>
      %add3A_387 = arith.addf %add3A_365, %get3A_385 : vector<8x128xf32>
      %mul3A_388 = arith.constant 173 : i32
      %mul3A_389 = arith.muli %scan3A_86, %mul3A_388 : i32
      %add3A_390 = arith.constant 27 : i32
      %add3A_391 = arith.addi %mul3A_389, %add3A_390 : i32
      %get3A_392 = arith.index_cast %add3A_391 : i32 to index
      %get3A_393 = arith.constant 0 : index
      %get3A_394 = arith.constant 0 : index
      %get3A_395 = vector.load %arg1[%get3A_392, %get3A_393, %get3A_394] : memref<1733x8x128xf32, #tpu.memory_space<vmem>>, vector<1x8x128xf32>
      %get3A_396 = vector.shape_cast %get3A_395 : vector<1x8x128xf32> to vector<8x128xf32>
      %max3A_397 = arith.maximumf %max3A_375, %get3A_396 : vector<8x128xf32>
      %add3A_398 = arith.addf %add3A_376, %get3A_396 : vector<8x128xf32>
      %mul3A_399 = arith.constant 173 : i32
      %mul3A_400 = arith.muli %scan3A_86, %mul3A_399 : i32
      %add3A_401 = arith.constant 28 : i32
      %add3A_402 = arith.addi %mul3A_400, %add3A_401 : i32
      %get3A_403 = arith.index_cast %add3A_402 : i32 to index
      %get3A_404 = arith.constant 0 : index
      %get3A_405 = arith.constant 0 : index
      %get3A_406 = vector.load %arg1[%get3A_403, %get3A_404, %get3A_405] : memref<1733x8x128xf32, #tpu.memory_space<vmem>>, vector<1x8x128xf32>
      %get3A_407 = vector.shape_cast %get3A_406 : vector<1x8x128xf32> to vector<8x128xf32>
      %max3A_408 = arith.maximumf %max3A_386, %get3A_407 : vector<8x128xf32>
      %add3A_409 = arith.addf %add3A_387, %get3A_407 : vector<8x128xf32>
      %mul3A_410 = arith.constant 173 : i32
      %mul3A_411 = arith.muli %scan3A_86, %mul3A_410 : i32
      %add3A_412 = arith.constant 29 : i32
      %add3A_413 = arith.addi %mul3A_411, %add3A_412 : i32
      %get3A_414 = arith.index_cast %add3A_413 : i32 to index
      %get3A_415 = arith.constant 0 : index
      %get3A_416 = arith.constant 0 : index
      %get3A_417 = vector.load %arg1[%get3A_414, %get3A_415, %get3A_416] : memref<1733x8x128xf32, #tpu.memory_space<vmem>>, vector<1x8x128xf32>
      %get3A_418 = vector.shape_cast %get3A_417 : vector<1x8x128xf32> to vector<8x128xf32>
      %max3A_419 = arith.maximumf %max3A_397, %get3A_418 : vector<8x128xf32>
      %add3A_420 = arith.addf %add3A_398, %get3A_418 : vector<8x128xf32>
      %mul3A_421 = arith.constant 173 : i32
      %mul3A_422 = arith.muli %scan3A_86, %mul3A_421 : i32
      %add3A_423 = arith.constant 30 : i32
      %add3A_424 = arith.addi %mul3A_422, %add3A_423 : i32
      %get3A_425 = arith.index_cast %add3A_424 : i32 to index
      %get3A_426 = arith.constant 0 : index
      %get3A_427 = arith.constant 0 : index
      %get3A_428 = vector.load %arg1[%get3A_425, %get3A_426, %get3A_427] : memref<1733x8x128xf32, #tpu.memory_space<vmem>>, vector<1x8x128xf32>
      %get3A_429 = vector.shape_cast %get3A_428 : vector<1x8x128xf32> to vector<8x128xf32>
      %max3A_430 = arith.maximumf %max3A_408, %get3A_429 : vector<8x128xf32>
      %add3A_431 = arith.addf %add3A_409, %get3A_429 : vector<8x128xf32>
      %mul3A_432 = arith.constant 173 : i32
      %mul3A_433 = arith.muli %scan3A_86, %mul3A_432 : i32
      %add3A_434 = arith.constant 31 : i32
      %add3A_435 = arith.addi %mul3A_433, %add3A_434 : i32
      %get3A_436 = arith.index_cast %add3A_435 : i32 to index
      %get3A_437 = arith.constant 0 : index
      %get3A_438 = arith.constant 0 : index
      %get3A_439 = vector.load %arg1[%get3A_436, %get3A_437, %get3A_438] : memref<1733x8x128xf32, #tpu.memory_space<vmem>>, vector<1x8x128xf32>
      %get3A_440 = vector.shape_cast %get3A_439 : vector<1x8x128xf32> to vector<8x128xf32>
      %max3A_441 = arith.maximumf %max3A_419, %get3A_440 : vector<8x128xf32>
      %add3A_442 = arith.addf %add3A_420, %get3A_440 : vector<8x128xf32>
      %mul3A_443 = arith.constant 173 : i32
      %mul3A_444 = arith.muli %scan3A_86, %mul3A_443 : i32
      %add3A_445 = arith.constant 32 : i32
      %add3A_446 = arith.addi %mul3A_444, %add3A_445 : i32
      %get3A_447 = arith.index_cast %add3A_446 : i32 to index
      %get3A_448 = arith.constant 0 : index
      %get3A_449 = arith.constant 0 : index
      %get3A_450 = vector.load %arg1[%get3A_447, %get3A_448, %get3A_449] : memref<1733x8x128xf32, #tpu.memory_space<vmem>>, vector<1x8x128xf32>
      %get3A_451 = vector.shape_cast %get3A_450 : vector<1x8x128xf32> to vector<8x128xf32>
      %max3A_452 = arith.maximumf %max3A_430, %get3A_451 : vector<8x128xf32>
      %add3A_453 = arith.addf %add3A_431, %get3A_451 : vector<8x128xf32>
      %mul3A_454 = arith.constant 173 : i32
      %mul3A_455 = arith.muli %scan3A_86, %mul3A_454 : i32
      %add3A_456 = arith.constant 33 : i32
      %add3A_457 = arith.addi %mul3A_455, %add3A_456 : i32
      %get3A_458 = arith.index_cast %add3A_457 : i32 to index
      %get3A_459 = arith.constant 0 : index
      %get3A_460 = arith.constant 0 : index
      %get3A_461 = vector.load %arg1[%get3A_458, %get3A_459, %get3A_460] : memref<1733x8x128xf32, #tpu.memory_space<vmem>>, vector<1x8x128xf32>
      %get3A_462 = vector.shape_cast %get3A_461 : vector<1x8x128xf32> to vector<8x128xf32>
      %max3A_463 = arith.maximumf %max3A_441, %get3A_462 : vector<8x128xf32>
      %add3A_464 = arith.addf %add3A_442, %get3A_462 : vector<8x128xf32>
      %mul3A_465 = arith.constant 173 : i32
      %mul3A_466 = arith.muli %scan3A_86, %mul3A_465 : i32
      %add3A_467 = arith.constant 34 : i32
      %add3A_468 = arith.addi %mul3A_466, %add3A_467 : i32
      %get3A_469 = arith.index_cast %add3A_468 : i32 to index
      %get3A_470 = arith.constant 0 : index
      %get3A_471 = arith.constant 0 : index
      %get3A_472 = vector.load %arg1[%get3A_469, %get3A_470, %get3A_471] : memref<1733x8x128xf32, #tpu.memory_space<vmem>>, vector<1x8x128xf32>
      %get3A_473 = vector.shape_cast %get3A_472 : vector<1x8x128xf32> to vector<8x128xf32>
      %max3A_474 = arith.maximumf %max3A_452, %get3A_473 : vector<8x128xf32>
      %add3A_475 = arith.addf %add3A_453, %get3A_473 : vector<8x128xf32>
      %mul3A_476 = arith.constant 173 : i32
      %mul3A_477 = arith.muli %scan3A_86, %mul3A_476 : i32
      %add3A_478 = arith.constant 35 : i32
      %add3A_479 = arith.addi %mul3A_477, %add3A_478 : i32
      %get3A_480 = arith.index_cast %add3A_479 : i32 to index
      %get3A_481 = arith.constant 0 : index
      %get3A_482 = arith.constant 0 : index
      %get3A_483 = vector.load %arg1[%get3A_480, %get3A_481, %get3A_482] : memref<1733x8x128xf32, #tpu.memory_space<vmem>>, vector<1x8x128xf32>
      %get3A_484 = vector.shape_cast %get3A_483 : vector<1x8x128xf32> to vector<8x128xf32>
      %max3A_485 = arith.maximumf %max3A_463, %get3A_484 : vector<8x128xf32>
      %add3A_486 = arith.addf %add3A_464, %get3A_484 : vector<8x128xf32>
      %mul3A_487 = arith.constant 173 : i32
      %mul3A_488 = arith.muli %scan3A_86, %mul3A_487 : i32
      %add3A_489 = arith.constant 36 : i32
      %add3A_490 = arith.addi %mul3A_488, %add3A_489 : i32
      %get3A_491 = arith.index_cast %add3A_490 : i32 to index
      %get3A_492 = arith.constant 0 : index
      %get3A_493 = arith.constant 0 : index
      %get3A_494 = vector.load %arg1[%get3A_491, %get3A_492, %get3A_493] : memref<1733x8x128xf32, #tpu.memory_space<vmem>>, vector<1x8x128xf32>
      %get3A_495 = vector.shape_cast %get3A_494 : vector<1x8x128xf32> to vector<8x128xf32>
      %max3A_496 = arith.maximumf %max3A_474, %get3A_495 : vector<8x128xf32>
      %add3A_497 = arith.addf %add3A_475, %get3A_495 : vector<8x128xf32>
      %mul3A_498 = arith.constant 173 : i32
      %mul3A_499 = arith.muli %scan3A_86, %mul3A_498 : i32
      %add3A_500 = arith.constant 37 : i32
      %add3A_501 = arith.addi %mul3A_499, %add3A_500 : i32
      %get3A_502 = arith.index_cast %add3A_501 : i32 to index
      %get3A_503 = arith.constant 0 : index
      %get3A_504 = arith.constant 0 : index
      %get3A_505 = vector.load %arg1[%get3A_502, %get3A_503, %get3A_504] : memref<1733x8x128xf32, #tpu.memory_space<vmem>>, vector<1x8x128xf32>
      %get3A_506 = vector.shape_cast %get3A_505 : vector<1x8x128xf32> to vector<8x128xf32>
      %max3A_507 = arith.maximumf %max3A_485, %get3A_506 : vector<8x128xf32>
      %add3A_508 = arith.addf %add3A_486, %get3A_506 : vector<8x128xf32>
      %mul3A_509 = arith.constant 173 : i32
      %mul3A_510 = arith.muli %scan3A_86, %mul3A_509 : i32
      %add3A_511 = arith.constant 38 : i32
      %add3A_512 = arith.addi %mul3A_510, %add3A_511 : i32
      %get3A_513 = arith.index_cast %add3A_512 : i32 to index
      %get3A_514 = arith.constant 0 : index
      %get3A_515 = arith.constant 0 : index
      %get3A_516 = vector.load %arg1[%get3A_513, %get3A_514, %get3A_515] : memref<1733x8x128xf32, #tpu.memory_space<vmem>>, vector<1x8x128xf32>
      %get3A_517 = vector.shape_cast %get3A_516 : vector<1x8x128xf32> to vector<8x128xf32>
      %max3A_518 = arith.maximumf %max3A_496, %get3A_517 : vector<8x128xf32>
      %add3A_519 = arith.addf %add3A_497, %get3A_517 : vector<8x128xf32>
      %mul3A_520 = arith.constant 173 : i32
      %mul3A_521 = arith.muli %scan3A_86, %mul3A_520 : i32
      %add3A_522 = arith.constant 39 : i32
      %add3A_523 = arith.addi %mul3A_521, %add3A_522 : i32
      %get3A_524 = arith.index_cast %add3A_523 : i32 to index
      %get3A_525 = arith.constant 0 : index
      %get3A_526 = arith.constant 0 : index
      %get3A_527 = vector.load %arg1[%get3A_524, %get3A_525, %get3A_526] : memref<1733x8x128xf32, #tpu.memory_space<vmem>>, vector<1x8x128xf32>
      %get3A_528 = vector.shape_cast %get3A_527 : vector<1x8x128xf32> to vector<8x128xf32>
      %max3A_529 = arith.maximumf %max3A_507, %get3A_528 : vector<8x128xf32>
      %add3A_530 = arith.addf %add3A_508, %get3A_528 : vector<8x128xf32>
      %mul3A_531 = arith.constant 173 : i32
      %mul3A_532 = arith.muli %scan3A_86, %mul3A_531 : i32
      %add3A_533 = arith.constant 40 : i32
      %add3A_534 = arith.addi %mul3A_532, %add3A_533 : i32
      %get3A_535 = arith.index_cast %add3A_534 : i32 to index
      %get3A_536 = arith.constant 0 : index
      %get3A_537 = arith.constant 0 : index
      %get3A_538 = vector.load %arg1[%get3A_535, %get3A_536, %get3A_537] : memref<1733x8x128xf32, #tpu.memory_space<vmem>>, vector<1x8x128xf32>
      %get3A_539 = vector.shape_cast %get3A_538 : vector<1x8x128xf32> to vector<8x128xf32>
      %max3A_540 = arith.maximumf %max3A_518, %get3A_539 : vector<8x128xf32>
      %add3A_541 = arith.addf %add3A_519, %get3A_539 : vector<8x128xf32>
      %mul3A_542 = arith.constant 173 : i32
      %mul3A_543 = arith.muli %scan3A_86, %mul3A_542 : i32
      %add3A_544 = arith.constant 41 : i32
      %add3A_545 = arith.addi %mul3A_543, %add3A_544 : i32
      %get3A_546 = arith.index_cast %add3A_545 : i32 to index
      %get3A_547 = arith.constant 0 : index
      %get3A_548 = arith.constant 0 : index
      %get3A_549 = vector.load %arg1[%get3A_546, %get3A_547, %get3A_548] : memref<1733x8x128xf32, #tpu.memory_space<vmem>>, vector<1x8x128xf32>
      %get3A_550 = vector.shape_cast %get3A_549 : vector<1x8x128xf32> to vector<8x128xf32>
      %max3A_551 = arith.maximumf %max3A_529, %get3A_550 : vector<8x128xf32>
      %add3A_552 = arith.addf %add3A_530, %get3A_550 : vector<8x128xf32>
      %mul3A_553 = arith.constant 173 : i32
      %mul3A_554 = arith.muli %scan3A_86, %mul3A_553 : i32
      %add3A_555 = arith.constant 42 : i32
      %add3A_556 = arith.addi %mul3A_554, %add3A_555 : i32
      %get3A_557 = arith.index_cast %add3A_556 : i32 to index
      %get3A_558 = arith.constant 0 : index
      %get3A_559 = arith.constant 0 : index
      %get3A_560 = vector.load %arg1[%get3A_557, %get3A_558, %get3A_559] : memref<1733x8x128xf32, #tpu.memory_space<vmem>>, vector<1x8x128xf32>
      %get3A_561 = vector.shape_cast %get3A_560 : vector<1x8x128xf32> to vector<8x128xf32>
      %max3A_562 = arith.maximumf %max3A_540, %get3A_561 : vector<8x128xf32>
      %add3A_563 = arith.addf %add3A_541, %get3A_561 : vector<8x128xf32>
      %mul3A_564 = arith.constant 173 : i32
      %mul3A_565 = arith.muli %scan3A_86, %mul3A_564 : i32
      %add3A_566 = arith.constant 43 : i32
      %add3A_567 = arith.addi %mul3A_565, %add3A_566 : i32
      %get3A_568 = arith.index_cast %add3A_567 : i32 to index
      %get3A_569 = arith.constant 0 : index
      %get3A_570 = arith.constant 0 : index
      %get3A_571 = vector.load %arg1[%get3A_568, %get3A_569, %get3A_570] : memref<1733x8x128xf32, #tpu.memory_space<vmem>>, vector<1x8x128xf32>
      %get3A_572 = vector.shape_cast %get3A_571 : vector<1x8x128xf32> to vector<8x128xf32>
      %max3A_573 = arith.maximumf %max3A_551, %get3A_572 : vector<8x128xf32>
      %add3A_574 = arith.addf %add3A_552, %get3A_572 : vector<8x128xf32>
      %mul3A_575 = arith.constant 173 : i32
      %mul3A_576 = arith.muli %scan3A_86, %mul3A_575 : i32
      %add3A_577 = arith.constant 44 : i32
      %add3A_578 = arith.addi %mul3A_576, %add3A_577 : i32
      %get3A_579 = arith.index_cast %add3A_578 : i32 to index
      %get3A_580 = arith.constant 0 : index
      %get3A_581 = arith.constant 0 : index
      %get3A_582 = vector.load %arg1[%get3A_579, %get3A_580, %get3A_581] : memref<1733x8x128xf32, #tpu.memory_space<vmem>>, vector<1x8x128xf32>
      %get3A_583 = vector.shape_cast %get3A_582 : vector<1x8x128xf32> to vector<8x128xf32>
      %max3A_584 = arith.maximumf %max3A_562, %get3A_583 : vector<8x128xf32>
      %add3A_585 = arith.addf %add3A_563, %get3A_583 : vector<8x128xf32>
      %mul3A_586 = arith.constant 173 : i32
      %mul3A_587 = arith.muli %scan3A_86, %mul3A_586 : i32
      %add3A_588 = arith.constant 45 : i32
      %add3A_589 = arith.addi %mul3A_587, %add3A_588 : i32
      %get3A_590 = arith.index_cast %add3A_589 : i32 to index
      %get3A_591 = arith.constant 0 : index
      %get3A_592 = arith.constant 0 : index
      %get3A_593 = vector.load %arg1[%get3A_590, %get3A_591, %get3A_592] : memref<1733x8x128xf32, #tpu.memory_space<vmem>>, vector<1x8x128xf32>
      %get3A_594 = vector.shape_cast %get3A_593 : vector<1x8x128xf32> to vector<8x128xf32>
      %max3A_595 = arith.maximumf %max3A_573, %get3A_594 : vector<8x128xf32>
      %add3A_596 = arith.addf %add3A_574, %get3A_594 : vector<8x128xf32>
      %mul3A_597 = arith.constant 173 : i32
      %mul3A_598 = arith.muli %scan3A_86, %mul3A_597 : i32
      %add3A_599 = arith.constant 46 : i32
      %add3A_600 = arith.addi %mul3A_598, %add3A_599 : i32
      %get3A_601 = arith.index_cast %add3A_600 : i32 to index
      %get3A_602 = arith.constant 0 : index
      %get3A_603 = arith.constant 0 : index
      %get3A_604 = vector.load %arg1[%get3A_601, %get3A_602, %get3A_603] : memref<1733x8x128xf32, #tpu.memory_space<vmem>>, vector<1x8x128xf32>
      %get3A_605 = vector.shape_cast %get3A_604 : vector<1x8x128xf32> to vector<8x128xf32>
      %max3A_606 = arith.maximumf %max3A_584, %get3A_605 : vector<8x128xf32>
      %add3A_607 = arith.addf %add3A_585, %get3A_605 : vector<8x128xf32>
      %mul3A_608 = arith.constant 173 : i32
      %mul3A_609 = arith.muli %scan3A_86, %mul3A_608 : i32
      %add3A_610 = arith.constant 47 : i32
      %add3A_611 = arith.addi %mul3A_609, %add3A_610 : i32
      %get3A_612 = arith.index_cast %add3A_611 : i32 to index
      %get3A_613 = arith.constant 0 : index
      %get3A_614 = arith.constant 0 : index
      %get3A_615 = vector.load %arg1[%get3A_612, %get3A_613, %get3A_614] : memref<1733x8x128xf32, #tpu.memory_space<vmem>>, vector<1x8x128xf32>
      %get3A_616 = vector.shape_cast %get3A_615 : vector<1x8x128xf32> to vector<8x128xf32>
      %max3A_617 = arith.maximumf %max3A_595, %get3A_616 : vector<8x128xf32>
      %add3A_618 = arith.addf %add3A_596, %get3A_616 : vector<8x128xf32>
      %mul3A_619 = arith.constant 173 : i32
      %mul3A_620 = arith.muli %scan3A_86, %mul3A_619 : i32
      %add3A_621 = arith.constant 48 : i32
      %add3A_622 = arith.addi %mul3A_620, %add3A_621 : i32
      %get3A_623 = arith.index_cast %add3A_622 : i32 to index
      %get3A_624 = arith.constant 0 : index
      %get3A_625 = arith.constant 0 : index
      %get3A_626 = vector.load %arg1[%get3A_623, %get3A_624, %get3A_625] : memref<1733x8x128xf32, #tpu.memory_space<vmem>>, vector<1x8x128xf32>
      %get3A_627 = vector.shape_cast %get3A_626 : vector<1x8x128xf32> to vector<8x128xf32>
      %max3A_628 = arith.maximumf %max3A_606, %get3A_627 : vector<8x128xf32>
      %add3A_629 = arith.addf %add3A_607, %get3A_627 : vector<8x128xf32>
      %mul3A_630 = arith.constant 173 : i32
      %mul3A_631 = arith.muli %scan3A_86, %mul3A_630 : i32
      %add3A_632 = arith.constant 49 : i32
      %add3A_633 = arith.addi %mul3A_631, %add3A_632 : i32
      %get3A_634 = arith.index_cast %add3A_633 : i32 to index
      %get3A_635 = arith.constant 0 : index
      %get3A_636 = arith.constant 0 : index
      %get3A_637 = vector.load %arg1[%get3A_634, %get3A_635, %get3A_636] : memref<1733x8x128xf32, #tpu.memory_space<vmem>>, vector<1x8x128xf32>
      %get3A_638 = vector.shape_cast %get3A_637 : vector<1x8x128xf32> to vector<8x128xf32>
      %max3A_639 = arith.maximumf %max3A_617, %get3A_638 : vector<8x128xf32>
      %add3A_640 = arith.addf %add3A_618, %get3A_638 : vector<8x128xf32>
      %mul3A_641 = arith.constant 173 : i32
      %mul3A_642 = arith.muli %scan3A_86, %mul3A_641 : i32
      %add3A_643 = arith.constant 50 : i32
      %add3A_644 = arith.addi %mul3A_642, %add3A_643 : i32
      %get3A_645 = arith.index_cast %add3A_644 : i32 to index
      %get3A_646 = arith.constant 0 : index
      %get3A_647 = arith.constant 0 : index
      %get3A_648 = vector.load %arg1[%get3A_645, %get3A_646, %get3A_647] : memref<1733x8x128xf32, #tpu.memory_space<vmem>>, vector<1x8x128xf32>
      %get3A_649 = vector.shape_cast %get3A_648 : vector<1x8x128xf32> to vector<8x128xf32>
      %max3A_650 = arith.maximumf %max3A_628, %get3A_649 : vector<8x128xf32>
      %add3A_651 = arith.addf %add3A_629, %get3A_649 : vector<8x128xf32>
      %mul3A_652 = arith.constant 173 : i32
      %mul3A_653 = arith.muli %scan3A_86, %mul3A_652 : i32
      %add3A_654 = arith.constant 51 : i32
      %add3A_655 = arith.addi %mul3A_653, %add3A_654 : i32
      %get3A_656 = arith.index_cast %add3A_655 : i32 to index
      %get3A_657 = arith.constant 0 : index
      %get3A_658 = arith.constant 0 : index
      %get3A_659 = vector.load %arg1[%get3A_656, %get3A_657, %get3A_658] : memref<1733x8x128xf32, #tpu.memory_space<vmem>>, vector<1x8x128xf32>
      %get3A_660 = vector.shape_cast %get3A_659 : vector<1x8x128xf32> to vector<8x128xf32>
      %max3A_661 = arith.maximumf %max3A_639, %get3A_660 : vector<8x128xf32>
      %add3A_662 = arith.addf %add3A_640, %get3A_660 : vector<8x128xf32>
      %mul3A_663 = arith.constant 173 : i32
      %mul3A_664 = arith.muli %scan3A_86, %mul3A_663 : i32
      %add3A_665 = arith.constant 52 : i32
      %add3A_666 = arith.addi %mul3A_664, %add3A_665 : i32
      %get3A_667 = arith.index_cast %add3A_666 : i32 to index
      %get3A_668 = arith.constant 0 : index
      %get3A_669 = arith.constant 0 : index
      %get3A_670 = vector.load %arg1[%get3A_667, %get3A_668, %get3A_669] : memref<1733x8x128xf32, #tpu.memory_space<vmem>>, vector<1x8x128xf32>
      %get3A_671 = vector.shape_cast %get3A_670 : vector<1x8x128xf32> to vector<8x128xf32>
      %max3A_672 = arith.maximumf %max3A_650, %get3A_671 : vector<8x128xf32>
      %add3A_673 = arith.addf %add3A_651, %get3A_671 : vector<8x128xf32>
      %mul3A_674 = arith.constant 173 : i32
      %mul3A_675 = arith.muli %scan3A_86, %mul3A_674 : i32
      %add3A_676 = arith.constant 53 : i32
      %add3A_677 = arith.addi %mul3A_675, %add3A_676 : i32
      %get3A_678 = arith.index_cast %add3A_677 : i32 to index
      %get3A_679 = arith.constant 0 : index
      %get3A_680 = arith.constant 0 : index
      %get3A_681 = vector.load %arg1[%get3A_678, %get3A_679, %get3A_680] : memref<1733x8x128xf32, #tpu.memory_space<vmem>>, vector<1x8x128xf32>
      %get3A_682 = vector.shape_cast %get3A_681 : vector<1x8x128xf32> to vector<8x128xf32>
      %max3A_683 = arith.maximumf %max3A_661, %get3A_682 : vector<8x128xf32>
      %add3A_684 = arith.addf %add3A_662, %get3A_682 : vector<8x128xf32>
      %mul3A_685 = arith.constant 173 : i32
      %mul3A_686 = arith.muli %scan3A_86, %mul3A_685 : i32
      %add3A_687 = arith.constant 54 : i32
      %add3A_688 = arith.addi %mul3A_686, %add3A_687 : i32
      %get3A_689 = arith.index_cast %add3A_688 : i32 to index
      %get3A_690 = arith.constant 0 : index
      %get3A_691 = arith.constant 0 : index
      %get3A_692 = vector.load %arg1[%get3A_689, %get3A_690, %get3A_691] : memref<1733x8x128xf32, #tpu.memory_space<vmem>>, vector<1x8x128xf32>
      %get3A_693 = vector.shape_cast %get3A_692 : vector<1x8x128xf32> to vector<8x128xf32>
      %max3A_694 = arith.maximumf %max3A_672, %get3A_693 : vector<8x128xf32>
      %add3A_695 = arith.addf %add3A_673, %get3A_693 : vector<8x128xf32>
      %mul3A_696 = arith.constant 173 : i32
      %mul3A_697 = arith.muli %scan3A_86, %mul3A_696 : i32
      %add3A_698 = arith.constant 55 : i32
      %add3A_699 = arith.addi %mul3A_697, %add3A_698 : i32
      %get3A_700 = arith.index_cast %add3A_699 : i32 to index
      %get3A_701 = arith.constant 0 : index
      %get3A_702 = arith.constant 0 : index
      %get3A_703 = vector.load %arg1[%get3A_700, %get3A_701, %get3A_702] : memref<1733x8x128xf32, #tpu.memory_space<vmem>>, vector<1x8x128xf32>
      %get3A_704 = vector.shape_cast %get3A_703 : vector<1x8x128xf32> to vector<8x128xf32>
      %max3A_705 = arith.maximumf %max3A_683, %get3A_704 : vector<8x128xf32>
      %add3A_706 = arith.addf %add3A_684, %get3A_704 : vector<8x128xf32>
      %mul3A_707 = arith.constant 173 : i32
      %mul3A_708 = arith.muli %scan3A_86, %mul3A_707 : i32
      %add3A_709 = arith.constant 56 : i32
      %add3A_710 = arith.addi %mul3A_708, %add3A_709 : i32
      %get3A_711 = arith.index_cast %add3A_710 : i32 to index
      %get3A_712 = arith.constant 0 : index
      %get3A_713 = arith.constant 0 : index
      %get3A_714 = vector.load %arg1[%get3A_711, %get3A_712, %get3A_713] : memref<1733x8x128xf32, #tpu.memory_space<vmem>>, vector<1x8x128xf32>
      %get3A_715 = vector.shape_cast %get3A_714 : vector<1x8x128xf32> to vector<8x128xf32>
      %max3A_716 = arith.maximumf %max3A_694, %get3A_715 : vector<8x128xf32>
      %add3A_717 = arith.addf %add3A_695, %get3A_715 : vector<8x128xf32>
      %mul3A_718 = arith.constant 173 : i32
      %mul3A_719 = arith.muli %scan3A_86, %mul3A_718 : i32
      %add3A_720 = arith.constant 57 : i32
      %add3A_721 = arith.addi %mul3A_719, %add3A_720 : i32
      %get3A_722 = arith.index_cast %add3A_721 : i32 to index
      %get3A_723 = arith.constant 0 : index
      %get3A_724 = arith.constant 0 : index
      %get3A_725 = vector.load %arg1[%get3A_722, %get3A_723, %get3A_724] : memref<1733x8x128xf32, #tpu.memory_space<vmem>>, vector<1x8x128xf32>
      %get3A_726 = vector.shape_cast %get3A_725 : vector<1x8x128xf32> to vector<8x128xf32>
      %max3A_727 = arith.maximumf %max3A_705, %get3A_726 : vector<8x128xf32>
      %add3A_728 = arith.addf %add3A_706, %get3A_726 : vector<8x128xf32>
      %mul3A_729 = arith.constant 173 : i32
      %mul3A_730 = arith.muli %scan3A_86, %mul3A_729 : i32
      %add3A_731 = arith.constant 58 : i32
      %add3A_732 = arith.addi %mul3A_730, %add3A_731 : i32
      %get3A_733 = arith.index_cast %add3A_732 : i32 to index
      %get3A_734 = arith.constant 0 : index
      %get3A_735 = arith.constant 0 : index
      %get3A_736 = vector.load %arg1[%get3A_733, %get3A_734, %get3A_735] : memref<1733x8x128xf32, #tpu.memory_space<vmem>>, vector<1x8x128xf32>
      %get3A_737 = vector.shape_cast %get3A_736 : vector<1x8x128xf32> to vector<8x128xf32>
      %max3A_738 = arith.maximumf %max3A_716, %get3A_737 : vector<8x128xf32>
      %add3A_739 = arith.addf %add3A_717, %get3A_737 : vector<8x128xf32>
      %mul3A_740 = arith.constant 173 : i32
      %mul3A_741 = arith.muli %scan3A_86, %mul3A_740 : i32
      %add3A_742 = arith.constant 59 : i32
      %add3A_743 = arith.addi %mul3A_741, %add3A_742 : i32
      %get3A_744 = arith.index_cast %add3A_743 : i32 to index
      %get3A_745 = arith.constant 0 : index
      %get3A_746 = arith.constant 0 : index
      %get3A_747 = vector.load %arg1[%get3A_744, %get3A_745, %get3A_746] : memref<1733x8x128xf32, #tpu.memory_space<vmem>>, vector<1x8x128xf32>
      %get3A_748 = vector.shape_cast %get3A_747 : vector<1x8x128xf32> to vector<8x128xf32>
      %max3A_749 = arith.maximumf %max3A_727, %get3A_748 : vector<8x128xf32>
      %add3A_750 = arith.addf %add3A_728, %get3A_748 : vector<8x128xf32>
      %mul3A_751 = arith.constant 173 : i32
      %mul3A_752 = arith.muli %scan3A_86, %mul3A_751 : i32
      %add3A_753 = arith.constant 60 : i32
      %add3A_754 = arith.addi %mul3A_752, %add3A_753 : i32
      %get3A_755 = arith.index_cast %add3A_754 : i32 to index
      %get3A_756 = arith.constant 0 : index
      %get3A_757 = arith.constant 0 : index
      %get3A_758 = vector.load %arg1[%get3A_755, %get3A_756, %get3A_757] : memref<1733x8x128xf32, #tpu.memory_space<vmem>>, vector<1x8x128xf32>
      %get3A_759 = vector.shape_cast %get3A_758 : vector<1x8x128xf32> to vector<8x128xf32>
      %max3A_760 = arith.maximumf %max3A_738, %get3A_759 : vector<8x128xf32>
      %add3A_761 = arith.addf %add3A_739, %get3A_759 : vector<8x128xf32>
      %mul3A_762 = arith.constant 173 : i32
      %mul3A_763 = arith.muli %scan3A_86, %mul3A_762 : i32
      %add3A_764 = arith.constant 61 : i32
      %add3A_765 = arith.addi %mul3A_763, %add3A_764 : i32
      %get3A_766 = arith.index_cast %add3A_765 : i32 to index
      %get3A_767 = arith.constant 0 : index
      %get3A_768 = arith.constant 0 : index
      %get3A_769 = vector.load %arg1[%get3A_766, %get3A_767, %get3A_768] : memref<1733x8x128xf32, #tpu.memory_space<vmem>>, vector<1x8x128xf32>
      %get3A_770 = vector.shape_cast %get3A_769 : vector<1x8x128xf32> to vector<8x128xf32>
      %max3A_771 = arith.maximumf %max3A_749, %get3A_770 : vector<8x128xf32>
      %add3A_772 = arith.addf %add3A_750, %get3A_770 : vector<8x128xf32>
      %mul3A_773 = arith.constant 173 : i32
      %mul3A_774 = arith.muli %scan3A_86, %mul3A_773 : i32
      %add3A_775 = arith.constant 62 : i32
      %add3A_776 = arith.addi %mul3A_774, %add3A_775 : i32
      %get3A_777 = arith.index_cast %add3A_776 : i32 to index
      %get3A_778 = arith.constant 0 : index
      %get3A_779 = arith.constant 0 : index
      %get3A_780 = vector.load %arg1[%get3A_777, %get3A_778, %get3A_779] : memref<1733x8x128xf32, #tpu.memory_space<vmem>>, vector<1x8x128xf32>
      %get3A_781 = vector.shape_cast %get3A_780 : vector<1x8x128xf32> to vector<8x128xf32>
      %max3A_782 = arith.maximumf %max3A_760, %get3A_781 : vector<8x128xf32>
      %add3A_783 = arith.addf %add3A_761, %get3A_781 : vector<8x128xf32>
      %mul3A_784 = arith.constant 173 : i32
      %mul3A_785 = arith.muli %scan3A_86, %mul3A_784 : i32
      %add3A_786 = arith.constant 63 : i32
      %add3A_787 = arith.addi %mul3A_785, %add3A_786 : i32
      %get3A_788 = arith.index_cast %add3A_787 : i32 to index
      %get3A_789 = arith.constant 0 : index
      %get3A_790 = arith.constant 0 : index
      %get3A_791 = vector.load %arg1[%get3A_788, %get3A_789, %get3A_790] : memref<1733x8x128xf32, #tpu.memory_space<vmem>>, vector<1x8x128xf32>
      %get3A_792 = vector.shape_cast %get3A_791 : vector<1x8x128xf32> to vector<8x128xf32>
      %max3A_793 = arith.maximumf %max3A_771, %get3A_792 : vector<8x128xf32>
      %add3A_794 = arith.addf %add3A_772, %get3A_792 : vector<8x128xf32>
      %mul3A_795 = arith.constant 173 : i32
      %mul3A_796 = arith.muli %scan3A_86, %mul3A_795 : i32
      %add3A_797 = arith.constant 64 : i32
      %add3A_798 = arith.addi %mul3A_796, %add3A_797 : i32
      %get3A_799 = arith.index_cast %add3A_798 : i32 to index
      %get3A_800 = arith.constant 0 : index
      %get3A_801 = arith.constant 0 : index
      %get3A_802 = vector.load %arg1[%get3A_799, %get3A_800, %get3A_801] : memref<1733x8x128xf32, #tpu.memory_space<vmem>>, vector<1x8x128xf32>
      %get3A_803 = vector.shape_cast %get3A_802 : vector<1x8x128xf32> to vector<8x128xf32>
      %max3A_804 = arith.maximumf %max3A_782, %get3A_803 : vector<8x128xf32>
      %add3A_805 = arith.addf %add3A_783, %get3A_803 : vector<8x128xf32>
      %mul3A_806 = arith.constant 173 : i32
      %mul3A_807 = arith.muli %scan3A_86, %mul3A_806 : i32
      %add3A_808 = arith.constant 65 : i32
      %add3A_809 = arith.addi %mul3A_807, %add3A_808 : i32
      %get3A_810 = arith.index_cast %add3A_809 : i32 to index
      %get3A_811 = arith.constant 0 : index
      %get3A_812 = arith.constant 0 : index
      %get3A_813 = vector.load %arg1[%get3A_810, %get3A_811, %get3A_812] : memref<1733x8x128xf32, #tpu.memory_space<vmem>>, vector<1x8x128xf32>
      %get3A_814 = vector.shape_cast %get3A_813 : vector<1x8x128xf32> to vector<8x128xf32>
      %max3A_815 = arith.maximumf %max3A_793, %get3A_814 : vector<8x128xf32>
      %add3A_816 = arith.addf %add3A_794, %get3A_814 : vector<8x128xf32>
      %mul3A_817 = arith.constant 173 : i32
      %mul3A_818 = arith.muli %scan3A_86, %mul3A_817 : i32
      %add3A_819 = arith.constant 66 : i32
      %add3A_820 = arith.addi %mul3A_818, %add3A_819 : i32
      %get3A_821 = arith.index_cast %add3A_820 : i32 to index
      %get3A_822 = arith.constant 0 : index
      %get3A_823 = arith.constant 0 : index
      %get3A_824 = vector.load %arg1[%get3A_821, %get3A_822, %get3A_823] : memref<1733x8x128xf32, #tpu.memory_space<vmem>>, vector<1x8x128xf32>
      %get3A_825 = vector.shape_cast %get3A_824 : vector<1x8x128xf32> to vector<8x128xf32>
      %max3A_826 = arith.maximumf %max3A_804, %get3A_825 : vector<8x128xf32>
      %add3A_827 = arith.addf %add3A_805, %get3A_825 : vector<8x128xf32>
      %mul3A_828 = arith.constant 173 : i32
      %mul3A_829 = arith.muli %scan3A_86, %mul3A_828 : i32
      %add3A_830 = arith.constant 67 : i32
      %add3A_831 = arith.addi %mul3A_829, %add3A_830 : i32
      %get3A_832 = arith.index_cast %add3A_831 : i32 to index
      %get3A_833 = arith.constant 0 : index
      %get3A_834 = arith.constant 0 : index
      %get3A_835 = vector.load %arg1[%get3A_832, %get3A_833, %get3A_834] : memref<1733x8x128xf32, #tpu.memory_space<vmem>>, vector<1x8x128xf32>
      %get3A_836 = vector.shape_cast %get3A_835 : vector<1x8x128xf32> to vector<8x128xf32>
      %max3A_837 = arith.maximumf %max3A_815, %get3A_836 : vector<8x128xf32>
      %add3A_838 = arith.addf %add3A_816, %get3A_836 : vector<8x128xf32>
      %mul3A_839 = arith.constant 173 : i32
      %mul3A_840 = arith.muli %scan3A_86, %mul3A_839 : i32
      %add3A_841 = arith.constant 68 : i32
      %add3A_842 = arith.addi %mul3A_840, %add3A_841 : i32
      %get3A_843 = arith.index_cast %add3A_842 : i32 to index
      %get3A_844 = arith.constant 0 : index
      %get3A_845 = arith.constant 0 : index
      %get3A_846 = vector.load %arg1[%get3A_843, %get3A_844, %get3A_845] : memref<1733x8x128xf32, #tpu.memory_space<vmem>>, vector<1x8x128xf32>
      %get3A_847 = vector.shape_cast %get3A_846 : vector<1x8x128xf32> to vector<8x128xf32>
      %max3A_848 = arith.maximumf %max3A_826, %get3A_847 : vector<8x128xf32>
      %add3A_849 = arith.addf %add3A_827, %get3A_847 : vector<8x128xf32>
      %mul3A_850 = arith.constant 173 : i32
      %mul3A_851 = arith.muli %scan3A_86, %mul3A_850 : i32
      %add3A_852 = arith.constant 69 : i32
      %add3A_853 = arith.addi %mul3A_851, %add3A_852 : i32
      %get3A_854 = arith.index_cast %add3A_853 : i32 to index
      %get3A_855 = arith.constant 0 : index
      %get3A_856 = arith.constant 0 : index
      %get3A_857 = vector.load %arg1[%get3A_854, %get3A_855, %get3A_856] : memref<1733x8x128xf32, #tpu.memory_space<vmem>>, vector<1x8x128xf32>
      %get3A_858 = vector.shape_cast %get3A_857 : vector<1x8x128xf32> to vector<8x128xf32>
      %max3A_859 = arith.maximumf %max3A_837, %get3A_858 : vector<8x128xf32>
      %add3A_860 = arith.addf %add3A_838, %get3A_858 : vector<8x128xf32>
      %mul3A_861 = arith.constant 173 : i32
      %mul3A_862 = arith.muli %scan3A_86, %mul3A_861 : i32
      %add3A_863 = arith.constant 70 : i32
      %add3A_864 = arith.addi %mul3A_862, %add3A_863 : i32
      %get3A_865 = arith.index_cast %add3A_864 : i32 to index
      %get3A_866 = arith.constant 0 : index
      %get3A_867 = arith.constant 0 : index
      %get3A_868 = vector.load %arg1[%get3A_865, %get3A_866, %get3A_867] : memref<1733x8x128xf32, #tpu.memory_space<vmem>>, vector<1x8x128xf32>
      %get3A_869 = vector.shape_cast %get3A_868 : vector<1x8x128xf32> to vector<8x128xf32>
      %max3A_870 = arith.maximumf %max3A_848, %get3A_869 : vector<8x128xf32>
      %add3A_871 = arith.addf %add3A_849, %get3A_869 : vector<8x128xf32>
      %mul3A_872 = arith.constant 173 : i32
      %mul3A_873 = arith.muli %scan3A_86, %mul3A_872 : i32
      %add3A_874 = arith.constant 71 : i32
      %add3A_875 = arith.addi %mul3A_873, %add3A_874 : i32
      %get3A_876 = arith.index_cast %add3A_875 : i32 to index
      %get3A_877 = arith.constant 0 : index
      %get3A_878 = arith.constant 0 : index
      %get3A_879 = vector.load %arg1[%get3A_876, %get3A_877, %get3A_878] : memref<1733x8x128xf32, #tpu.memory_space<vmem>>, vector<1x8x128xf32>
      %get3A_880 = vector.shape_cast %get3A_879 : vector<1x8x128xf32> to vector<8x128xf32>
      %max3A_881 = arith.maximumf %max3A_859, %get3A_880 : vector<8x128xf32>
      %add3A_882 = arith.addf %add3A_860, %get3A_880 : vector<8x128xf32>
      %mul3A_883 = arith.constant 173 : i32
      %mul3A_884 = arith.muli %scan3A_86, %mul3A_883 : i32
      %add3A_885 = arith.constant 72 : i32
      %add3A_886 = arith.addi %mul3A_884, %add3A_885 : i32
      %get3A_887 = arith.index_cast %add3A_886 : i32 to index
      %get3A_888 = arith.constant 0 : index
      %get3A_889 = arith.constant 0 : index
      %get3A_890 = vector.load %arg1[%get3A_887, %get3A_888, %get3A_889] : memref<1733x8x128xf32, #tpu.memory_space<vmem>>, vector<1x8x128xf32>
      %get3A_891 = vector.shape_cast %get3A_890 : vector<1x8x128xf32> to vector<8x128xf32>
      %max3A_892 = arith.maximumf %max3A_870, %get3A_891 : vector<8x128xf32>
      %add3A_893 = arith.addf %add3A_871, %get3A_891 : vector<8x128xf32>
      %mul3A_894 = arith.constant 173 : i32
      %mul3A_895 = arith.muli %scan3A_86, %mul3A_894 : i32
      %add3A_896 = arith.constant 73 : i32
      %add3A_897 = arith.addi %mul3A_895, %add3A_896 : i32
      %get3A_898 = arith.index_cast %add3A_897 : i32 to index
      %get3A_899 = arith.constant 0 : index
      %get3A_900 = arith.constant 0 : index
      %get3A_901 = vector.load %arg1[%get3A_898, %get3A_899, %get3A_900] : memref<1733x8x128xf32, #tpu.memory_space<vmem>>, vector<1x8x128xf32>
      %get3A_902 = vector.shape_cast %get3A_901 : vector<1x8x128xf32> to vector<8x128xf32>
      %max3A_903 = arith.maximumf %max3A_881, %get3A_902 : vector<8x128xf32>
      %add3A_904 = arith.addf %add3A_882, %get3A_902 : vector<8x128xf32>
      %mul3A_905 = arith.constant 173 : i32
      %mul3A_906 = arith.muli %scan3A_86, %mul3A_905 : i32
      %add3A_907 = arith.constant 74 : i32
      %add3A_908 = arith.addi %mul3A_906, %add3A_907 : i32
      %get3A_909 = arith.index_cast %add3A_908 : i32 to index
      %get3A_910 = arith.constant 0 : index
      %get3A_911 = arith.constant 0 : index
      %get3A_912 = vector.load %arg1[%get3A_909, %get3A_910, %get3A_911] : memref<1733x8x128xf32, #tpu.memory_space<vmem>>, vector<1x8x128xf32>
      %get3A_913 = vector.shape_cast %get3A_912 : vector<1x8x128xf32> to vector<8x128xf32>
      %max3A_914 = arith.maximumf %max3A_892, %get3A_913 : vector<8x128xf32>
      %add3A_915 = arith.addf %add3A_893, %get3A_913 : vector<8x128xf32>
      %mul3A_916 = arith.constant 173 : i32
      %mul3A_917 = arith.muli %scan3A_86, %mul3A_916 : i32
      %add3A_918 = arith.constant 75 : i32
      %add3A_919 = arith.addi %mul3A_917, %add3A_918 : i32
      %get3A_920 = arith.index_cast %add3A_919 : i32 to index
      %get3A_921 = arith.constant 0 : index
      %get3A_922 = arith.constant 0 : index
      %get3A_923 = vector.load %arg1[%get3A_920, %get3A_921, %get3A_922] : memref<1733x8x128xf32, #tpu.memory_space<vmem>>, vector<1x8x128xf32>
      %get3A_924 = vector.shape_cast %get3A_923 : vector<1x8x128xf32> to vector<8x128xf32>
      %max3A_925 = arith.maximumf %max3A_903, %get3A_924 : vector<8x128xf32>
      %add3A_926 = arith.addf %add3A_904, %get3A_924 : vector<8x128xf32>
      %mul3A_927 = arith.constant 173 : i32
      %mul3A_928 = arith.muli %scan3A_86, %mul3A_927 : i32
      %add3A_929 = arith.constant 76 : i32
      %add3A_930 = arith.addi %mul3A_928, %add3A_929 : i32
      %get3A_931 = arith.index_cast %add3A_930 : i32 to index
      %get3A_932 = arith.constant 0 : index
      %get3A_933 = arith.constant 0 : index
      %get3A_934 = vector.load %arg1[%get3A_931, %get3A_932, %get3A_933] : memref<1733x8x128xf32, #tpu.memory_space<vmem>>, vector<1x8x128xf32>
      %get3A_935 = vector.shape_cast %get3A_934 : vector<1x8x128xf32> to vector<8x128xf32>
      %max3A_936 = arith.maximumf %max3A_914, %get3A_935 : vector<8x128xf32>
      %add3A_937 = arith.addf %add3A_915, %get3A_935 : vector<8x128xf32>
      %mul3A_938 = arith.constant 173 : i32
      %mul3A_939 = arith.muli %scan3A_86, %mul3A_938 : i32
      %add3A_940 = arith.constant 77 : i32
      %add3A_941 = arith.addi %mul3A_939, %add3A_940 : i32
      %get3A_942 = arith.index_cast %add3A_941 : i32 to index
      %get3A_943 = arith.constant 0 : index
      %get3A_944 = arith.constant 0 : index
      %get3A_945 = vector.load %arg1[%get3A_942, %get3A_943, %get3A_944] : memref<1733x8x128xf32, #tpu.memory_space<vmem>>, vector<1x8x128xf32>
      %get3A_946 = vector.shape_cast %get3A_945 : vector<1x8x128xf32> to vector<8x128xf32>
      %max3A_947 = arith.maximumf %max3A_925, %get3A_946 : vector<8x128xf32>
      %add3A_948 = arith.addf %add3A_926, %get3A_946 : vector<8x128xf32>
      %mul3A_949 = arith.constant 173 : i32
      %mul3A_950 = arith.muli %scan3A_86, %mul3A_949 : i32
      %add3A_951 = arith.constant 78 : i32
      %add3A_952 = arith.addi %mul3A_950, %add3A_951 : i32
      %get3A_953 = arith.index_cast %add3A_952 : i32 to index
      %get3A_954 = arith.constant 0 : index
      %get3A_955 = arith.constant 0 : index
      %get3A_956 = vector.load %arg1[%get3A_953, %get3A_954, %get3A_955] : memref<1733x8x128xf32, #tpu.memory_space<vmem>>, vector<1x8x128xf32>
      %get3A_957 = vector.shape_cast %get3A_956 : vector<1x8x128xf32> to vector<8x128xf32>
      %max3A_958 = arith.maximumf %max3A_936, %get3A_957 : vector<8x128xf32>
      %add3A_959 = arith.addf %add3A_937, %get3A_957 : vector<8x128xf32>
      %mul3A_960 = arith.constant 173 : i32
      %mul3A_961 = arith.muli %scan3A_86, %mul3A_960 : i32
      %add3A_962 = arith.constant 79 : i32
      %add3A_963 = arith.addi %mul3A_961, %add3A_962 : i32
      %get3A_964 = arith.index_cast %add3A_963 : i32 to index
      %get3A_965 = arith.constant 0 : index
      %get3A_966 = arith.constant 0 : index
      %get3A_967 = vector.load %arg1[%get3A_964, %get3A_965, %get3A_966] : memref<1733x8x128xf32, #tpu.memory_space<vmem>>, vector<1x8x128xf32>
      %get3A_968 = vector.shape_cast %get3A_967 : vector<1x8x128xf32> to vector<8x128xf32>
      %max3A_969 = arith.maximumf %max3A_947, %get3A_968 : vector<8x128xf32>
      %add3A_970 = arith.addf %add3A_948, %get3A_968 : vector<8x128xf32>
      %mul3A_971 = arith.constant 173 : i32
      %mul3A_972 = arith.muli %scan3A_86, %mul3A_971 : i32
      %add3A_973 = arith.constant 80 : i32
      %add3A_974 = arith.addi %mul3A_972, %add3A_973 : i32
      %get3A_975 = arith.index_cast %add3A_974 : i32 to index
      %get3A_976 = arith.constant 0 : index
      %get3A_977 = arith.constant 0 : index
      %get3A_978 = vector.load %arg1[%get3A_975, %get3A_976, %get3A_977] : memref<1733x8x128xf32, #tpu.memory_space<vmem>>, vector<1x8x128xf32>
      %get3A_979 = vector.shape_cast %get3A_978 : vector<1x8x128xf32> to vector<8x128xf32>
      %max3A_980 = arith.maximumf %max3A_958, %get3A_979 : vector<8x128xf32>
      %add3A_981 = arith.addf %add3A_959, %get3A_979 : vector<8x128xf32>
      %mul3A_982 = arith.constant 173 : i32
      %mul3A_983 = arith.muli %scan3A_86, %mul3A_982 : i32
      %add3A_984 = arith.constant 81 : i32
      %add3A_985 = arith.addi %mul3A_983, %add3A_984 : i32
      %get3A_986 = arith.index_cast %add3A_985 : i32 to index
      %get3A_987 = arith.constant 0 : index
      %get3A_988 = arith.constant 0 : index
      %get3A_989 = vector.load %arg1[%get3A_986, %get3A_987, %get3A_988] : memref<1733x8x128xf32, #tpu.memory_space<vmem>>, vector<1x8x128xf32>
      %get3A_990 = vector.shape_cast %get3A_989 : vector<1x8x128xf32> to vector<8x128xf32>
      %max3A_991 = arith.maximumf %max3A_969, %get3A_990 : vector<8x128xf32>
      %add3A_992 = arith.addf %add3A_970, %get3A_990 : vector<8x128xf32>
      %mul3A_993 = arith.constant 173 : i32
      %mul3A_994 = arith.muli %scan3A_86, %mul3A_993 : i32
      %add3A_995 = arith.constant 82 : i32
      %add3A_996 = arith.addi %mul3A_994, %add3A_995 : i32
      %get3A_997 = arith.index_cast %add3A_996 : i32 to index
      %get3A_998 = arith.constant 0 : index
      %get3A_999 = arith.constant 0 : index
      %get3A_1000 = vector.load %arg1[%get3A_997, %get3A_998, %get3A_999] : memref<1733x8x128xf32, #tpu.memory_space<vmem>>, vector<1x8x128xf32>
      %get3A_1001 = vector.shape_cast %get3A_1000 : vector<1x8x128xf32> to vector<8x128xf32>
      %max3A_1002 = arith.maximumf %max3A_980, %get3A_1001 : vector<8x128xf32>
      %add3A_1003 = arith.addf %add3A_981, %get3A_1001 : vector<8x128xf32>
      %mul3A_1004 = arith.constant 173 : i32
      %mul3A_1005 = arith.muli %scan3A_86, %mul3A_1004 : i32
      %add3A_1006 = arith.constant 83 : i32
      %add3A_1007 = arith.addi %mul3A_1005, %add3A_1006 : i32
      %get3A_1008 = arith.index_cast %add3A_1007 : i32 to index
      %get3A_1009 = arith.constant 0 : index
      %get3A_1010 = arith.constant 0 : index
      %get3A_1011 = vector.load %arg1[%get3A_1008, %get3A_1009, %get3A_1010] : memref<1733x8x128xf32, #tpu.memory_space<vmem>>, vector<1x8x128xf32>
      %get3A_1012 = vector.shape_cast %get3A_1011 : vector<1x8x128xf32> to vector<8x128xf32>
      %max3A_1013 = arith.maximumf %max3A_991, %get3A_1012 : vector<8x128xf32>
      %add3A_1014 = arith.addf %add3A_992, %get3A_1012 : vector<8x128xf32>
      %mul3A_1015 = arith.constant 173 : i32
      %mul3A_1016 = arith.muli %scan3A_86, %mul3A_1015 : i32
      %add3A_1017 = arith.constant 84 : i32
      %add3A_1018 = arith.addi %mul3A_1016, %add3A_1017 : i32
      %get3A_1019 = arith.index_cast %add3A_1018 : i32 to index
      %get3A_1020 = arith.constant 0 : index
      %get3A_1021 = arith.constant 0 : index
      %get3A_1022 = vector.load %arg1[%get3A_1019, %get3A_1020, %get3A_1021] : memref<1733x8x128xf32, #tpu.memory_space<vmem>>, vector<1x8x128xf32>
      %get3A_1023 = vector.shape_cast %get3A_1022 : vector<1x8x128xf32> to vector<8x128xf32>
      %max3A_1024 = arith.maximumf %max3A_1002, %get3A_1023 : vector<8x128xf32>
      %add3A_1025 = arith.addf %add3A_1003, %get3A_1023 : vector<8x128xf32>
      %mul3A_1026 = arith.constant 173 : i32
      %mul3A_1027 = arith.muli %scan3A_86, %mul3A_1026 : i32
      %add3A_1028 = arith.constant 85 : i32
      %add3A_1029 = arith.addi %mul3A_1027, %add3A_1028 : i32
      %get3A_1030 = arith.index_cast %add3A_1029 : i32 to index
      %get3A_1031 = arith.constant 0 : index
      %get3A_1032 = arith.constant 0 : index
      %get3A_1033 = vector.load %arg1[%get3A_1030, %get3A_1031, %get3A_1032] : memref<1733x8x128xf32, #tpu.memory_space<vmem>>, vector<1x8x128xf32>
      %get3A_1034 = vector.shape_cast %get3A_1033 : vector<1x8x128xf32> to vector<8x128xf32>
      %max3A_1035 = arith.maximumf %max3A_1013, %get3A_1034 : vector<8x128xf32>
      %add3A_1036 = arith.addf %add3A_1014, %get3A_1034 : vector<8x128xf32>
      %mul3A_1037 = arith.constant 173 : i32
      %mul3A_1038 = arith.muli %scan3A_86, %mul3A_1037 : i32
      %add3A_1039 = arith.constant 86 : i32
      %add3A_1040 = arith.addi %mul3A_1038, %add3A_1039 : i32
      %get3A_1041 = arith.index_cast %add3A_1040 : i32 to index
      %get3A_1042 = arith.constant 0 : index
      %get3A_1043 = arith.constant 0 : index
      %get3A_1044 = vector.load %arg1[%get3A_1041, %get3A_1042, %get3A_1043] : memref<1733x8x128xf32, #tpu.memory_space<vmem>>, vector<1x8x128xf32>
      %get3A_1045 = vector.shape_cast %get3A_1044 : vector<1x8x128xf32> to vector<8x128xf32>
      %max3A_1046 = arith.maximumf %max3A_1024, %get3A_1045 : vector<8x128xf32>
      %add3A_1047 = arith.addf %add3A_1025, %get3A_1045 : vector<8x128xf32>
      %mul3A_1048 = arith.constant 173 : i32
      %mul3A_1049 = arith.muli %scan3A_86, %mul3A_1048 : i32
      %add3A_1050 = arith.constant 87 : i32
      %add3A_1051 = arith.addi %mul3A_1049, %add3A_1050 : i32
      %get3A_1052 = arith.index_cast %add3A_1051 : i32 to index
      %get3A_1053 = arith.constant 0 : index
      %get3A_1054 = arith.constant 0 : index
      %get3A_1055 = vector.load %arg1[%get3A_1052, %get3A_1053, %get3A_1054] : memref<1733x8x128xf32, #tpu.memory_space<vmem>>, vector<1x8x128xf32>
      %get3A_1056 = vector.shape_cast %get3A_1055 : vector<1x8x128xf32> to vector<8x128xf32>
      %max3A_1057 = arith.maximumf %max3A_1035, %get3A_1056 : vector<8x128xf32>
      %add3A_1058 = arith.addf %add3A_1036, %get3A_1056 : vector<8x128xf32>
      %mul3A_1059 = arith.constant 173 : i32
      %mul3A_1060 = arith.muli %scan3A_86, %mul3A_1059 : i32
      %add3A_1061 = arith.constant 88 : i32
      %add3A_1062 = arith.addi %mul3A_1060, %add3A_1061 : i32
      %get3A_1063 = arith.index_cast %add3A_1062 : i32 to index
      %get3A_1064 = arith.constant 0 : index
      %get3A_1065 = arith.constant 0 : index
      %get3A_1066 = vector.load %arg1[%get3A_1063, %get3A_1064, %get3A_1065] : memref<1733x8x128xf32, #tpu.memory_space<vmem>>, vector<1x8x128xf32>
      %get3A_1067 = vector.shape_cast %get3A_1066 : vector<1x8x128xf32> to vector<8x128xf32>
      %max3A_1068 = arith.maximumf %max3A_1046, %get3A_1067 : vector<8x128xf32>
      %add3A_1069 = arith.addf %add3A_1047, %get3A_1067 : vector<8x128xf32>
      %mul3A_1070 = arith.constant 173 : i32
      %mul3A_1071 = arith.muli %scan3A_86, %mul3A_1070 : i32
      %add3A_1072 = arith.constant 89 : i32
      %add3A_1073 = arith.addi %mul3A_1071, %add3A_1072 : i32
      %get3A_1074 = arith.index_cast %add3A_1073 : i32 to index
      %get3A_1075 = arith.constant 0 : index
      %get3A_1076 = arith.constant 0 : index
      %get3A_1077 = vector.load %arg1[%get3A_1074, %get3A_1075, %get3A_1076] : memref<1733x8x128xf32, #tpu.memory_space<vmem>>, vector<1x8x128xf32>
      %get3A_1078 = vector.shape_cast %get3A_1077 : vector<1x8x128xf32> to vector<8x128xf32>
      %max3A_1079 = arith.maximumf %max3A_1057, %get3A_1078 : vector<8x128xf32>
      %add3A_1080 = arith.addf %add3A_1058, %get3A_1078 : vector<8x128xf32>
      %mul3A_1081 = arith.constant 173 : i32
      %mul3A_1082 = arith.muli %scan3A_86, %mul3A_1081 : i32
      %add3A_1083 = arith.constant 90 : i32
      %add3A_1084 = arith.addi %mul3A_1082, %add3A_1083 : i32
      %get3A_1085 = arith.index_cast %add3A_1084 : i32 to index
      %get3A_1086 = arith.constant 0 : index
      %get3A_1087 = arith.constant 0 : index
      %get3A_1088 = vector.load %arg1[%get3A_1085, %get3A_1086, %get3A_1087] : memref<1733x8x128xf32, #tpu.memory_space<vmem>>, vector<1x8x128xf32>
      %get3A_1089 = vector.shape_cast %get3A_1088 : vector<1x8x128xf32> to vector<8x128xf32>
      %max3A_1090 = arith.maximumf %max3A_1068, %get3A_1089 : vector<8x128xf32>
      %add3A_1091 = arith.addf %add3A_1069, %get3A_1089 : vector<8x128xf32>
      %mul3A_1092 = arith.constant 173 : i32
      %mul3A_1093 = arith.muli %scan3A_86, %mul3A_1092 : i32
      %add3A_1094 = arith.constant 91 : i32
      %add3A_1095 = arith.addi %mul3A_1093, %add3A_1094 : i32
      %get3A_1096 = arith.index_cast %add3A_1095 : i32 to index
      %get3A_1097 = arith.constant 0 : index
      %get3A_1098 = arith.constant 0 : index
      %get3A_1099 = vector.load %arg1[%get3A_1096, %get3A_1097, %get3A_1098] : memref<1733x8x128xf32, #tpu.memory_space<vmem>>, vector<1x8x128xf32>
      %get3A_1100 = vector.shape_cast %get3A_1099 : vector<1x8x128xf32> to vector<8x128xf32>
      %max3A_1101 = arith.maximumf %max3A_1079, %get3A_1100 : vector<8x128xf32>
      %add3A_1102 = arith.addf %add3A_1080, %get3A_1100 : vector<8x128xf32>
      %mul3A_1103 = arith.constant 173 : i32
      %mul3A_1104 = arith.muli %scan3A_86, %mul3A_1103 : i32
      %add3A_1105 = arith.constant 92 : i32
      %add3A_1106 = arith.addi %mul3A_1104, %add3A_1105 : i32
      %get3A_1107 = arith.index_cast %add3A_1106 : i32 to index
      %get3A_1108 = arith.constant 0 : index
      %get3A_1109 = arith.constant 0 : index
      %get3A_1110 = vector.load %arg1[%get3A_1107, %get3A_1108, %get3A_1109] : memref<1733x8x128xf32, #tpu.memory_space<vmem>>, vector<1x8x128xf32>
      %get3A_1111 = vector.shape_cast %get3A_1110 : vector<1x8x128xf32> to vector<8x128xf32>
      %max3A_1112 = arith.maximumf %max3A_1090, %get3A_1111 : vector<8x128xf32>
      %add3A_1113 = arith.addf %add3A_1091, %get3A_1111 : vector<8x128xf32>
      %mul3A_1114 = arith.constant 173 : i32
      %mul3A_1115 = arith.muli %scan3A_86, %mul3A_1114 : i32
      %add3A_1116 = arith.constant 93 : i32
      %add3A_1117 = arith.addi %mul3A_1115, %add3A_1116 : i32
      %get3A_1118 = arith.index_cast %add3A_1117 : i32 to index
      %get3A_1119 = arith.constant 0 : index
      %get3A_1120 = arith.constant 0 : index
      %get3A_1121 = vector.load %arg1[%get3A_1118, %get3A_1119, %get3A_1120] : memref<1733x8x128xf32, #tpu.memory_space<vmem>>, vector<1x8x128xf32>
      %get3A_1122 = vector.shape_cast %get3A_1121 : vector<1x8x128xf32> to vector<8x128xf32>
      %max3A_1123 = arith.maximumf %max3A_1101, %get3A_1122 : vector<8x128xf32>
      %add3A_1124 = arith.addf %add3A_1102, %get3A_1122 : vector<8x128xf32>
      %mul3A_1125 = arith.constant 173 : i32
      %mul3A_1126 = arith.muli %scan3A_86, %mul3A_1125 : i32
      %add3A_1127 = arith.constant 94 : i32
      %add3A_1128 = arith.addi %mul3A_1126, %add3A_1127 : i32
      %get3A_1129 = arith.index_cast %add3A_1128 : i32 to index
      %get3A_1130 = arith.constant 0 : index
      %get3A_1131 = arith.constant 0 : index
      %get3A_1132 = vector.load %arg1[%get3A_1129, %get3A_1130, %get3A_1131] : memref<1733x8x128xf32, #tpu.memory_space<vmem>>, vector<1x8x128xf32>
      %get3A_1133 = vector.shape_cast %get3A_1132 : vector<1x8x128xf32> to vector<8x128xf32>
      %max3A_1134 = arith.maximumf %max3A_1112, %get3A_1133 : vector<8x128xf32>
      %add3A_1135 = arith.addf %add3A_1113, %get3A_1133 : vector<8x128xf32>
      %mul3A_1136 = arith.constant 173 : i32
      %mul3A_1137 = arith.muli %scan3A_86, %mul3A_1136 : i32
      %add3A_1138 = arith.constant 95 : i32
      %add3A_1139 = arith.addi %mul3A_1137, %add3A_1138 : i32
      %get3A_1140 = arith.index_cast %add3A_1139 : i32 to index
      %get3A_1141 = arith.constant 0 : index
      %get3A_1142 = arith.constant 0 : index
      %get3A_1143 = vector.load %arg1[%get3A_1140, %get3A_1141, %get3A_1142] : memref<1733x8x128xf32, #tpu.memory_space<vmem>>, vector<1x8x128xf32>
      %get3A_1144 = vector.shape_cast %get3A_1143 : vector<1x8x128xf32> to vector<8x128xf32>
      %max3A_1145 = arith.maximumf %max3A_1123, %get3A_1144 : vector<8x128xf32>
      %add3A_1146 = arith.addf %add3A_1124, %get3A_1144 : vector<8x128xf32>
      %mul3A_1147 = arith.constant 173 : i32
      %mul3A_1148 = arith.muli %scan3A_86, %mul3A_1147 : i32
      %add3A_1149 = arith.constant 96 : i32
      %add3A_1150 = arith.addi %mul3A_1148, %add3A_1149 : i32
      %get3A_1151 = arith.index_cast %add3A_1150 : i32 to index
      %get3A_1152 = arith.constant 0 : index
      %get3A_1153 = arith.constant 0 : index
      %get3A_1154 = vector.load %arg1[%get3A_1151, %get3A_1152, %get3A_1153] : memref<1733x8x128xf32, #tpu.memory_space<vmem>>, vector<1x8x128xf32>
      %get3A_1155 = vector.shape_cast %get3A_1154 : vector<1x8x128xf32> to vector<8x128xf32>
      %max3A_1156 = arith.maximumf %max3A_1134, %get3A_1155 : vector<8x128xf32>
      %add3A_1157 = arith.addf %add3A_1135, %get3A_1155 : vector<8x128xf32>
      %mul3A_1158 = arith.constant 173 : i32
      %mul3A_1159 = arith.muli %scan3A_86, %mul3A_1158 : i32
      %add3A_1160 = arith.constant 97 : i32
      %add3A_1161 = arith.addi %mul3A_1159, %add3A_1160 : i32
      %get3A_1162 = arith.index_cast %add3A_1161 : i32 to index
      %get3A_1163 = arith.constant 0 : index
      %get3A_1164 = arith.constant 0 : index
      %get3A_1165 = vector.load %arg1[%get3A_1162, %get3A_1163, %get3A_1164] : memref<1733x8x128xf32, #tpu.memory_space<vmem>>, vector<1x8x128xf32>
      %get3A_1166 = vector.shape_cast %get3A_1165 : vector<1x8x128xf32> to vector<8x128xf32>
      %max3A_1167 = arith.maximumf %max3A_1145, %get3A_1166 : vector<8x128xf32>
      %add3A_1168 = arith.addf %add3A_1146, %get3A_1166 : vector<8x128xf32>
      %mul3A_1169 = arith.constant 173 : i32
      %mul3A_1170 = arith.muli %scan3A_86, %mul3A_1169 : i32
      %add3A_1171 = arith.constant 98 : i32
      %add3A_1172 = arith.addi %mul3A_1170, %add3A_1171 : i32
      %get3A_1173 = arith.index_cast %add3A_1172 : i32 to index
      %get3A_1174 = arith.constant 0 : index
      %get3A_1175 = arith.constant 0 : index
      %get3A_1176 = vector.load %arg1[%get3A_1173, %get3A_1174, %get3A_1175] : memref<1733x8x128xf32, #tpu.memory_space<vmem>>, vector<1x8x128xf32>
      %get3A_1177 = vector.shape_cast %get3A_1176 : vector<1x8x128xf32> to vector<8x128xf32>
      %max3A_1178 = arith.maximumf %max3A_1156, %get3A_1177 : vector<8x128xf32>
      %add3A_1179 = arith.addf %add3A_1157, %get3A_1177 : vector<8x128xf32>
      %mul3A_1180 = arith.constant 173 : i32
      %mul3A_1181 = arith.muli %scan3A_86, %mul3A_1180 : i32
      %add3A_1182 = arith.constant 99 : i32
      %add3A_1183 = arith.addi %mul3A_1181, %add3A_1182 : i32
      %get3A_1184 = arith.index_cast %add3A_1183 : i32 to index
      %get3A_1185 = arith.constant 0 : index
      %get3A_1186 = arith.constant 0 : index
      %get3A_1187 = vector.load %arg1[%get3A_1184, %get3A_1185, %get3A_1186] : memref<1733x8x128xf32, #tpu.memory_space<vmem>>, vector<1x8x128xf32>
      %get3A_1188 = vector.shape_cast %get3A_1187 : vector<1x8x128xf32> to vector<8x128xf32>
      %max3A_1189 = arith.maximumf %max3A_1167, %get3A_1188 : vector<8x128xf32>
      %add3A_1190 = arith.addf %add3A_1168, %get3A_1188 : vector<8x128xf32>
      %mul3A_1191 = arith.constant 173 : i32
      %mul3A_1192 = arith.muli %scan3A_86, %mul3A_1191 : i32
      %add3A_1193 = arith.constant 100 : i32
      %add3A_1194 = arith.addi %mul3A_1192, %add3A_1193 : i32
      %get3A_1195 = arith.index_cast %add3A_1194 : i32 to index
      %get3A_1196 = arith.constant 0 : index
      %get3A_1197 = arith.constant 0 : index
      %get3A_1198 = vector.load %arg1[%get3A_1195, %get3A_1196, %get3A_1197] : memref<1733x8x128xf32, #tpu.memory_space<vmem>>, vector<1x8x128xf32>
      %get3A_1199 = vector.shape_cast %get3A_1198 : vector<1x8x128xf32> to vector<8x128xf32>
      %max3A_1200 = arith.maximumf %max3A_1178, %get3A_1199 : vector<8x128xf32>
      %add3A_1201 = arith.addf %add3A_1179, %get3A_1199 : vector<8x128xf32>
      %mul3A_1202 = arith.constant 173 : i32
      %mul3A_1203 = arith.muli %scan3A_86, %mul3A_1202 : i32
      %add3A_1204 = arith.constant 101 : i32
      %add3A_1205 = arith.addi %mul3A_1203, %add3A_1204 : i32
      %get3A_1206 = arith.index_cast %add3A_1205 : i32 to index
      %get3A_1207 = arith.constant 0 : index
      %get3A_1208 = arith.constant 0 : index
      %get3A_1209 = vector.load %arg1[%get3A_1206, %get3A_1207, %get3A_1208] : memref<1733x8x128xf32, #tpu.memory_space<vmem>>, vector<1x8x128xf32>
      %get3A_1210 = vector.shape_cast %get3A_1209 : vector<1x8x128xf32> to vector<8x128xf32>
      %max3A_1211 = arith.maximumf %max3A_1189, %get3A_1210 : vector<8x128xf32>
      %add3A_1212 = arith.addf %add3A_1190, %get3A_1210 : vector<8x128xf32>
      %mul3A_1213 = arith.constant 173 : i32
      %mul3A_1214 = arith.muli %scan3A_86, %mul3A_1213 : i32
      %add3A_1215 = arith.constant 102 : i32
      %add3A_1216 = arith.addi %mul3A_1214, %add3A_1215 : i32
      %get3A_1217 = arith.index_cast %add3A_1216 : i32 to index
      %get3A_1218 = arith.constant 0 : index
      %get3A_1219 = arith.constant 0 : index
      %get3A_1220 = vector.load %arg1[%get3A_1217, %get3A_1218, %get3A_1219] : memref<1733x8x128xf32, #tpu.memory_space<vmem>>, vector<1x8x128xf32>
      %get3A_1221 = vector.shape_cast %get3A_1220 : vector<1x8x128xf32> to vector<8x128xf32>
      %max3A_1222 = arith.maximumf %max3A_1200, %get3A_1221 : vector<8x128xf32>
      %add3A_1223 = arith.addf %add3A_1201, %get3A_1221 : vector<8x128xf32>
      %mul3A_1224 = arith.constant 173 : i32
      %mul3A_1225 = arith.muli %scan3A_86, %mul3A_1224 : i32
      %add3A_1226 = arith.constant 103 : i32
      %add3A_1227 = arith.addi %mul3A_1225, %add3A_1226 : i32
      %get3A_1228 = arith.index_cast %add3A_1227 : i32 to index
      %get3A_1229 = arith.constant 0 : index
      %get3A_1230 = arith.constant 0 : index
      %get3A_1231 = vector.load %arg1[%get3A_1228, %get3A_1229, %get3A_1230] : memref<1733x8x128xf32, #tpu.memory_space<vmem>>, vector<1x8x128xf32>
      %get3A_1232 = vector.shape_cast %get3A_1231 : vector<1x8x128xf32> to vector<8x128xf32>
      %max3A_1233 = arith.maximumf %max3A_1211, %get3A_1232 : vector<8x128xf32>
      %add3A_1234 = arith.addf %add3A_1212, %get3A_1232 : vector<8x128xf32>
      %mul3A_1235 = arith.constant 173 : i32
      %mul3A_1236 = arith.muli %scan3A_86, %mul3A_1235 : i32
      %add3A_1237 = arith.constant 104 : i32
      %add3A_1238 = arith.addi %mul3A_1236, %add3A_1237 : i32
      %get3A_1239 = arith.index_cast %add3A_1238 : i32 to index
      %get3A_1240 = arith.constant 0 : index
      %get3A_1241 = arith.constant 0 : index
      %get3A_1242 = vector.load %arg1[%get3A_1239, %get3A_1240, %get3A_1241] : memref<1733x8x128xf32, #tpu.memory_space<vmem>>, vector<1x8x128xf32>
      %get3A_1243 = vector.shape_cast %get3A_1242 : vector<1x8x128xf32> to vector<8x128xf32>
      %max3A_1244 = arith.maximumf %max3A_1222, %get3A_1243 : vector<8x128xf32>
      %add3A_1245 = arith.addf %add3A_1223, %get3A_1243 : vector<8x128xf32>
      %mul3A_1246 = arith.constant 173 : i32
      %mul3A_1247 = arith.muli %scan3A_86, %mul3A_1246 : i32
      %add3A_1248 = arith.constant 105 : i32
      %add3A_1249 = arith.addi %mul3A_1247, %add3A_1248 : i32
      %get3A_1250 = arith.index_cast %add3A_1249 : i32 to index
      %get3A_1251 = arith.constant 0 : index
      %get3A_1252 = arith.constant 0 : index
      %get3A_1253 = vector.load %arg1[%get3A_1250, %get3A_1251, %get3A_1252] : memref<1733x8x128xf32, #tpu.memory_space<vmem>>, vector<1x8x128xf32>
      %get3A_1254 = vector.shape_cast %get3A_1253 : vector<1x8x128xf32> to vector<8x128xf32>
      %max3A_1255 = arith.maximumf %max3A_1233, %get3A_1254 : vector<8x128xf32>
      %add3A_1256 = arith.addf %add3A_1234, %get3A_1254 : vector<8x128xf32>
      %mul3A_1257 = arith.constant 173 : i32
      %mul3A_1258 = arith.muli %scan3A_86, %mul3A_1257 : i32
      %add3A_1259 = arith.constant 106 : i32
      %add3A_1260 = arith.addi %mul3A_1258, %add3A_1259 : i32
      %get3A_1261 = arith.index_cast %add3A_1260 : i32 to index
      %get3A_1262 = arith.constant 0 : index
      %get3A_1263 = arith.constant 0 : index
      %get3A_1264 = vector.load %arg1[%get3A_1261, %get3A_1262, %get3A_1263] : memref<1733x8x128xf32, #tpu.memory_space<vmem>>, vector<1x8x128xf32>
      %get3A_1265 = vector.shape_cast %get3A_1264 : vector<1x8x128xf32> to vector<8x128xf32>
      %max3A_1266 = arith.maximumf %max3A_1244, %get3A_1265 : vector<8x128xf32>
      %add3A_1267 = arith.addf %add3A_1245, %get3A_1265 : vector<8x128xf32>
      %mul3A_1268 = arith.constant 173 : i32
      %mul3A_1269 = arith.muli %scan3A_86, %mul3A_1268 : i32
      %add3A_1270 = arith.constant 107 : i32
      %add3A_1271 = arith.addi %mul3A_1269, %add3A_1270 : i32
      %get3A_1272 = arith.index_cast %add3A_1271 : i32 to index
      %get3A_1273 = arith.constant 0 : index
      %get3A_1274 = arith.constant 0 : index
      %get3A_1275 = vector.load %arg1[%get3A_1272, %get3A_1273, %get3A_1274] : memref<1733x8x128xf32, #tpu.memory_space<vmem>>, vector<1x8x128xf32>
      %get3A_1276 = vector.shape_cast %get3A_1275 : vector<1x8x128xf32> to vector<8x128xf32>
      %max3A_1277 = arith.maximumf %max3A_1255, %get3A_1276 : vector<8x128xf32>
      %add3A_1278 = arith.addf %add3A_1256, %get3A_1276 : vector<8x128xf32>
      %mul3A_1279 = arith.constant 173 : i32
      %mul3A_1280 = arith.muli %scan3A_86, %mul3A_1279 : i32
      %add3A_1281 = arith.constant 108 : i32
      %add3A_1282 = arith.addi %mul3A_1280, %add3A_1281 : i32
      %get3A_1283 = arith.index_cast %add3A_1282 : i32 to index
      %get3A_1284 = arith.constant 0 : index
      %get3A_1285 = arith.constant 0 : index
      %get3A_1286 = vector.load %arg1[%get3A_1283, %get3A_1284, %get3A_1285] : memref<1733x8x128xf32, #tpu.memory_space<vmem>>, vector<1x8x128xf32>
      %get3A_1287 = vector.shape_cast %get3A_1286 : vector<1x8x128xf32> to vector<8x128xf32>
      %max3A_1288 = arith.maximumf %max3A_1266, %get3A_1287 : vector<8x128xf32>
      %add3A_1289 = arith.addf %add3A_1267, %get3A_1287 : vector<8x128xf32>
      %mul3A_1290 = arith.constant 173 : i32
      %mul3A_1291 = arith.muli %scan3A_86, %mul3A_1290 : i32
      %add3A_1292 = arith.constant 109 : i32
      %add3A_1293 = arith.addi %mul3A_1291, %add3A_1292 : i32
      %get3A_1294 = arith.index_cast %add3A_1293 : i32 to index
      %get3A_1295 = arith.constant 0 : index
      %get3A_1296 = arith.constant 0 : index
      %get3A_1297 = vector.load %arg1[%get3A_1294, %get3A_1295, %get3A_1296] : memref<1733x8x128xf32, #tpu.memory_space<vmem>>, vector<1x8x128xf32>
      %get3A_1298 = vector.shape_cast %get3A_1297 : vector<1x8x128xf32> to vector<8x128xf32>
      %max3A_1299 = arith.maximumf %max3A_1277, %get3A_1298 : vector<8x128xf32>
      %add3A_1300 = arith.addf %add3A_1278, %get3A_1298 : vector<8x128xf32>
      %mul3A_1301 = arith.constant 173 : i32
      %mul3A_1302 = arith.muli %scan3A_86, %mul3A_1301 : i32
      %add3A_1303 = arith.constant 110 : i32
      %add3A_1304 = arith.addi %mul3A_1302, %add3A_1303 : i32
      %get3A_1305 = arith.index_cast %add3A_1304 : i32 to index
      %get3A_1306 = arith.constant 0 : index
      %get3A_1307 = arith.constant 0 : index
      %get3A_1308 = vector.load %arg1[%get3A_1305, %get3A_1306, %get3A_1307] : memref<1733x8x128xf32, #tpu.memory_space<vmem>>, vector<1x8x128xf32>
      %get3A_1309 = vector.shape_cast %get3A_1308 : vector<1x8x128xf32> to vector<8x128xf32>
      %max3A_1310 = arith.maximumf %max3A_1288, %get3A_1309 : vector<8x128xf32>
      %add3A_1311 = arith.addf %add3A_1289, %get3A_1309 : vector<8x128xf32>
      %mul3A_1312 = arith.constant 173 : i32
      %mul3A_1313 = arith.muli %scan3A_86, %mul3A_1312 : i32
      %add3A_1314 = arith.constant 111 : i32
      %add3A_1315 = arith.addi %mul3A_1313, %add3A_1314 : i32
      %get3A_1316 = arith.index_cast %add3A_1315 : i32 to index
      %get3A_1317 = arith.constant 0 : index
      %get3A_1318 = arith.constant 0 : index
      %get3A_1319 = vector.load %arg1[%get3A_1316, %get3A_1317, %get3A_1318] : memref<1733x8x128xf32, #tpu.memory_space<vmem>>, vector<1x8x128xf32>
      %get3A_1320 = vector.shape_cast %get3A_1319 : vector<1x8x128xf32> to vector<8x128xf32>
      %max3A_1321 = arith.maximumf %max3A_1299, %get3A_1320 : vector<8x128xf32>
      %add3A_1322 = arith.addf %add3A_1300, %get3A_1320 : vector<8x128xf32>
      %mul3A_1323 = arith.constant 173 : i32
      %mul3A_1324 = arith.muli %scan3A_86, %mul3A_1323 : i32
      %add3A_1325 = arith.constant 112 : i32
      %add3A_1326 = arith.addi %mul3A_1324, %add3A_1325 : i32
      %get3A_1327 = arith.index_cast %add3A_1326 : i32 to index
      %get3A_1328 = arith.constant 0 : index
      %get3A_1329 = arith.constant 0 : index
      %get3A_1330 = vector.load %arg1[%get3A_1327, %get3A_1328, %get3A_1329] : memref<1733x8x128xf32, #tpu.memory_space<vmem>>, vector<1x8x128xf32>
      %get3A_1331 = vector.shape_cast %get3A_1330 : vector<1x8x128xf32> to vector<8x128xf32>
      %max3A_1332 = arith.maximumf %max3A_1310, %get3A_1331 : vector<8x128xf32>
      %add3A_1333 = arith.addf %add3A_1311, %get3A_1331 : vector<8x128xf32>
      %mul3A_1334 = arith.constant 173 : i32
      %mul3A_1335 = arith.muli %scan3A_86, %mul3A_1334 : i32
      %add3A_1336 = arith.constant 113 : i32
      %add3A_1337 = arith.addi %mul3A_1335, %add3A_1336 : i32
      %get3A_1338 = arith.index_cast %add3A_1337 : i32 to index
      %get3A_1339 = arith.constant 0 : index
      %get3A_1340 = arith.constant 0 : index
      %get3A_1341 = vector.load %arg1[%get3A_1338, %get3A_1339, %get3A_1340] : memref<1733x8x128xf32, #tpu.memory_space<vmem>>, vector<1x8x128xf32>
      %get3A_1342 = vector.shape_cast %get3A_1341 : vector<1x8x128xf32> to vector<8x128xf32>
      %max3A_1343 = arith.maximumf %max3A_1321, %get3A_1342 : vector<8x128xf32>
      %add3A_1344 = arith.addf %add3A_1322, %get3A_1342 : vector<8x128xf32>
      %mul3A_1345 = arith.constant 173 : i32
      %mul3A_1346 = arith.muli %scan3A_86, %mul3A_1345 : i32
      %add3A_1347 = arith.constant 114 : i32
      %add3A_1348 = arith.addi %mul3A_1346, %add3A_1347 : i32
      %get3A_1349 = arith.index_cast %add3A_1348 : i32 to index
      %get3A_1350 = arith.constant 0 : index
      %get3A_1351 = arith.constant 0 : index
      %get3A_1352 = vector.load %arg1[%get3A_1349, %get3A_1350, %get3A_1351] : memref<1733x8x128xf32, #tpu.memory_space<vmem>>, vector<1x8x128xf32>
      %get3A_1353 = vector.shape_cast %get3A_1352 : vector<1x8x128xf32> to vector<8x128xf32>
      %max3A_1354 = arith.maximumf %max3A_1332, %get3A_1353 : vector<8x128xf32>
      %add3A_1355 = arith.addf %add3A_1333, %get3A_1353 : vector<8x128xf32>
      %mul3A_1356 = arith.constant 173 : i32
      %mul3A_1357 = arith.muli %scan3A_86, %mul3A_1356 : i32
      %add3A_1358 = arith.constant 115 : i32
      %add3A_1359 = arith.addi %mul3A_1357, %add3A_1358 : i32
      %get3A_1360 = arith.index_cast %add3A_1359 : i32 to index
      %get3A_1361 = arith.constant 0 : index
      %get3A_1362 = arith.constant 0 : index
      %get3A_1363 = vector.load %arg1[%get3A_1360, %get3A_1361, %get3A_1362] : memref<1733x8x128xf32, #tpu.memory_space<vmem>>, vector<1x8x128xf32>
      %get3A_1364 = vector.shape_cast %get3A_1363 : vector<1x8x128xf32> to vector<8x128xf32>
      %max3A_1365 = arith.maximumf %max3A_1343, %get3A_1364 : vector<8x128xf32>
      %add3A_1366 = arith.addf %add3A_1344, %get3A_1364 : vector<8x128xf32>
      %mul3A_1367 = arith.constant 173 : i32
      %mul3A_1368 = arith.muli %scan3A_86, %mul3A_1367 : i32
      %add3A_1369 = arith.constant 116 : i32
      %add3A_1370 = arith.addi %mul3A_1368, %add3A_1369 : i32
      %get3A_1371 = arith.index_cast %add3A_1370 : i32 to index
      %get3A_1372 = arith.constant 0 : index
      %get3A_1373 = arith.constant 0 : index
      %get3A_1374 = vector.load %arg1[%get3A_1371, %get3A_1372, %get3A_1373] : memref<1733x8x128xf32, #tpu.memory_space<vmem>>, vector<1x8x128xf32>
      %get3A_1375 = vector.shape_cast %get3A_1374 : vector<1x8x128xf32> to vector<8x128xf32>
      %max3A_1376 = arith.maximumf %max3A_1354, %get3A_1375 : vector<8x128xf32>
      %add3A_1377 = arith.addf %add3A_1355, %get3A_1375 : vector<8x128xf32>
      %mul3A_1378 = arith.constant 173 : i32
      %mul3A_1379 = arith.muli %scan3A_86, %mul3A_1378 : i32
      %add3A_1380 = arith.constant 117 : i32
      %add3A_1381 = arith.addi %mul3A_1379, %add3A_1380 : i32
      %get3A_1382 = arith.index_cast %add3A_1381 : i32 to index
      %get3A_1383 = arith.constant 0 : index
      %get3A_1384 = arith.constant 0 : index
      %get3A_1385 = vector.load %arg1[%get3A_1382, %get3A_1383, %get3A_1384] : memref<1733x8x128xf32, #tpu.memory_space<vmem>>, vector<1x8x128xf32>
      %get3A_1386 = vector.shape_cast %get3A_1385 : vector<1x8x128xf32> to vector<8x128xf32>
      %max3A_1387 = arith.maximumf %max3A_1365, %get3A_1386 : vector<8x128xf32>
      %add3A_1388 = arith.addf %add3A_1366, %get3A_1386 : vector<8x128xf32>
      %mul3A_1389 = arith.constant 173 : i32
      %mul3A_1390 = arith.muli %scan3A_86, %mul3A_1389 : i32
      %add3A_1391 = arith.constant 118 : i32
      %add3A_1392 = arith.addi %mul3A_1390, %add3A_1391 : i32
      %get3A_1393 = arith.index_cast %add3A_1392 : i32 to index
      %get3A_1394 = arith.constant 0 : index
      %get3A_1395 = arith.constant 0 : index
      %get3A_1396 = vector.load %arg1[%get3A_1393, %get3A_1394, %get3A_1395] : memref<1733x8x128xf32, #tpu.memory_space<vmem>>, vector<1x8x128xf32>
      %get3A_1397 = vector.shape_cast %get3A_1396 : vector<1x8x128xf32> to vector<8x128xf32>
      %max3A_1398 = arith.maximumf %max3A_1376, %get3A_1397 : vector<8x128xf32>
      %add3A_1399 = arith.addf %add3A_1377, %get3A_1397 : vector<8x128xf32>
      %mul3A_1400 = arith.constant 173 : i32
      %mul3A_1401 = arith.muli %scan3A_86, %mul3A_1400 : i32
      %add3A_1402 = arith.constant 119 : i32
      %add3A_1403 = arith.addi %mul3A_1401, %add3A_1402 : i32
      %get3A_1404 = arith.index_cast %add3A_1403 : i32 to index
      %get3A_1405 = arith.constant 0 : index
      %get3A_1406 = arith.constant 0 : index
      %get3A_1407 = vector.load %arg1[%get3A_1404, %get3A_1405, %get3A_1406] : memref<1733x8x128xf32, #tpu.memory_space<vmem>>, vector<1x8x128xf32>
      %get3A_1408 = vector.shape_cast %get3A_1407 : vector<1x8x128xf32> to vector<8x128xf32>
      %max3A_1409 = arith.maximumf %max3A_1387, %get3A_1408 : vector<8x128xf32>
      %add3A_1410 = arith.addf %add3A_1388, %get3A_1408 : vector<8x128xf32>
      %mul3A_1411 = arith.constant 173 : i32
      %mul3A_1412 = arith.muli %scan3A_86, %mul3A_1411 : i32
      %add3A_1413 = arith.constant 120 : i32
      %add3A_1414 = arith.addi %mul3A_1412, %add3A_1413 : i32
      %get3A_1415 = arith.index_cast %add3A_1414 : i32 to index
      %get3A_1416 = arith.constant 0 : index
      %get3A_1417 = arith.constant 0 : index
      %get3A_1418 = vector.load %arg1[%get3A_1415, %get3A_1416, %get3A_1417] : memref<1733x8x128xf32, #tpu.memory_space<vmem>>, vector<1x8x128xf32>
      %get3A_1419 = vector.shape_cast %get3A_1418 : vector<1x8x128xf32> to vector<8x128xf32>
      %max3A_1420 = arith.maximumf %max3A_1398, %get3A_1419 : vector<8x128xf32>
      %add3A_1421 = arith.addf %add3A_1399, %get3A_1419 : vector<8x128xf32>
      %mul3A_1422 = arith.constant 173 : i32
      %mul3A_1423 = arith.muli %scan3A_86, %mul3A_1422 : i32
      %add3A_1424 = arith.constant 121 : i32
      %add3A_1425 = arith.addi %mul3A_1423, %add3A_1424 : i32
      %get3A_1426 = arith.index_cast %add3A_1425 : i32 to index
      %get3A_1427 = arith.constant 0 : index
      %get3A_1428 = arith.constant 0 : index
      %get3A_1429 = vector.load %arg1[%get3A_1426, %get3A_1427, %get3A_1428] : memref<1733x8x128xf32, #tpu.memory_space<vmem>>, vector<1x8x128xf32>
      %get3A_1430 = vector.shape_cast %get3A_1429 : vector<1x8x128xf32> to vector<8x128xf32>
      %max3A_1431 = arith.maximumf %max3A_1409, %get3A_1430 : vector<8x128xf32>
      %add3A_1432 = arith.addf %add3A_1410, %get3A_1430 : vector<8x128xf32>
      %mul3A_1433 = arith.constant 173 : i32
      %mul3A_1434 = arith.muli %scan3A_86, %mul3A_1433 : i32
      %add3A_1435 = arith.constant 122 : i32
      %add3A_1436 = arith.addi %mul3A_1434, %add3A_1435 : i32
      %get3A_1437 = arith.index_cast %add3A_1436 : i32 to index
      %get3A_1438 = arith.constant 0 : index
      %get3A_1439 = arith.constant 0 : index
      %get3A_1440 = vector.load %arg1[%get3A_1437, %get3A_1438, %get3A_1439] : memref<1733x8x128xf32, #tpu.memory_space<vmem>>, vector<1x8x128xf32>
      %get3A_1441 = vector.shape_cast %get3A_1440 : vector<1x8x128xf32> to vector<8x128xf32>
      %max3A_1442 = arith.maximumf %max3A_1420, %get3A_1441 : vector<8x128xf32>
      %add3A_1443 = arith.addf %add3A_1421, %get3A_1441 : vector<8x128xf32>
      %mul3A_1444 = arith.constant 173 : i32
      %mul3A_1445 = arith.muli %scan3A_86, %mul3A_1444 : i32
      %add3A_1446 = arith.constant 123 : i32
      %add3A_1447 = arith.addi %mul3A_1445, %add3A_1446 : i32
      %get3A_1448 = arith.index_cast %add3A_1447 : i32 to index
      %get3A_1449 = arith.constant 0 : index
      %get3A_1450 = arith.constant 0 : index
      %get3A_1451 = vector.load %arg1[%get3A_1448, %get3A_1449, %get3A_1450] : memref<1733x8x128xf32, #tpu.memory_space<vmem>>, vector<1x8x128xf32>
      %get3A_1452 = vector.shape_cast %get3A_1451 : vector<1x8x128xf32> to vector<8x128xf32>
      %max3A_1453 = arith.maximumf %max3A_1431, %get3A_1452 : vector<8x128xf32>
      %add3A_1454 = arith.addf %add3A_1432, %get3A_1452 : vector<8x128xf32>
      %mul3A_1455 = arith.constant 173 : i32
      %mul3A_1456 = arith.muli %scan3A_86, %mul3A_1455 : i32
      %add3A_1457 = arith.constant 124 : i32
      %add3A_1458 = arith.addi %mul3A_1456, %add3A_1457 : i32
      %get3A_1459 = arith.index_cast %add3A_1458 : i32 to index
      %get3A_1460 = arith.constant 0 : index
      %get3A_1461 = arith.constant 0 : index
      %get3A_1462 = vector.load %arg1[%get3A_1459, %get3A_1460, %get3A_1461] : memref<1733x8x128xf32, #tpu.memory_space<vmem>>, vector<1x8x128xf32>
      %get3A_1463 = vector.shape_cast %get3A_1462 : vector<1x8x128xf32> to vector<8x128xf32>
      %max3A_1464 = arith.maximumf %max3A_1442, %get3A_1463 : vector<8x128xf32>
      %add3A_1465 = arith.addf %add3A_1443, %get3A_1463 : vector<8x128xf32>
      %mul3A_1466 = arith.constant 173 : i32
      %mul3A_1467 = arith.muli %scan3A_86, %mul3A_1466 : i32
      %add3A_1468 = arith.constant 125 : i32
      %add3A_1469 = arith.addi %mul3A_1467, %add3A_1468 : i32
      %get3A_1470 = arith.index_cast %add3A_1469 : i32 to index
      %get3A_1471 = arith.constant 0 : index
      %get3A_1472 = arith.constant 0 : index
      %get3A_1473 = vector.load %arg1[%get3A_1470, %get3A_1471, %get3A_1472] : memref<1733x8x128xf32, #tpu.memory_space<vmem>>, vector<1x8x128xf32>
      %get3A_1474 = vector.shape_cast %get3A_1473 : vector<1x8x128xf32> to vector<8x128xf32>
      %max3A_1475 = arith.maximumf %max3A_1453, %get3A_1474 : vector<8x128xf32>
      %add3A_1476 = arith.addf %add3A_1454, %get3A_1474 : vector<8x128xf32>
      %mul3A_1477 = arith.constant 173 : i32
      %mul3A_1478 = arith.muli %scan3A_86, %mul3A_1477 : i32
      %add3A_1479 = arith.constant 126 : i32
      %add3A_1480 = arith.addi %mul3A_1478, %add3A_1479 : i32
      %get3A_1481 = arith.index_cast %add3A_1480 : i32 to index
      %get3A_1482 = arith.constant 0 : index
      %get3A_1483 = arith.constant 0 : index
      %get3A_1484 = vector.load %arg1[%get3A_1481, %get3A_1482, %get3A_1483] : memref<1733x8x128xf32, #tpu.memory_space<vmem>>, vector<1x8x128xf32>
      %get3A_1485 = vector.shape_cast %get3A_1484 : vector<1x8x128xf32> to vector<8x128xf32>
      %max3A_1486 = arith.maximumf %max3A_1464, %get3A_1485 : vector<8x128xf32>
      %add3A_1487 = arith.addf %add3A_1465, %get3A_1485 : vector<8x128xf32>
      %mul3A_1488 = arith.constant 173 : i32
      %mul3A_1489 = arith.muli %scan3A_86, %mul3A_1488 : i32
      %add3A_1490 = arith.constant 127 : i32
      %add3A_1491 = arith.addi %mul3A_1489, %add3A_1490 : i32
      %get3A_1492 = arith.index_cast %add3A_1491 : i32 to index
      %get3A_1493 = arith.constant 0 : index
      %get3A_1494 = arith.constant 0 : index
      %get3A_1495 = vector.load %arg1[%get3A_1492, %get3A_1493, %get3A_1494] : memref<1733x8x128xf32, #tpu.memory_space<vmem>>, vector<1x8x128xf32>
      %get3A_1496 = vector.shape_cast %get3A_1495 : vector<1x8x128xf32> to vector<8x128xf32>
      %max3A_1497 = arith.maximumf %max3A_1475, %get3A_1496 : vector<8x128xf32>
      %add3A_1498 = arith.addf %add3A_1476, %get3A_1496 : vector<8x128xf32>
      %mul3A_1499 = arith.constant 173 : i32
      %mul3A_1500 = arith.muli %scan3A_86, %mul3A_1499 : i32
      %add3A_1501 = arith.constant 128 : i32
      %add3A_1502 = arith.addi %mul3A_1500, %add3A_1501 : i32
      %get3A_1503 = arith.index_cast %add3A_1502 : i32 to index
      %get3A_1504 = arith.constant 0 : index
      %get3A_1505 = arith.constant 0 : index
      %get3A_1506 = vector.load %arg1[%get3A_1503, %get3A_1504, %get3A_1505] : memref<1733x8x128xf32, #tpu.memory_space<vmem>>, vector<1x8x128xf32>
      %get3A_1507 = vector.shape_cast %get3A_1506 : vector<1x8x128xf32> to vector<8x128xf32>
      %max3A_1508 = arith.maximumf %max3A_1486, %get3A_1507 : vector<8x128xf32>
      %add3A_1509 = arith.addf %add3A_1487, %get3A_1507 : vector<8x128xf32>
      %mul3A_1510 = arith.constant 173 : i32
      %mul3A_1511 = arith.muli %scan3A_86, %mul3A_1510 : i32
      %add3A_1512 = arith.constant 129 : i32
      %add3A_1513 = arith.addi %mul3A_1511, %add3A_1512 : i32
      %get3A_1514 = arith.index_cast %add3A_1513 : i32 to index
      %get3A_1515 = arith.constant 0 : index
      %get3A_1516 = arith.constant 0 : index
      %get3A_1517 = vector.load %arg1[%get3A_1514, %get3A_1515, %get3A_1516] : memref<1733x8x128xf32, #tpu.memory_space<vmem>>, vector<1x8x128xf32>
      %get3A_1518 = vector.shape_cast %get3A_1517 : vector<1x8x128xf32> to vector<8x128xf32>
      %max3A_1519 = arith.maximumf %max3A_1497, %get3A_1518 : vector<8x128xf32>
      %add3A_1520 = arith.addf %add3A_1498, %get3A_1518 : vector<8x128xf32>
      %mul3A_1521 = arith.constant 173 : i32
      %mul3A_1522 = arith.muli %scan3A_86, %mul3A_1521 : i32
      %add3A_1523 = arith.constant 130 : i32
      %add3A_1524 = arith.addi %mul3A_1522, %add3A_1523 : i32
      %get3A_1525 = arith.index_cast %add3A_1524 : i32 to index
      %get3A_1526 = arith.constant 0 : index
      %get3A_1527 = arith.constant 0 : index
      %get3A_1528 = vector.load %arg1[%get3A_1525, %get3A_1526, %get3A_1527] : memref<1733x8x128xf32, #tpu.memory_space<vmem>>, vector<1x8x128xf32>
      %get3A_1529 = vector.shape_cast %get3A_1528 : vector<1x8x128xf32> to vector<8x128xf32>
      %max3A_1530 = arith.maximumf %max3A_1508, %get3A_1529 : vector<8x128xf32>
      %add3A_1531 = arith.addf %add3A_1509, %get3A_1529 : vector<8x128xf32>
      %mul3A_1532 = arith.constant 173 : i32
      %mul3A_1533 = arith.muli %scan3A_86, %mul3A_1532 : i32
      %add3A_1534 = arith.constant 131 : i32
      %add3A_1535 = arith.addi %mul3A_1533, %add3A_1534 : i32
      %get3A_1536 = arith.index_cast %add3A_1535 : i32 to index
      %get3A_1537 = arith.constant 0 : index
      %get3A_1538 = arith.constant 0 : index
      %get3A_1539 = vector.load %arg1[%get3A_1536, %get3A_1537, %get3A_1538] : memref<1733x8x128xf32, #tpu.memory_space<vmem>>, vector<1x8x128xf32>
      %get3A_1540 = vector.shape_cast %get3A_1539 : vector<1x8x128xf32> to vector<8x128xf32>
      %max3A_1541 = arith.maximumf %max3A_1519, %get3A_1540 : vector<8x128xf32>
      %add3A_1542 = arith.addf %add3A_1520, %get3A_1540 : vector<8x128xf32>
      %mul3A_1543 = arith.constant 173 : i32
      %mul3A_1544 = arith.muli %scan3A_86, %mul3A_1543 : i32
      %add3A_1545 = arith.constant 132 : i32
      %add3A_1546 = arith.addi %mul3A_1544, %add3A_1545 : i32
      %get3A_1547 = arith.index_cast %add3A_1546 : i32 to index
      %get3A_1548 = arith.constant 0 : index
      %get3A_1549 = arith.constant 0 : index
      %get3A_1550 = vector.load %arg1[%get3A_1547, %get3A_1548, %get3A_1549] : memref<1733x8x128xf32, #tpu.memory_space<vmem>>, vector<1x8x128xf32>
      %get3A_1551 = vector.shape_cast %get3A_1550 : vector<1x8x128xf32> to vector<8x128xf32>
      %max3A_1552 = arith.maximumf %max3A_1530, %get3A_1551 : vector<8x128xf32>
      %add3A_1553 = arith.addf %add3A_1531, %get3A_1551 : vector<8x128xf32>
      %mul3A_1554 = arith.constant 173 : i32
      %mul3A_1555 = arith.muli %scan3A_86, %mul3A_1554 : i32
      %add3A_1556 = arith.constant 133 : i32
      %add3A_1557 = arith.addi %mul3A_1555, %add3A_1556 : i32
      %get3A_1558 = arith.index_cast %add3A_1557 : i32 to index
      %get3A_1559 = arith.constant 0 : index
      %get3A_1560 = arith.constant 0 : index
      %get3A_1561 = vector.load %arg1[%get3A_1558, %get3A_1559, %get3A_1560] : memref<1733x8x128xf32, #tpu.memory_space<vmem>>, vector<1x8x128xf32>
      %get3A_1562 = vector.shape_cast %get3A_1561 : vector<1x8x128xf32> to vector<8x128xf32>
      %max3A_1563 = arith.maximumf %max3A_1541, %get3A_1562 : vector<8x128xf32>
      %add3A_1564 = arith.addf %add3A_1542, %get3A_1562 : vector<8x128xf32>
      %mul3A_1565 = arith.constant 173 : i32
      %mul3A_1566 = arith.muli %scan3A_86, %mul3A_1565 : i32
      %add3A_1567 = arith.constant 134 : i32
      %add3A_1568 = arith.addi %mul3A_1566, %add3A_1567 : i32
      %get3A_1569 = arith.index_cast %add3A_1568 : i32 to index
      %get3A_1570 = arith.constant 0 : index
      %get3A_1571 = arith.constant 0 : index
      %get3A_1572 = vector.load %arg1[%get3A_1569, %get3A_1570, %get3A_1571] : memref<1733x8x128xf32, #tpu.memory_space<vmem>>, vector<1x8x128xf32>
      %get3A_1573 = vector.shape_cast %get3A_1572 : vector<1x8x128xf32> to vector<8x128xf32>
      %max3A_1574 = arith.maximumf %max3A_1552, %get3A_1573 : vector<8x128xf32>
      %add3A_1575 = arith.addf %add3A_1553, %get3A_1573 : vector<8x128xf32>
      %mul3A_1576 = arith.constant 173 : i32
      %mul3A_1577 = arith.muli %scan3A_86, %mul3A_1576 : i32
      %add3A_1578 = arith.constant 135 : i32
      %add3A_1579 = arith.addi %mul3A_1577, %add3A_1578 : i32
      %get3A_1580 = arith.index_cast %add3A_1579 : i32 to index
      %get3A_1581 = arith.constant 0 : index
      %get3A_1582 = arith.constant 0 : index
      %get3A_1583 = vector.load %arg1[%get3A_1580, %get3A_1581, %get3A_1582] : memref<1733x8x128xf32, #tpu.memory_space<vmem>>, vector<1x8x128xf32>
      %get3A_1584 = vector.shape_cast %get3A_1583 : vector<1x8x128xf32> to vector<8x128xf32>
      %max3A_1585 = arith.maximumf %max3A_1563, %get3A_1584 : vector<8x128xf32>
      %add3A_1586 = arith.addf %add3A_1564, %get3A_1584 : vector<8x128xf32>
      %mul3A_1587 = arith.constant 173 : i32
      %mul3A_1588 = arith.muli %scan3A_86, %mul3A_1587 : i32
      %add3A_1589 = arith.constant 136 : i32
      %add3A_1590 = arith.addi %mul3A_1588, %add3A_1589 : i32
      %get3A_1591 = arith.index_cast %add3A_1590 : i32 to index
      %get3A_1592 = arith.constant 0 : index
      %get3A_1593 = arith.constant 0 : index
      %get3A_1594 = vector.load %arg1[%get3A_1591, %get3A_1592, %get3A_1593] : memref<1733x8x128xf32, #tpu.memory_space<vmem>>, vector<1x8x128xf32>
      %get3A_1595 = vector.shape_cast %get3A_1594 : vector<1x8x128xf32> to vector<8x128xf32>
      %max3A_1596 = arith.maximumf %max3A_1574, %get3A_1595 : vector<8x128xf32>
      %add3A_1597 = arith.addf %add3A_1575, %get3A_1595 : vector<8x128xf32>
      %mul3A_1598 = arith.constant 173 : i32
      %mul3A_1599 = arith.muli %scan3A_86, %mul3A_1598 : i32
      %add3A_1600 = arith.constant 137 : i32
      %add3A_1601 = arith.addi %mul3A_1599, %add3A_1600 : i32
      %get3A_1602 = arith.index_cast %add3A_1601 : i32 to index
      %get3A_1603 = arith.constant 0 : index
      %get3A_1604 = arith.constant 0 : index
      %get3A_1605 = vector.load %arg1[%get3A_1602, %get3A_1603, %get3A_1604] : memref<1733x8x128xf32, #tpu.memory_space<vmem>>, vector<1x8x128xf32>
      %get3A_1606 = vector.shape_cast %get3A_1605 : vector<1x8x128xf32> to vector<8x128xf32>
      %max3A_1607 = arith.maximumf %max3A_1585, %get3A_1606 : vector<8x128xf32>
      %add3A_1608 = arith.addf %add3A_1586, %get3A_1606 : vector<8x128xf32>
      %mul3A_1609 = arith.constant 173 : i32
      %mul3A_1610 = arith.muli %scan3A_86, %mul3A_1609 : i32
      %add3A_1611 = arith.constant 138 : i32
      %add3A_1612 = arith.addi %mul3A_1610, %add3A_1611 : i32
      %get3A_1613 = arith.index_cast %add3A_1612 : i32 to index
      %get3A_1614 = arith.constant 0 : index
      %get3A_1615 = arith.constant 0 : index
      %get3A_1616 = vector.load %arg1[%get3A_1613, %get3A_1614, %get3A_1615] : memref<1733x8x128xf32, #tpu.memory_space<vmem>>, vector<1x8x128xf32>
      %get3A_1617 = vector.shape_cast %get3A_1616 : vector<1x8x128xf32> to vector<8x128xf32>
      %max3A_1618 = arith.maximumf %max3A_1596, %get3A_1617 : vector<8x128xf32>
      %add3A_1619 = arith.addf %add3A_1597, %get3A_1617 : vector<8x128xf32>
      %mul3A_1620 = arith.constant 173 : i32
      %mul3A_1621 = arith.muli %scan3A_86, %mul3A_1620 : i32
      %add3A_1622 = arith.constant 139 : i32
      %add3A_1623 = arith.addi %mul3A_1621, %add3A_1622 : i32
      %get3A_1624 = arith.index_cast %add3A_1623 : i32 to index
      %get3A_1625 = arith.constant 0 : index
      %get3A_1626 = arith.constant 0 : index
      %get3A_1627 = vector.load %arg1[%get3A_1624, %get3A_1625, %get3A_1626] : memref<1733x8x128xf32, #tpu.memory_space<vmem>>, vector<1x8x128xf32>
      %get3A_1628 = vector.shape_cast %get3A_1627 : vector<1x8x128xf32> to vector<8x128xf32>
      %max3A_1629 = arith.maximumf %max3A_1607, %get3A_1628 : vector<8x128xf32>
      %add3A_1630 = arith.addf %add3A_1608, %get3A_1628 : vector<8x128xf32>
      %mul3A_1631 = arith.constant 173 : i32
      %mul3A_1632 = arith.muli %scan3A_86, %mul3A_1631 : i32
      %add3A_1633 = arith.constant 140 : i32
      %add3A_1634 = arith.addi %mul3A_1632, %add3A_1633 : i32
      %get3A_1635 = arith.index_cast %add3A_1634 : i32 to index
      %get3A_1636 = arith.constant 0 : index
      %get3A_1637 = arith.constant 0 : index
      %get3A_1638 = vector.load %arg1[%get3A_1635, %get3A_1636, %get3A_1637] : memref<1733x8x128xf32, #tpu.memory_space<vmem>>, vector<1x8x128xf32>
      %get3A_1639 = vector.shape_cast %get3A_1638 : vector<1x8x128xf32> to vector<8x128xf32>
      %max3A_1640 = arith.maximumf %max3A_1618, %get3A_1639 : vector<8x128xf32>
      %add3A_1641 = arith.addf %add3A_1619, %get3A_1639 : vector<8x128xf32>
      %mul3A_1642 = arith.constant 173 : i32
      %mul3A_1643 = arith.muli %scan3A_86, %mul3A_1642 : i32
      %add3A_1644 = arith.constant 141 : i32
      %add3A_1645 = arith.addi %mul3A_1643, %add3A_1644 : i32
      %get3A_1646 = arith.index_cast %add3A_1645 : i32 to index
      %get3A_1647 = arith.constant 0 : index
      %get3A_1648 = arith.constant 0 : index
      %get3A_1649 = vector.load %arg1[%get3A_1646, %get3A_1647, %get3A_1648] : memref<1733x8x128xf32, #tpu.memory_space<vmem>>, vector<1x8x128xf32>
      %get3A_1650 = vector.shape_cast %get3A_1649 : vector<1x8x128xf32> to vector<8x128xf32>
      %max3A_1651 = arith.maximumf %max3A_1629, %get3A_1650 : vector<8x128xf32>
      %add3A_1652 = arith.addf %add3A_1630, %get3A_1650 : vector<8x128xf32>
      %mul3A_1653 = arith.constant 173 : i32
      %mul3A_1654 = arith.muli %scan3A_86, %mul3A_1653 : i32
      %add3A_1655 = arith.constant 142 : i32
      %add3A_1656 = arith.addi %mul3A_1654, %add3A_1655 : i32
      %get3A_1657 = arith.index_cast %add3A_1656 : i32 to index
      %get3A_1658 = arith.constant 0 : index
      %get3A_1659 = arith.constant 0 : index
      %get3A_1660 = vector.load %arg1[%get3A_1657, %get3A_1658, %get3A_1659] : memref<1733x8x128xf32, #tpu.memory_space<vmem>>, vector<1x8x128xf32>
      %get3A_1661 = vector.shape_cast %get3A_1660 : vector<1x8x128xf32> to vector<8x128xf32>
      %max3A_1662 = arith.maximumf %max3A_1640, %get3A_1661 : vector<8x128xf32>
      %add3A_1663 = arith.addf %add3A_1641, %get3A_1661 : vector<8x128xf32>
      %mul3A_1664 = arith.constant 173 : i32
      %mul3A_1665 = arith.muli %scan3A_86, %mul3A_1664 : i32
      %add3A_1666 = arith.constant 143 : i32
      %add3A_1667 = arith.addi %mul3A_1665, %add3A_1666 : i32
      %get3A_1668 = arith.index_cast %add3A_1667 : i32 to index
      %get3A_1669 = arith.constant 0 : index
      %get3A_1670 = arith.constant 0 : index
      %get3A_1671 = vector.load %arg1[%get3A_1668, %get3A_1669, %get3A_1670] : memref<1733x8x128xf32, #tpu.memory_space<vmem>>, vector<1x8x128xf32>
      %get3A_1672 = vector.shape_cast %get3A_1671 : vector<1x8x128xf32> to vector<8x128xf32>
      %max3A_1673 = arith.maximumf %max3A_1651, %get3A_1672 : vector<8x128xf32>
      %add3A_1674 = arith.addf %add3A_1652, %get3A_1672 : vector<8x128xf32>
      %mul3A_1675 = arith.constant 173 : i32
      %mul3A_1676 = arith.muli %scan3A_86, %mul3A_1675 : i32
      %add3A_1677 = arith.constant 144 : i32
      %add3A_1678 = arith.addi %mul3A_1676, %add3A_1677 : i32
      %get3A_1679 = arith.index_cast %add3A_1678 : i32 to index
      %get3A_1680 = arith.constant 0 : index
      %get3A_1681 = arith.constant 0 : index
      %get3A_1682 = vector.load %arg1[%get3A_1679, %get3A_1680, %get3A_1681] : memref<1733x8x128xf32, #tpu.memory_space<vmem>>, vector<1x8x128xf32>
      %get3A_1683 = vector.shape_cast %get3A_1682 : vector<1x8x128xf32> to vector<8x128xf32>
      %max3A_1684 = arith.maximumf %max3A_1662, %get3A_1683 : vector<8x128xf32>
      %add3A_1685 = arith.addf %add3A_1663, %get3A_1683 : vector<8x128xf32>
      %mul3A_1686 = arith.constant 173 : i32
      %mul3A_1687 = arith.muli %scan3A_86, %mul3A_1686 : i32
      %add3A_1688 = arith.constant 145 : i32
      %add3A_1689 = arith.addi %mul3A_1687, %add3A_1688 : i32
      %get3A_1690 = arith.index_cast %add3A_1689 : i32 to index
      %get3A_1691 = arith.constant 0 : index
      %get3A_1692 = arith.constant 0 : index
      %get3A_1693 = vector.load %arg1[%get3A_1690, %get3A_1691, %get3A_1692] : memref<1733x8x128xf32, #tpu.memory_space<vmem>>, vector<1x8x128xf32>
      %get3A_1694 = vector.shape_cast %get3A_1693 : vector<1x8x128xf32> to vector<8x128xf32>
      %max3A_1695 = arith.maximumf %max3A_1673, %get3A_1694 : vector<8x128xf32>
      %add3A_1696 = arith.addf %add3A_1674, %get3A_1694 : vector<8x128xf32>
      %mul3A_1697 = arith.constant 173 : i32
      %mul3A_1698 = arith.muli %scan3A_86, %mul3A_1697 : i32
      %add3A_1699 = arith.constant 146 : i32
      %add3A_1700 = arith.addi %mul3A_1698, %add3A_1699 : i32
      %get3A_1701 = arith.index_cast %add3A_1700 : i32 to index
      %get3A_1702 = arith.constant 0 : index
      %get3A_1703 = arith.constant 0 : index
      %get3A_1704 = vector.load %arg1[%get3A_1701, %get3A_1702, %get3A_1703] : memref<1733x8x128xf32, #tpu.memory_space<vmem>>, vector<1x8x128xf32>
      %get3A_1705 = vector.shape_cast %get3A_1704 : vector<1x8x128xf32> to vector<8x128xf32>
      %max3A_1706 = arith.maximumf %max3A_1684, %get3A_1705 : vector<8x128xf32>
      %add3A_1707 = arith.addf %add3A_1685, %get3A_1705 : vector<8x128xf32>
      %mul3A_1708 = arith.constant 173 : i32
      %mul3A_1709 = arith.muli %scan3A_86, %mul3A_1708 : i32
      %add3A_1710 = arith.constant 147 : i32
      %add3A_1711 = arith.addi %mul3A_1709, %add3A_1710 : i32
      %get3A_1712 = arith.index_cast %add3A_1711 : i32 to index
      %get3A_1713 = arith.constant 0 : index
      %get3A_1714 = arith.constant 0 : index
      %get3A_1715 = vector.load %arg1[%get3A_1712, %get3A_1713, %get3A_1714] : memref<1733x8x128xf32, #tpu.memory_space<vmem>>, vector<1x8x128xf32>
      %get3A_1716 = vector.shape_cast %get3A_1715 : vector<1x8x128xf32> to vector<8x128xf32>
      %max3A_1717 = arith.maximumf %max3A_1695, %get3A_1716 : vector<8x128xf32>
      %add3A_1718 = arith.addf %add3A_1696, %get3A_1716 : vector<8x128xf32>
      %mul3A_1719 = arith.constant 173 : i32
      %mul3A_1720 = arith.muli %scan3A_86, %mul3A_1719 : i32
      %add3A_1721 = arith.constant 148 : i32
      %add3A_1722 = arith.addi %mul3A_1720, %add3A_1721 : i32
      %get3A_1723 = arith.index_cast %add3A_1722 : i32 to index
      %get3A_1724 = arith.constant 0 : index
      %get3A_1725 = arith.constant 0 : index
      %get3A_1726 = vector.load %arg1[%get3A_1723, %get3A_1724, %get3A_1725] : memref<1733x8x128xf32, #tpu.memory_space<vmem>>, vector<1x8x128xf32>
      %get3A_1727 = vector.shape_cast %get3A_1726 : vector<1x8x128xf32> to vector<8x128xf32>
      %max3A_1728 = arith.maximumf %max3A_1706, %get3A_1727 : vector<8x128xf32>
      %add3A_1729 = arith.addf %add3A_1707, %get3A_1727 : vector<8x128xf32>
      %mul3A_1730 = arith.constant 173 : i32
      %mul3A_1731 = arith.muli %scan3A_86, %mul3A_1730 : i32
      %add3A_1732 = arith.constant 149 : i32
      %add3A_1733 = arith.addi %mul3A_1731, %add3A_1732 : i32
      %get3A_1734 = arith.index_cast %add3A_1733 : i32 to index
      %get3A_1735 = arith.constant 0 : index
      %get3A_1736 = arith.constant 0 : index
      %get3A_1737 = vector.load %arg1[%get3A_1734, %get3A_1735, %get3A_1736] : memref<1733x8x128xf32, #tpu.memory_space<vmem>>, vector<1x8x128xf32>
      %get3A_1738 = vector.shape_cast %get3A_1737 : vector<1x8x128xf32> to vector<8x128xf32>
      %max3A_1739 = arith.maximumf %max3A_1717, %get3A_1738 : vector<8x128xf32>
      %add3A_1740 = arith.addf %add3A_1718, %get3A_1738 : vector<8x128xf32>
      %mul3A_1741 = arith.constant 173 : i32
      %mul3A_1742 = arith.muli %scan3A_86, %mul3A_1741 : i32
      %add3A_1743 = arith.constant 150 : i32
      %add3A_1744 = arith.addi %mul3A_1742, %add3A_1743 : i32
      %get3A_1745 = arith.index_cast %add3A_1744 : i32 to index
      %get3A_1746 = arith.constant 0 : index
      %get3A_1747 = arith.constant 0 : index
      %get3A_1748 = vector.load %arg1[%get3A_1745, %get3A_1746, %get3A_1747] : memref<1733x8x128xf32, #tpu.memory_space<vmem>>, vector<1x8x128xf32>
      %get3A_1749 = vector.shape_cast %get3A_1748 : vector<1x8x128xf32> to vector<8x128xf32>
      %max3A_1750 = arith.maximumf %max3A_1728, %get3A_1749 : vector<8x128xf32>
      %add3A_1751 = arith.addf %add3A_1729, %get3A_1749 : vector<8x128xf32>
      %mul3A_1752 = arith.constant 173 : i32
      %mul3A_1753 = arith.muli %scan3A_86, %mul3A_1752 : i32
      %add3A_1754 = arith.constant 151 : i32
      %add3A_1755 = arith.addi %mul3A_1753, %add3A_1754 : i32
      %get3A_1756 = arith.index_cast %add3A_1755 : i32 to index
      %get3A_1757 = arith.constant 0 : index
      %get3A_1758 = arith.constant 0 : index
      %get3A_1759 = vector.load %arg1[%get3A_1756, %get3A_1757, %get3A_1758] : memref<1733x8x128xf32, #tpu.memory_space<vmem>>, vector<1x8x128xf32>
      %get3A_1760 = vector.shape_cast %get3A_1759 : vector<1x8x128xf32> to vector<8x128xf32>
      %max3A_1761 = arith.maximumf %max3A_1739, %get3A_1760 : vector<8x128xf32>
      %add3A_1762 = arith.addf %add3A_1740, %get3A_1760 : vector<8x128xf32>
      %mul3A_1763 = arith.constant 173 : i32
      %mul3A_1764 = arith.muli %scan3A_86, %mul3A_1763 : i32
      %add3A_1765 = arith.constant 152 : i32
      %add3A_1766 = arith.addi %mul3A_1764, %add3A_1765 : i32
      %get3A_1767 = arith.index_cast %add3A_1766 : i32 to index
      %get3A_1768 = arith.constant 0 : index
      %get3A_1769 = arith.constant 0 : index
      %get3A_1770 = vector.load %arg1[%get3A_1767, %get3A_1768, %get3A_1769] : memref<1733x8x128xf32, #tpu.memory_space<vmem>>, vector<1x8x128xf32>
      %get3A_1771 = vector.shape_cast %get3A_1770 : vector<1x8x128xf32> to vector<8x128xf32>
      %max3A_1772 = arith.maximumf %max3A_1750, %get3A_1771 : vector<8x128xf32>
      %add3A_1773 = arith.addf %add3A_1751, %get3A_1771 : vector<8x128xf32>
      %mul3A_1774 = arith.constant 173 : i32
      %mul3A_1775 = arith.muli %scan3A_86, %mul3A_1774 : i32
      %add3A_1776 = arith.constant 153 : i32
      %add3A_1777 = arith.addi %mul3A_1775, %add3A_1776 : i32
      %get3A_1778 = arith.index_cast %add3A_1777 : i32 to index
      %get3A_1779 = arith.constant 0 : index
      %get3A_1780 = arith.constant 0 : index
      %get3A_1781 = vector.load %arg1[%get3A_1778, %get3A_1779, %get3A_1780] : memref<1733x8x128xf32, #tpu.memory_space<vmem>>, vector<1x8x128xf32>
      %get3A_1782 = vector.shape_cast %get3A_1781 : vector<1x8x128xf32> to vector<8x128xf32>
      %max3A_1783 = arith.maximumf %max3A_1761, %get3A_1782 : vector<8x128xf32>
      %add3A_1784 = arith.addf %add3A_1762, %get3A_1782 : vector<8x128xf32>
      %mul3A_1785 = arith.constant 173 : i32
      %mul3A_1786 = arith.muli %scan3A_86, %mul3A_1785 : i32
      %add3A_1787 = arith.constant 154 : i32
      %add3A_1788 = arith.addi %mul3A_1786, %add3A_1787 : i32
      %get3A_1789 = arith.index_cast %add3A_1788 : i32 to index
      %get3A_1790 = arith.constant 0 : index
      %get3A_1791 = arith.constant 0 : index
      %get3A_1792 = vector.load %arg1[%get3A_1789, %get3A_1790, %get3A_1791] : memref<1733x8x128xf32, #tpu.memory_space<vmem>>, vector<1x8x128xf32>
      %get3A_1793 = vector.shape_cast %get3A_1792 : vector<1x8x128xf32> to vector<8x128xf32>
      %max3A_1794 = arith.maximumf %max3A_1772, %get3A_1793 : vector<8x128xf32>
      %add3A_1795 = arith.addf %add3A_1773, %get3A_1793 : vector<8x128xf32>
      %mul3A_1796 = arith.constant 173 : i32
      %mul3A_1797 = arith.muli %scan3A_86, %mul3A_1796 : i32
      %add3A_1798 = arith.constant 155 : i32
      %add3A_1799 = arith.addi %mul3A_1797, %add3A_1798 : i32
      %get3A_1800 = arith.index_cast %add3A_1799 : i32 to index
      %get3A_1801 = arith.constant 0 : index
      %get3A_1802 = arith.constant 0 : index
      %get3A_1803 = vector.load %arg1[%get3A_1800, %get3A_1801, %get3A_1802] : memref<1733x8x128xf32, #tpu.memory_space<vmem>>, vector<1x8x128xf32>
      %get3A_1804 = vector.shape_cast %get3A_1803 : vector<1x8x128xf32> to vector<8x128xf32>
      %max3A_1805 = arith.maximumf %max3A_1783, %get3A_1804 : vector<8x128xf32>
      %add3A_1806 = arith.addf %add3A_1784, %get3A_1804 : vector<8x128xf32>
      %mul3A_1807 = arith.constant 173 : i32
      %mul3A_1808 = arith.muli %scan3A_86, %mul3A_1807 : i32
      %add3A_1809 = arith.constant 156 : i32
      %add3A_1810 = arith.addi %mul3A_1808, %add3A_1809 : i32
      %get3A_1811 = arith.index_cast %add3A_1810 : i32 to index
      %get3A_1812 = arith.constant 0 : index
      %get3A_1813 = arith.constant 0 : index
      %get3A_1814 = vector.load %arg1[%get3A_1811, %get3A_1812, %get3A_1813] : memref<1733x8x128xf32, #tpu.memory_space<vmem>>, vector<1x8x128xf32>
      %get3A_1815 = vector.shape_cast %get3A_1814 : vector<1x8x128xf32> to vector<8x128xf32>
      %max3A_1816 = arith.maximumf %max3A_1794, %get3A_1815 : vector<8x128xf32>
      %add3A_1817 = arith.addf %add3A_1795, %get3A_1815 : vector<8x128xf32>
      %mul3A_1818 = arith.constant 173 : i32
      %mul3A_1819 = arith.muli %scan3A_86, %mul3A_1818 : i32
      %add3A_1820 = arith.constant 157 : i32
      %add3A_1821 = arith.addi %mul3A_1819, %add3A_1820 : i32
      %get3A_1822 = arith.index_cast %add3A_1821 : i32 to index
      %get3A_1823 = arith.constant 0 : index
      %get3A_1824 = arith.constant 0 : index
      %get3A_1825 = vector.load %arg1[%get3A_1822, %get3A_1823, %get3A_1824] : memref<1733x8x128xf32, #tpu.memory_space<vmem>>, vector<1x8x128xf32>
      %get3A_1826 = vector.shape_cast %get3A_1825 : vector<1x8x128xf32> to vector<8x128xf32>
      %max3A_1827 = arith.maximumf %max3A_1805, %get3A_1826 : vector<8x128xf32>
      %add3A_1828 = arith.addf %add3A_1806, %get3A_1826 : vector<8x128xf32>
      %mul3A_1829 = arith.constant 173 : i32
      %mul3A_1830 = arith.muli %scan3A_86, %mul3A_1829 : i32
      %add3A_1831 = arith.constant 158 : i32
      %add3A_1832 = arith.addi %mul3A_1830, %add3A_1831 : i32
      %get3A_1833 = arith.index_cast %add3A_1832 : i32 to index
      %get3A_1834 = arith.constant 0 : index
      %get3A_1835 = arith.constant 0 : index
      %get3A_1836 = vector.load %arg1[%get3A_1833, %get3A_1834, %get3A_1835] : memref<1733x8x128xf32, #tpu.memory_space<vmem>>, vector<1x8x128xf32>
      %get3A_1837 = vector.shape_cast %get3A_1836 : vector<1x8x128xf32> to vector<8x128xf32>
      %max3A_1838 = arith.maximumf %max3A_1816, %get3A_1837 : vector<8x128xf32>
      %add3A_1839 = arith.addf %add3A_1817, %get3A_1837 : vector<8x128xf32>
      %mul3A_1840 = arith.constant 173 : i32
      %mul3A_1841 = arith.muli %scan3A_86, %mul3A_1840 : i32
      %add3A_1842 = arith.constant 159 : i32
      %add3A_1843 = arith.addi %mul3A_1841, %add3A_1842 : i32
      %get3A_1844 = arith.index_cast %add3A_1843 : i32 to index
      %get3A_1845 = arith.constant 0 : index
      %get3A_1846 = arith.constant 0 : index
      %get3A_1847 = vector.load %arg1[%get3A_1844, %get3A_1845, %get3A_1846] : memref<1733x8x128xf32, #tpu.memory_space<vmem>>, vector<1x8x128xf32>
      %get3A_1848 = vector.shape_cast %get3A_1847 : vector<1x8x128xf32> to vector<8x128xf32>
      %max3A_1849 = arith.maximumf %max3A_1827, %get3A_1848 : vector<8x128xf32>
      %add3A_1850 = arith.addf %add3A_1828, %get3A_1848 : vector<8x128xf32>
      %mul3A_1851 = arith.constant 173 : i32
      %mul3A_1852 = arith.muli %scan3A_86, %mul3A_1851 : i32
      %add3A_1853 = arith.constant 160 : i32
      %add3A_1854 = arith.addi %mul3A_1852, %add3A_1853 : i32
      %get3A_1855 = arith.index_cast %add3A_1854 : i32 to index
      %get3A_1856 = arith.constant 0 : index
      %get3A_1857 = arith.constant 0 : index
      %get3A_1858 = vector.load %arg1[%get3A_1855, %get3A_1856, %get3A_1857] : memref<1733x8x128xf32, #tpu.memory_space<vmem>>, vector<1x8x128xf32>
      %get3A_1859 = vector.shape_cast %get3A_1858 : vector<1x8x128xf32> to vector<8x128xf32>
      %max3A_1860 = arith.maximumf %max3A_1838, %get3A_1859 : vector<8x128xf32>
      %add3A_1861 = arith.addf %add3A_1839, %get3A_1859 : vector<8x128xf32>
      %mul3A_1862 = arith.constant 173 : i32
      %mul3A_1863 = arith.muli %scan3A_86, %mul3A_1862 : i32
      %add3A_1864 = arith.constant 161 : i32
      %add3A_1865 = arith.addi %mul3A_1863, %add3A_1864 : i32
      %get3A_1866 = arith.index_cast %add3A_1865 : i32 to index
      %get3A_1867 = arith.constant 0 : index
      %get3A_1868 = arith.constant 0 : index
      %get3A_1869 = vector.load %arg1[%get3A_1866, %get3A_1867, %get3A_1868] : memref<1733x8x128xf32, #tpu.memory_space<vmem>>, vector<1x8x128xf32>
      %get3A_1870 = vector.shape_cast %get3A_1869 : vector<1x8x128xf32> to vector<8x128xf32>
      %max3A_1871 = arith.maximumf %max3A_1849, %get3A_1870 : vector<8x128xf32>
      %add3A_1872 = arith.addf %add3A_1850, %get3A_1870 : vector<8x128xf32>
      %mul3A_1873 = arith.constant 173 : i32
      %mul3A_1874 = arith.muli %scan3A_86, %mul3A_1873 : i32
      %add3A_1875 = arith.constant 162 : i32
      %add3A_1876 = arith.addi %mul3A_1874, %add3A_1875 : i32
      %get3A_1877 = arith.index_cast %add3A_1876 : i32 to index
      %get3A_1878 = arith.constant 0 : index
      %get3A_1879 = arith.constant 0 : index
      %get3A_1880 = vector.load %arg1[%get3A_1877, %get3A_1878, %get3A_1879] : memref<1733x8x128xf32, #tpu.memory_space<vmem>>, vector<1x8x128xf32>
      %get3A_1881 = vector.shape_cast %get3A_1880 : vector<1x8x128xf32> to vector<8x128xf32>
      %max3A_1882 = arith.maximumf %max3A_1860, %get3A_1881 : vector<8x128xf32>
      %add3A_1883 = arith.addf %add3A_1861, %get3A_1881 : vector<8x128xf32>
      %mul3A_1884 = arith.constant 173 : i32
      %mul3A_1885 = arith.muli %scan3A_86, %mul3A_1884 : i32
      %add3A_1886 = arith.constant 163 : i32
      %add3A_1887 = arith.addi %mul3A_1885, %add3A_1886 : i32
      %get3A_1888 = arith.index_cast %add3A_1887 : i32 to index
      %get3A_1889 = arith.constant 0 : index
      %get3A_1890 = arith.constant 0 : index
      %get3A_1891 = vector.load %arg1[%get3A_1888, %get3A_1889, %get3A_1890] : memref<1733x8x128xf32, #tpu.memory_space<vmem>>, vector<1x8x128xf32>
      %get3A_1892 = vector.shape_cast %get3A_1891 : vector<1x8x128xf32> to vector<8x128xf32>
      %max3A_1893 = arith.maximumf %max3A_1871, %get3A_1892 : vector<8x128xf32>
      %add3A_1894 = arith.addf %add3A_1872, %get3A_1892 : vector<8x128xf32>
      %mul3A_1895 = arith.constant 173 : i32
      %mul3A_1896 = arith.muli %scan3A_86, %mul3A_1895 : i32
      %add3A_1897 = arith.constant 164 : i32
      %add3A_1898 = arith.addi %mul3A_1896, %add3A_1897 : i32
      %get3A_1899 = arith.index_cast %add3A_1898 : i32 to index
      %get3A_1900 = arith.constant 0 : index
      %get3A_1901 = arith.constant 0 : index
      %get3A_1902 = vector.load %arg1[%get3A_1899, %get3A_1900, %get3A_1901] : memref<1733x8x128xf32, #tpu.memory_space<vmem>>, vector<1x8x128xf32>
      %get3A_1903 = vector.shape_cast %get3A_1902 : vector<1x8x128xf32> to vector<8x128xf32>
      %max3A_1904 = arith.maximumf %max3A_1882, %get3A_1903 : vector<8x128xf32>
      %add3A_1905 = arith.addf %add3A_1883, %get3A_1903 : vector<8x128xf32>
      %mul3A_1906 = arith.constant 173 : i32
      %mul3A_1907 = arith.muli %scan3A_86, %mul3A_1906 : i32
      %add3A_1908 = arith.constant 165 : i32
      %add3A_1909 = arith.addi %mul3A_1907, %add3A_1908 : i32
      %get3A_1910 = arith.index_cast %add3A_1909 : i32 to index
      %get3A_1911 = arith.constant 0 : index
      %get3A_1912 = arith.constant 0 : index
      %get3A_1913 = vector.load %arg1[%get3A_1910, %get3A_1911, %get3A_1912] : memref<1733x8x128xf32, #tpu.memory_space<vmem>>, vector<1x8x128xf32>
      %get3A_1914 = vector.shape_cast %get3A_1913 : vector<1x8x128xf32> to vector<8x128xf32>
      %max3A_1915 = arith.maximumf %max3A_1893, %get3A_1914 : vector<8x128xf32>
      %add3A_1916 = arith.addf %add3A_1894, %get3A_1914 : vector<8x128xf32>
      %mul3A_1917 = arith.constant 173 : i32
      %mul3A_1918 = arith.muli %scan3A_86, %mul3A_1917 : i32
      %add3A_1919 = arith.constant 166 : i32
      %add3A_1920 = arith.addi %mul3A_1918, %add3A_1919 : i32
      %get3A_1921 = arith.index_cast %add3A_1920 : i32 to index
      %get3A_1922 = arith.constant 0 : index
      %get3A_1923 = arith.constant 0 : index
      %get3A_1924 = vector.load %arg1[%get3A_1921, %get3A_1922, %get3A_1923] : memref<1733x8x128xf32, #tpu.memory_space<vmem>>, vector<1x8x128xf32>
      %get3A_1925 = vector.shape_cast %get3A_1924 : vector<1x8x128xf32> to vector<8x128xf32>
      %max3A_1926 = arith.maximumf %max3A_1904, %get3A_1925 : vector<8x128xf32>
      %add3A_1927 = arith.addf %add3A_1905, %get3A_1925 : vector<8x128xf32>
      %mul3A_1928 = arith.constant 173 : i32
      %mul3A_1929 = arith.muli %scan3A_86, %mul3A_1928 : i32
      %add3A_1930 = arith.constant 167 : i32
      %add3A_1931 = arith.addi %mul3A_1929, %add3A_1930 : i32
      %get3A_1932 = arith.index_cast %add3A_1931 : i32 to index
      %get3A_1933 = arith.constant 0 : index
      %get3A_1934 = arith.constant 0 : index
      %get3A_1935 = vector.load %arg1[%get3A_1932, %get3A_1933, %get3A_1934] : memref<1733x8x128xf32, #tpu.memory_space<vmem>>, vector<1x8x128xf32>
      %get3A_1936 = vector.shape_cast %get3A_1935 : vector<1x8x128xf32> to vector<8x128xf32>
      %max3A_1937 = arith.maximumf %max3A_1915, %get3A_1936 : vector<8x128xf32>
      %add3A_1938 = arith.addf %add3A_1916, %get3A_1936 : vector<8x128xf32>
      %mul3A_1939 = arith.constant 173 : i32
      %mul3A_1940 = arith.muli %scan3A_86, %mul3A_1939 : i32
      %add3A_1941 = arith.constant 168 : i32
      %add3A_1942 = arith.addi %mul3A_1940, %add3A_1941 : i32
      %get3A_1943 = arith.index_cast %add3A_1942 : i32 to index
      %get3A_1944 = arith.constant 0 : index
      %get3A_1945 = arith.constant 0 : index
      %get3A_1946 = vector.load %arg1[%get3A_1943, %get3A_1944, %get3A_1945] : memref<1733x8x128xf32, #tpu.memory_space<vmem>>, vector<1x8x128xf32>
      %get3A_1947 = vector.shape_cast %get3A_1946 : vector<1x8x128xf32> to vector<8x128xf32>
      %max3A_1948 = arith.maximumf %max3A_1926, %get3A_1947 : vector<8x128xf32>
      %add3A_1949 = arith.addf %add3A_1927, %get3A_1947 : vector<8x128xf32>
      %mul3A_1950 = arith.constant 173 : i32
      %mul3A_1951 = arith.muli %scan3A_86, %mul3A_1950 : i32
      %add3A_1952 = arith.constant 169 : i32
      %add3A_1953 = arith.addi %mul3A_1951, %add3A_1952 : i32
      %get3A_1954 = arith.index_cast %add3A_1953 : i32 to index
      %get3A_1955 = arith.constant 0 : index
      %get3A_1956 = arith.constant 0 : index
      %get3A_1957 = vector.load %arg1[%get3A_1954, %get3A_1955, %get3A_1956] : memref<1733x8x128xf32, #tpu.memory_space<vmem>>, vector<1x8x128xf32>
      %get3A_1958 = vector.shape_cast %get3A_1957 : vector<1x8x128xf32> to vector<8x128xf32>
      %max3A_1959 = arith.maximumf %max3A_1937, %get3A_1958 : vector<8x128xf32>
      %add3A_1960 = arith.addf %add3A_1938, %get3A_1958 : vector<8x128xf32>
      %mul3A_1961 = arith.constant 173 : i32
      %mul3A_1962 = arith.muli %scan3A_86, %mul3A_1961 : i32
      %add3A_1963 = arith.constant 170 : i32
      %add3A_1964 = arith.addi %mul3A_1962, %add3A_1963 : i32
      %get3A_1965 = arith.index_cast %add3A_1964 : i32 to index
      %get3A_1966 = arith.constant 0 : index
      %get3A_1967 = arith.constant 0 : index
      %get3A_1968 = vector.load %arg1[%get3A_1965, %get3A_1966, %get3A_1967] : memref<1733x8x128xf32, #tpu.memory_space<vmem>>, vector<1x8x128xf32>
      %get3A_1969 = vector.shape_cast %get3A_1968 : vector<1x8x128xf32> to vector<8x128xf32>
      %max3A_1970 = arith.maximumf %max3A_1948, %get3A_1969 : vector<8x128xf32>
      %add3A_1971 = arith.addf %add3A_1949, %get3A_1969 : vector<8x128xf32>
      %mul3A_1972 = arith.constant 173 : i32
      %mul3A_1973 = arith.muli %scan3A_86, %mul3A_1972 : i32
      %add3A_1974 = arith.constant 171 : i32
      %add3A_1975 = arith.addi %mul3A_1973, %add3A_1974 : i32
      %get3A_1976 = arith.index_cast %add3A_1975 : i32 to index
      %get3A_1977 = arith.constant 0 : index
      %get3A_1978 = arith.constant 0 : index
      %get3A_1979 = vector.load %arg1[%get3A_1976, %get3A_1977, %get3A_1978] : memref<1733x8x128xf32, #tpu.memory_space<vmem>>, vector<1x8x128xf32>
      %get3A_1980 = vector.shape_cast %get3A_1979 : vector<1x8x128xf32> to vector<8x128xf32>
      %max3A_1981 = arith.maximumf %max3A_1959, %get3A_1980 : vector<8x128xf32>
      %add3A_1982 = arith.addf %add3A_1960, %get3A_1980 : vector<8x128xf32>
      %mul3A_1983 = arith.constant 173 : i32
      %mul3A_1984 = arith.muli %scan3A_86, %mul3A_1983 : i32
      %add3A_1985 = arith.constant 172 : i32
      %add3A_1986 = arith.addi %mul3A_1984, %add3A_1985 : i32
      %get3A_1987 = arith.index_cast %add3A_1986 : i32 to index
      %get3A_1988 = arith.constant 0 : index
      %get3A_1989 = arith.constant 0 : index
      %get3A_1990 = vector.load %arg1[%get3A_1987, %get3A_1988, %get3A_1989] : memref<1733x8x128xf32, #tpu.memory_space<vmem>>, vector<1x8x128xf32>
      %get3A_1991 = vector.shape_cast %get3A_1990 : vector<1x8x128xf32> to vector<8x128xf32>
      %max3A_1992 = arith.maximumf %max3A_1970, %get3A_1991 : vector<8x128xf32>
      %add3A_1993 = arith.addf %add3A_1971, %get3A_1991 : vector<8x128xf32>
      scf.yield %max3A_1992, %max3A_1981, %add3A_1993, %add3A_1982 : vector<8x128xf32>, vector<8x128xf32>, vector<8x128xf32>, vector<8x128xf32>
    }
    %scan3A_9 = arith.constant 10 : i32
    %get3A = arith.constant 1730 : index
    %get3A_10 = arith.constant 0 : index
    %get3A_11 = arith.constant 0 : index
    %get3A_12 = vector.load %arg1[%get3A, %get3A_10, %get3A_11] : memref<1733x8x128xf32, #tpu.memory_space<vmem>>, vector<1x8x128xf32>
    %get3A_13 = vector.shape_cast %get3A_12 : vector<1x8x128xf32> to vector<8x128xf32>
    %max3A = arith.maximumf %scan3A_8#0, %get3A_13 : vector<8x128xf32>
    %add3A = arith.addf %scan3A_8#2, %get3A_13 : vector<8x128xf32>
    %get3A_14 = arith.constant 1731 : index
    %get3A_15 = arith.constant 0 : index
    %get3A_16 = arith.constant 0 : index
    %get3A_17 = vector.load %arg1[%get3A_14, %get3A_15, %get3A_16] : memref<1733x8x128xf32, #tpu.memory_space<vmem>>, vector<1x8x128xf32>
    %get3A_18 = vector.shape_cast %get3A_17 : vector<1x8x128xf32> to vector<8x128xf32>
    %max3A_19 = arith.maximumf %max3A, %get3A_18 : vector<8x128xf32>
    %add3A_20 = arith.addf %add3A, %get3A_18 : vector<8x128xf32>
    %get3A_21 = arith.constant 1732 : index
    %get3A_22 = arith.constant 0 : index
    %get3A_23 = arith.constant 0 : index
    %get3A_24 = vector.load %arg1[%get3A_21, %get3A_22, %get3A_23] : memref<1733x8x128xf32, #tpu.memory_space<vmem>>, vector<1x8x128xf32>
    %get3A_25 = vector.shape_cast %get3A_24 : vector<1x8x128xf32> to vector<8x128xf32>
    %max3A_26 = arith.maximumf %max3A_19, %get3A_25 : vector<8x128xf32>
    %add3A_27 = arith.addf %add3A_20, %get3A_25 : vector<8x128xf32>
    %max3A_28 = arith.maximumf %max3A_26, %scan3A_8#1 : vector<8x128xf32>
    %get3A_29 = arith.constant 0 : index
    %get3A_30 = arith.constant 0 : index
    %get3A_31 = vector.load %arg4[%get3A_29, %get3A_30] : memref<8x128xf32, #tpu.memory_space<vmem>>, vector<8x128xf32>
    %max3A_32 = arith.maximumf %get3A_31, %max3A_28 : vector<8x128xf32>
    %scan3A_33 = arith.constant 0 : i32
    %scan3A_34 = arith.constant 10 : i32
    %scan3A_35 = arith.addi %scan3A_33, %scan3A_34 : i32
    %scan3A_36 = arith.constant 1 : i32
    %scan3A_37:2 = scf.for %scan3A_86 = %scan3A_33 to %scan3A_35 step %scan3A_36 iter_args(%scan3A_87 = %broadcast_in_dim3A_2, %scan3A_88 = %broadcast_in_dim3A_2) -> (vector<8x128xf32>, vector<8x128xf32>)  : i32 {
      %mul3A_89 = arith.constant 173 : i32
      %mul3A_90 = arith.muli %scan3A_86, %mul3A_89 : i32
      %add3A_91 = arith.constant 0 : i32
      %add3A_92 = arith.addi %mul3A_90, %add3A_91 : i32
      %get3A_93 = arith.index_cast %add3A_92 : i32 to index
      %get3A_94 = arith.constant 0 : index
      %get3A_95 = arith.constant 0 : index
      %get3A_96 = vector.load %arg1[%get3A_93, %get3A_94, %get3A_95] : memref<1733x8x128xf32, #tpu.memory_space<vmem>>, vector<1x8x128xf32>
      %get3A_97 = vector.shape_cast %get3A_96 : vector<1x8x128xf32> to vector<8x128xf32>
      %sub3A_98 = arith.subf %get3A_97, %max3A_32 : vector<8x128xf32>
      %exp3A_99 = math.exp %sub3A_98 : vector<8x128xf32>
      %add3A_100 = arith.addf %scan3A_87, %exp3A_99 : vector<8x128xf32>
      %mul3A_101 = arith.constant 173 : i32
      %mul3A_102 = arith.muli %scan3A_86, %mul3A_101 : i32
      %add3A_103 = arith.constant 1 : i32
      %add3A_104 = arith.addi %mul3A_102, %add3A_103 : i32
      %get3A_105 = arith.index_cast %add3A_104 : i32 to index
      %get3A_106 = arith.constant 0 : index
      %get3A_107 = arith.constant 0 : index
      %get3A_108 = vector.load %arg1[%get3A_105, %get3A_106, %get3A_107] : memref<1733x8x128xf32, #tpu.memory_space<vmem>>, vector<1x8x128xf32>
      %get3A_109 = vector.shape_cast %get3A_108 : vector<1x8x128xf32> to vector<8x128xf32>
      %sub3A_110 = arith.subf %get3A_109, %max3A_32 : vector<8x128xf32>
      %exp3A_111 = math.exp %sub3A_110 : vector<8x128xf32>
      %add3A_112 = arith.addf %scan3A_88, %exp3A_111 : vector<8x128xf32>
      %mul3A_113 = arith.constant 173 : i32
      %mul3A_114 = arith.muli %scan3A_86, %mul3A_113 : i32
      %add3A_115 = arith.constant 2 : i32
      %add3A_116 = arith.addi %mul3A_114, %add3A_115 : i32
      %get3A_117 = arith.index_cast %add3A_116 : i32 to index
      %get3A_118 = arith.constant 0 : index
      %get3A_119 = arith.constant 0 : index
      %get3A_120 = vector.load %arg1[%get3A_117, %get3A_118, %get3A_119] : memref<1733x8x128xf32, #tpu.memory_space<vmem>>, vector<1x8x128xf32>
      %get3A_121 = vector.shape_cast %get3A_120 : vector<1x8x128xf32> to vector<8x128xf32>
      %sub3A_122 = arith.subf %get3A_121, %max3A_32 : vector<8x128xf32>
      %exp3A_123 = math.exp %sub3A_122 : vector<8x128xf32>
      %add3A_124 = arith.addf %add3A_100, %exp3A_123 : vector<8x128xf32>
      %mul3A_125 = arith.constant 173 : i32
      %mul3A_126 = arith.muli %scan3A_86, %mul3A_125 : i32
      %add3A_127 = arith.constant 3 : i32
      %add3A_128 = arith.addi %mul3A_126, %add3A_127 : i32
      %get3A_129 = arith.index_cast %add3A_128 : i32 to index
      %get3A_130 = arith.constant 0 : index
      %get3A_131 = arith.constant 0 : index
      %get3A_132 = vector.load %arg1[%get3A_129, %get3A_130, %get3A_131] : memref<1733x8x128xf32, #tpu.memory_space<vmem>>, vector<1x8x128xf32>
      %get3A_133 = vector.shape_cast %get3A_132 : vector<1x8x128xf32> to vector<8x128xf32>
      %sub3A_134 = arith.subf %get3A_133, %max3A_32 : vector<8x128xf32>
      %exp3A_135 = math.exp %sub3A_134 : vector<8x128xf32>
      %add3A_136 = arith.addf %add3A_112, %exp3A_135 : vector<8x128xf32>
      %mul3A_137 = arith.constant 173 : i32
      %mul3A_138 = arith.muli %scan3A_86, %mul3A_137 : i32
      %add3A_139 = arith.constant 4 : i32
      %add3A_140 = arith.addi %mul3A_138, %add3A_139 : i32
      %get3A_141 = arith.index_cast %add3A_140 : i32 to index
      %get3A_142 = arith.constant 0 : index
      %get3A_143 = arith.constant 0 : index
      %get3A_144 = vector.load %arg1[%get3A_141, %get3A_142, %get3A_143] : memref<1733x8x128xf32, #tpu.memory_space<vmem>>, vector<1x8x128xf32>
      %get3A_145 = vector.shape_cast %get3A_144 : vector<1x8x128xf32> to vector<8x128xf32>
      %sub3A_146 = arith.subf %get3A_145, %max3A_32 : vector<8x128xf32>
      %exp3A_147 = math.exp %sub3A_146 : vector<8x128xf32>
      %add3A_148 = arith.addf %add3A_124, %exp3A_147 : vector<8x128xf32>
      %mul3A_149 = arith.constant 173 : i32
      %mul3A_150 = arith.muli %scan3A_86, %mul3A_149 : i32
      %add3A_151 = arith.constant 5 : i32
      %add3A_152 = arith.addi %mul3A_150, %add3A_151 : i32
      %get3A_153 = arith.index_cast %add3A_152 : i32 to index
      %get3A_154 = arith.constant 0 : index
      %get3A_155 = arith.constant 0 : index
      %get3A_156 = vector.load %arg1[%get3A_153, %get3A_154, %get3A_155] : memref<1733x8x128xf32, #tpu.memory_space<vmem>>, vector<1x8x128xf32>
      %get3A_157 = vector.shape_cast %get3A_156 : vector<1x8x128xf32> to vector<8x128xf32>
      %sub3A_158 = arith.subf %get3A_157, %max3A_32 : vector<8x128xf32>
      %exp3A_159 = math.exp %sub3A_158 : vector<8x128xf32>
      %add3A_160 = arith.addf %add3A_136, %exp3A_159 : vector<8x128xf32>
      %mul3A_161 = arith.constant 173 : i32
      %mul3A_162 = arith.muli %scan3A_86, %mul3A_161 : i32
      %add3A_163 = arith.constant 6 : i32
      %add3A_164 = arith.addi %mul3A_162, %add3A_163 : i32
      %get3A_165 = arith.index_cast %add3A_164 : i32 to index
      %get3A_166 = arith.constant 0 : index
      %get3A_167 = arith.constant 0 : index
      %get3A_168 = vector.load %arg1[%get3A_165, %get3A_166, %get3A_167] : memref<1733x8x128xf32, #tpu.memory_space<vmem>>, vector<1x8x128xf32>
      %get3A_169 = vector.shape_cast %get3A_168 : vector<1x8x128xf32> to vector<8x128xf32>
      %sub3A_170 = arith.subf %get3A_169, %max3A_32 : vector<8x128xf32>
      %exp3A_171 = math.exp %sub3A_170 : vector<8x128xf32>
      %add3A_172 = arith.addf %add3A_148, %exp3A_171 : vector<8x128xf32>
      %mul3A_173 = arith.constant 173 : i32
      %mul3A_174 = arith.muli %scan3A_86, %mul3A_173 : i32
      %add3A_175 = arith.constant 7 : i32
      %add3A_176 = arith.addi %mul3A_174, %add3A_175 : i32
      %get3A_177 = arith.index_cast %add3A_176 : i32 to index
      %get3A_178 = arith.constant 0 : index
      %get3A_179 = arith.constant 0 : index
      %get3A_180 = vector.load %arg1[%get3A_177, %get3A_178, %get3A_179] : memref<1733x8x128xf32, #tpu.memory_space<vmem>>, vector<1x8x128xf32>
      %get3A_181 = vector.shape_cast %get3A_180 : vector<1x8x128xf32> to vector<8x128xf32>
      %sub3A_182 = arith.subf %get3A_181, %max3A_32 : vector<8x128xf32>
      %exp3A_183 = math.exp %sub3A_182 : vector<8x128xf32>
      %add3A_184 = arith.addf %add3A_160, %exp3A_183 : vector<8x128xf32>
      %mul3A_185 = arith.constant 173 : i32
      %mul3A_186 = arith.muli %scan3A_86, %mul3A_185 : i32
      %add3A_187 = arith.constant 8 : i32
      %add3A_188 = arith.addi %mul3A_186, %add3A_187 : i32
      %get3A_189 = arith.index_cast %add3A_188 : i32 to index
      %get3A_190 = arith.constant 0 : index
      %get3A_191 = arith.constant 0 : index
      %get3A_192 = vector.load %arg1[%get3A_189, %get3A_190, %get3A_191] : memref<1733x8x128xf32, #tpu.memory_space<vmem>>, vector<1x8x128xf32>
      %get3A_193 = vector.shape_cast %get3A_192 : vector<1x8x128xf32> to vector<8x128xf32>
      %sub3A_194 = arith.subf %get3A_193, %max3A_32 : vector<8x128xf32>
      %exp3A_195 = math.exp %sub3A_194 : vector<8x128xf32>
      %add3A_196 = arith.addf %add3A_172, %exp3A_195 : vector<8x128xf32>
      %mul3A_197 = arith.constant 173 : i32
      %mul3A_198 = arith.muli %scan3A_86, %mul3A_197 : i32
      %add3A_199 = arith.constant 9 : i32
      %add3A_200 = arith.addi %mul3A_198, %add3A_199 : i32
      %get3A_201 = arith.index_cast %add3A_200 : i32 to index
      %get3A_202 = arith.constant 0 : index
      %get3A_203 = arith.constant 0 : index
      %get3A_204 = vector.load %arg1[%get3A_201, %get3A_202, %get3A_203] : memref<1733x8x128xf32, #tpu.memory_space<vmem>>, vector<1x8x128xf32>
      %get3A_205 = vector.shape_cast %get3A_204 : vector<1x8x128xf32> to vector<8x128xf32>
      %sub3A_206 = arith.subf %get3A_205, %max3A_32 : vector<8x128xf32>
      %exp3A_207 = math.exp %sub3A_206 : vector<8x128xf32>
      %add3A_208 = arith.addf %add3A_184, %exp3A_207 : vector<8x128xf32>
      %mul3A_209 = arith.constant 173 : i32
      %mul3A_210 = arith.muli %scan3A_86, %mul3A_209 : i32
      %add3A_211 = arith.constant 10 : i32
      %add3A_212 = arith.addi %mul3A_210, %add3A_211 : i32
      %get3A_213 = arith.index_cast %add3A_212 : i32 to index
      %get3A_214 = arith.constant 0 : index
      %get3A_215 = arith.constant 0 : index
      %get3A_216 = vector.load %arg1[%get3A_213, %get3A_214, %get3A_215] : memref<1733x8x128xf32, #tpu.memory_space<vmem>>, vector<1x8x128xf32>
      %get3A_217 = vector.shape_cast %get3A_216 : vector<1x8x128xf32> to vector<8x128xf32>
      %sub3A_218 = arith.subf %get3A_217, %max3A_32 : vector<8x128xf32>
      %exp3A_219 = math.exp %sub3A_218 : vector<8x128xf32>
      %add3A_220 = arith.addf %add3A_196, %exp3A_219 : vector<8x128xf32>
      %mul3A_221 = arith.constant 173 : i32
      %mul3A_222 = arith.muli %scan3A_86, %mul3A_221 : i32
      %add3A_223 = arith.constant 11 : i32
      %add3A_224 = arith.addi %mul3A_222, %add3A_223 : i32
      %get3A_225 = arith.index_cast %add3A_224 : i32 to index
      %get3A_226 = arith.constant 0 : index
      %get3A_227 = arith.constant 0 : index
      %get3A_228 = vector.load %arg1[%get3A_225, %get3A_226, %get3A_227] : memref<1733x8x128xf32, #tpu.memory_space<vmem>>, vector<1x8x128xf32>
      %get3A_229 = vector.shape_cast %get3A_228 : vector<1x8x128xf32> to vector<8x128xf32>
      %sub3A_230 = arith.subf %get3A_229, %max3A_32 : vector<8x128xf32>
      %exp3A_231 = math.exp %sub3A_230 : vector<8x128xf32>
      %add3A_232 = arith.addf %add3A_208, %exp3A_231 : vector<8x128xf32>
      %mul3A_233 = arith.constant 173 : i32
      %mul3A_234 = arith.muli %scan3A_86, %mul3A_233 : i32
      %add3A_235 = arith.constant 12 : i32
      %add3A_236 = arith.addi %mul3A_234, %add3A_235 : i32
      %get3A_237 = arith.index_cast %add3A_236 : i32 to index
      %get3A_238 = arith.constant 0 : index
      %get3A_239 = arith.constant 0 : index
      %get3A_240 = vector.load %arg1[%get3A_237, %get3A_238, %get3A_239] : memref<1733x8x128xf32, #tpu.memory_space<vmem>>, vector<1x8x128xf32>
      %get3A_241 = vector.shape_cast %get3A_240 : vector<1x8x128xf32> to vector<8x128xf32>
      %sub3A_242 = arith.subf %get3A_241, %max3A_32 : vector<8x128xf32>
      %exp3A_243 = math.exp %sub3A_242 : vector<8x128xf32>
      %add3A_244 = arith.addf %add3A_220, %exp3A_243 : vector<8x128xf32>
      %mul3A_245 = arith.constant 173 : i32
      %mul3A_246 = arith.muli %scan3A_86, %mul3A_245 : i32
      %add3A_247 = arith.constant 13 : i32
      %add3A_248 = arith.addi %mul3A_246, %add3A_247 : i32
      %get3A_249 = arith.index_cast %add3A_248 : i32 to index
      %get3A_250 = arith.constant 0 : index
      %get3A_251 = arith.constant 0 : index
      %get3A_252 = vector.load %arg1[%get3A_249, %get3A_250, %get3A_251] : memref<1733x8x128xf32, #tpu.memory_space<vmem>>, vector<1x8x128xf32>
      %get3A_253 = vector.shape_cast %get3A_252 : vector<1x8x128xf32> to vector<8x128xf32>
      %sub3A_254 = arith.subf %get3A_253, %max3A_32 : vector<8x128xf32>
      %exp3A_255 = math.exp %sub3A_254 : vector<8x128xf32>
      %add3A_256 = arith.addf %add3A_232, %exp3A_255 : vector<8x128xf32>
      %mul3A_257 = arith.constant 173 : i32
      %mul3A_258 = arith.muli %scan3A_86, %mul3A_257 : i32
      %add3A_259 = arith.constant 14 : i32
      %add3A_260 = arith.addi %mul3A_258, %add3A_259 : i32
      %get3A_261 = arith.index_cast %add3A_260 : i32 to index
      %get3A_262 = arith.constant 0 : index
      %get3A_263 = arith.constant 0 : index
      %get3A_264 = vector.load %arg1[%get3A_261, %get3A_262, %get3A_263] : memref<1733x8x128xf32, #tpu.memory_space<vmem>>, vector<1x8x128xf32>
      %get3A_265 = vector.shape_cast %get3A_264 : vector<1x8x128xf32> to vector<8x128xf32>
      %sub3A_266 = arith.subf %get3A_265, %max3A_32 : vector<8x128xf32>
      %exp3A_267 = math.exp %sub3A_266 : vector<8x128xf32>
      %add3A_268 = arith.addf %add3A_244, %exp3A_267 : vector<8x128xf32>
      %mul3A_269 = arith.constant 173 : i32
      %mul3A_270 = arith.muli %scan3A_86, %mul3A_269 : i32
      %add3A_271 = arith.constant 15 : i32
      %add3A_272 = arith.addi %mul3A_270, %add3A_271 : i32
      %get3A_273 = arith.index_cast %add3A_272 : i32 to index
      %get3A_274 = arith.constant 0 : index
      %get3A_275 = arith.constant 0 : index
      %get3A_276 = vector.load %arg1[%get3A_273, %get3A_274, %get3A_275] : memref<1733x8x128xf32, #tpu.memory_space<vmem>>, vector<1x8x128xf32>
      %get3A_277 = vector.shape_cast %get3A_276 : vector<1x8x128xf32> to vector<8x128xf32>
      %sub3A_278 = arith.subf %get3A_277, %max3A_32 : vector<8x128xf32>
      %exp3A_279 = math.exp %sub3A_278 : vector<8x128xf32>
      %add3A_280 = arith.addf %add3A_256, %exp3A_279 : vector<8x128xf32>
      %mul3A_281 = arith.constant 173 : i32
      %mul3A_282 = arith.muli %scan3A_86, %mul3A_281 : i32
      %add3A_283 = arith.constant 16 : i32
      %add3A_284 = arith.addi %mul3A_282, %add3A_283 : i32
      %get3A_285 = arith.index_cast %add3A_284 : i32 to index
      %get3A_286 = arith.constant 0 : index
      %get3A_287 = arith.constant 0 : index
      %get3A_288 = vector.load %arg1[%get3A_285, %get3A_286, %get3A_287] : memref<1733x8x128xf32, #tpu.memory_space<vmem>>, vector<1x8x128xf32>
      %get3A_289 = vector.shape_cast %get3A_288 : vector<1x8x128xf32> to vector<8x128xf32>
      %sub3A_290 = arith.subf %get3A_289, %max3A_32 : vector<8x128xf32>
      %exp3A_291 = math.exp %sub3A_290 : vector<8x128xf32>
      %add3A_292 = arith.addf %add3A_268, %exp3A_291 : vector<8x128xf32>
      %mul3A_293 = arith.constant 173 : i32
      %mul3A_294 = arith.muli %scan3A_86, %mul3A_293 : i32
      %add3A_295 = arith.constant 17 : i32
      %add3A_296 = arith.addi %mul3A_294, %add3A_295 : i32
      %get3A_297 = arith.index_cast %add3A_296 : i32 to index
      %get3A_298 = arith.constant 0 : index
      %get3A_299 = arith.constant 0 : index
      %get3A_300 = vector.load %arg1[%get3A_297, %get3A_298, %get3A_299] : memref<1733x8x128xf32, #tpu.memory_space<vmem>>, vector<1x8x128xf32>
      %get3A_301 = vector.shape_cast %get3A_300 : vector<1x8x128xf32> to vector<8x128xf32>
      %sub3A_302 = arith.subf %get3A_301, %max3A_32 : vector<8x128xf32>
      %exp3A_303 = math.exp %sub3A_302 : vector<8x128xf32>
      %add3A_304 = arith.addf %add3A_280, %exp3A_303 : vector<8x128xf32>
      %mul3A_305 = arith.constant 173 : i32
      %mul3A_306 = arith.muli %scan3A_86, %mul3A_305 : i32
      %add3A_307 = arith.constant 18 : i32
      %add3A_308 = arith.addi %mul3A_306, %add3A_307 : i32
      %get3A_309 = arith.index_cast %add3A_308 : i32 to index
      %get3A_310 = arith.constant 0 : index
      %get3A_311 = arith.constant 0 : index
      %get3A_312 = vector.load %arg1[%get3A_309, %get3A_310, %get3A_311] : memref<1733x8x128xf32, #tpu.memory_space<vmem>>, vector<1x8x128xf32>
      %get3A_313 = vector.shape_cast %get3A_312 : vector<1x8x128xf32> to vector<8x128xf32>
      %sub3A_314 = arith.subf %get3A_313, %max3A_32 : vector<8x128xf32>
      %exp3A_315 = math.exp %sub3A_314 : vector<8x128xf32>
      %add3A_316 = arith.addf %add3A_292, %exp3A_315 : vector<8x128xf32>
      %mul3A_317 = arith.constant 173 : i32
      %mul3A_318 = arith.muli %scan3A_86, %mul3A_317 : i32
      %add3A_319 = arith.constant 19 : i32
      %add3A_320 = arith.addi %mul3A_318, %add3A_319 : i32
      %get3A_321 = arith.index_cast %add3A_320 : i32 to index
      %get3A_322 = arith.constant 0 : index
      %get3A_323 = arith.constant 0 : index
      %get3A_324 = vector.load %arg1[%get3A_321, %get3A_322, %get3A_323] : memref<1733x8x128xf32, #tpu.memory_space<vmem>>, vector<1x8x128xf32>
      %get3A_325 = vector.shape_cast %get3A_324 : vector<1x8x128xf32> to vector<8x128xf32>
      %sub3A_326 = arith.subf %get3A_325, %max3A_32 : vector<8x128xf32>
      %exp3A_327 = math.exp %sub3A_326 : vector<8x128xf32>
      %add3A_328 = arith.addf %add3A_304, %exp3A_327 : vector<8x128xf32>
      %mul3A_329 = arith.constant 173 : i32
      %mul3A_330 = arith.muli %scan3A_86, %mul3A_329 : i32
      %add3A_331 = arith.constant 20 : i32
      %add3A_332 = arith.addi %mul3A_330, %add3A_331 : i32
      %get3A_333 = arith.index_cast %add3A_332 : i32 to index
      %get3A_334 = arith.constant 0 : index
      %get3A_335 = arith.constant 0 : index
      %get3A_336 = vector.load %arg1[%get3A_333, %get3A_334, %get3A_335] : memref<1733x8x128xf32, #tpu.memory_space<vmem>>, vector<1x8x128xf32>
      %get3A_337 = vector.shape_cast %get3A_336 : vector<1x8x128xf32> to vector<8x128xf32>
      %sub3A_338 = arith.subf %get3A_337, %max3A_32 : vector<8x128xf32>
      %exp3A_339 = math.exp %sub3A_338 : vector<8x128xf32>
      %add3A_340 = arith.addf %add3A_316, %exp3A_339 : vector<8x128xf32>
      %mul3A_341 = arith.constant 173 : i32
      %mul3A_342 = arith.muli %scan3A_86, %mul3A_341 : i32
      %add3A_343 = arith.constant 21 : i32
      %add3A_344 = arith.addi %mul3A_342, %add3A_343 : i32
      %get3A_345 = arith.index_cast %add3A_344 : i32 to index
      %get3A_346 = arith.constant 0 : index
      %get3A_347 = arith.constant 0 : index
      %get3A_348 = vector.load %arg1[%get3A_345, %get3A_346, %get3A_347] : memref<1733x8x128xf32, #tpu.memory_space<vmem>>, vector<1x8x128xf32>
      %get3A_349 = vector.shape_cast %get3A_348 : vector<1x8x128xf32> to vector<8x128xf32>
      %sub3A_350 = arith.subf %get3A_349, %max3A_32 : vector<8x128xf32>
      %exp3A_351 = math.exp %sub3A_350 : vector<8x128xf32>
      %add3A_352 = arith.addf %add3A_328, %exp3A_351 : vector<8x128xf32>
      %mul3A_353 = arith.constant 173 : i32
      %mul3A_354 = arith.muli %scan3A_86, %mul3A_353 : i32
      %add3A_355 = arith.constant 22 : i32
      %add3A_356 = arith.addi %mul3A_354, %add3A_355 : i32
      %get3A_357 = arith.index_cast %add3A_356 : i32 to index
      %get3A_358 = arith.constant 0 : index
      %get3A_359 = arith.constant 0 : index
      %get3A_360 = vector.load %arg1[%get3A_357, %get3A_358, %get3A_359] : memref<1733x8x128xf32, #tpu.memory_space<vmem>>, vector<1x8x128xf32>
      %get3A_361 = vector.shape_cast %get3A_360 : vector<1x8x128xf32> to vector<8x128xf32>
      %sub3A_362 = arith.subf %get3A_361, %max3A_32 : vector<8x128xf32>
      %exp3A_363 = math.exp %sub3A_362 : vector<8x128xf32>
      %add3A_364 = arith.addf %add3A_340, %exp3A_363 : vector<8x128xf32>
      %mul3A_365 = arith.constant 173 : i32
      %mul3A_366 = arith.muli %scan3A_86, %mul3A_365 : i32
      %add3A_367 = arith.constant 23 : i32
      %add3A_368 = arith.addi %mul3A_366, %add3A_367 : i32
      %get3A_369 = arith.index_cast %add3A_368 : i32 to index
      %get3A_370 = arith.constant 0 : index
      %get3A_371 = arith.constant 0 : index
      %get3A_372 = vector.load %arg1[%get3A_369, %get3A_370, %get3A_371] : memref<1733x8x128xf32, #tpu.memory_space<vmem>>, vector<1x8x128xf32>
      %get3A_373 = vector.shape_cast %get3A_372 : vector<1x8x128xf32> to vector<8x128xf32>
      %sub3A_374 = arith.subf %get3A_373, %max3A_32 : vector<8x128xf32>
      %exp3A_375 = math.exp %sub3A_374 : vector<8x128xf32>
      %add3A_376 = arith.addf %add3A_352, %exp3A_375 : vector<8x128xf32>
      %mul3A_377 = arith.constant 173 : i32
      %mul3A_378 = arith.muli %scan3A_86, %mul3A_377 : i32
      %add3A_379 = arith.constant 24 : i32
      %add3A_380 = arith.addi %mul3A_378, %add3A_379 : i32
      %get3A_381 = arith.index_cast %add3A_380 : i32 to index
      %get3A_382 = arith.constant 0 : index
      %get3A_383 = arith.constant 0 : index
      %get3A_384 = vector.load %arg1[%get3A_381, %get3A_382, %get3A_383] : memref<1733x8x128xf32, #tpu.memory_space<vmem>>, vector<1x8x128xf32>
      %get3A_385 = vector.shape_cast %get3A_384 : vector<1x8x128xf32> to vector<8x128xf32>
      %sub3A_386 = arith.subf %get3A_385, %max3A_32 : vector<8x128xf32>
      %exp3A_387 = math.exp %sub3A_386 : vector<8x128xf32>
      %add3A_388 = arith.addf %add3A_364, %exp3A_387 : vector<8x128xf32>
      %mul3A_389 = arith.constant 173 : i32
      %mul3A_390 = arith.muli %scan3A_86, %mul3A_389 : i32
      %add3A_391 = arith.constant 25 : i32
      %add3A_392 = arith.addi %mul3A_390, %add3A_391 : i32
      %get3A_393 = arith.index_cast %add3A_392 : i32 to index
      %get3A_394 = arith.constant 0 : index
      %get3A_395 = arith.constant 0 : index
      %get3A_396 = vector.load %arg1[%get3A_393, %get3A_394, %get3A_395] : memref<1733x8x128xf32, #tpu.memory_space<vmem>>, vector<1x8x128xf32>
      %get3A_397 = vector.shape_cast %get3A_396 : vector<1x8x128xf32> to vector<8x128xf32>
      %sub3A_398 = arith.subf %get3A_397, %max3A_32 : vector<8x128xf32>
      %exp3A_399 = math.exp %sub3A_398 : vector<8x128xf32>
      %add3A_400 = arith.addf %add3A_376, %exp3A_399 : vector<8x128xf32>
      %mul3A_401 = arith.constant 173 : i32
      %mul3A_402 = arith.muli %scan3A_86, %mul3A_401 : i32
      %add3A_403 = arith.constant 26 : i32
      %add3A_404 = arith.addi %mul3A_402, %add3A_403 : i32
      %get3A_405 = arith.index_cast %add3A_404 : i32 to index
      %get3A_406 = arith.constant 0 : index
      %get3A_407 = arith.constant 0 : index
      %get3A_408 = vector.load %arg1[%get3A_405, %get3A_406, %get3A_407] : memref<1733x8x128xf32, #tpu.memory_space<vmem>>, vector<1x8x128xf32>
      %get3A_409 = vector.shape_cast %get3A_408 : vector<1x8x128xf32> to vector<8x128xf32>
      %sub3A_410 = arith.subf %get3A_409, %max3A_32 : vector<8x128xf32>
      %exp3A_411 = math.exp %sub3A_410 : vector<8x128xf32>
      %add3A_412 = arith.addf %add3A_388, %exp3A_411 : vector<8x128xf32>
      %mul3A_413 = arith.constant 173 : i32
      %mul3A_414 = arith.muli %scan3A_86, %mul3A_413 : i32
      %add3A_415 = arith.constant 27 : i32
      %add3A_416 = arith.addi %mul3A_414, %add3A_415 : i32
      %get3A_417 = arith.index_cast %add3A_416 : i32 to index
      %get3A_418 = arith.constant 0 : index
      %get3A_419 = arith.constant 0 : index
      %get3A_420 = vector.load %arg1[%get3A_417, %get3A_418, %get3A_419] : memref<1733x8x128xf32, #tpu.memory_space<vmem>>, vector<1x8x128xf32>
      %get3A_421 = vector.shape_cast %get3A_420 : vector<1x8x128xf32> to vector<8x128xf32>
      %sub3A_422 = arith.subf %get3A_421, %max3A_32 : vector<8x128xf32>
      %exp3A_423 = math.exp %sub3A_422 : vector<8x128xf32>
      %add3A_424 = arith.addf %add3A_400, %exp3A_423 : vector<8x128xf32>
      %mul3A_425 = arith.constant 173 : i32
      %mul3A_426 = arith.muli %scan3A_86, %mul3A_425 : i32
      %add3A_427 = arith.constant 28 : i32
      %add3A_428 = arith.addi %mul3A_426, %add3A_427 : i32
      %get3A_429 = arith.index_cast %add3A_428 : i32 to index
      %get3A_430 = arith.constant 0 : index
      %get3A_431 = arith.constant 0 : index
      %get3A_432 = vector.load %arg1[%get3A_429, %get3A_430, %get3A_431] : memref<1733x8x128xf32, #tpu.memory_space<vmem>>, vector<1x8x128xf32>
      %get3A_433 = vector.shape_cast %get3A_432 : vector<1x8x128xf32> to vector<8x128xf32>
      %sub3A_434 = arith.subf %get3A_433, %max3A_32 : vector<8x128xf32>
      %exp3A_435 = math.exp %sub3A_434 : vector<8x128xf32>
      %add3A_436 = arith.addf %add3A_412, %exp3A_435 : vector<8x128xf32>
      %mul3A_437 = arith.constant 173 : i32
      %mul3A_438 = arith.muli %scan3A_86, %mul3A_437 : i32
      %add3A_439 = arith.constant 29 : i32
      %add3A_440 = arith.addi %mul3A_438, %add3A_439 : i32
      %get3A_441 = arith.index_cast %add3A_440 : i32 to index
      %get3A_442 = arith.constant 0 : index
      %get3A_443 = arith.constant 0 : index
      %get3A_444 = vector.load %arg1[%get3A_441, %get3A_442, %get3A_443] : memref<1733x8x128xf32, #tpu.memory_space<vmem>>, vector<1x8x128xf32>
      %get3A_445 = vector.shape_cast %get3A_444 : vector<1x8x128xf32> to vector<8x128xf32>
      %sub3A_446 = arith.subf %get3A_445, %max3A_32 : vector<8x128xf32>
      %exp3A_447 = math.exp %sub3A_446 : vector<8x128xf32>
      %add3A_448 = arith.addf %add3A_424, %exp3A_447 : vector<8x128xf32>
      %mul3A_449 = arith.constant 173 : i32
      %mul3A_450 = arith.muli %scan3A_86, %mul3A_449 : i32
      %add3A_451 = arith.constant 30 : i32
      %add3A_452 = arith.addi %mul3A_450, %add3A_451 : i32
      %get3A_453 = arith.index_cast %add3A_452 : i32 to index
      %get3A_454 = arith.constant 0 : index
      %get3A_455 = arith.constant 0 : index
      %get3A_456 = vector.load %arg1[%get3A_453, %get3A_454, %get3A_455] : memref<1733x8x128xf32, #tpu.memory_space<vmem>>, vector<1x8x128xf32>
      %get3A_457 = vector.shape_cast %get3A_456 : vector<1x8x128xf32> to vector<8x128xf32>
      %sub3A_458 = arith.subf %get3A_457, %max3A_32 : vector<8x128xf32>
      %exp3A_459 = math.exp %sub3A_458 : vector<8x128xf32>
      %add3A_460 = arith.addf %add3A_436, %exp3A_459 : vector<8x128xf32>
      %mul3A_461 = arith.constant 173 : i32
      %mul3A_462 = arith.muli %scan3A_86, %mul3A_461 : i32
      %add3A_463 = arith.constant 31 : i32
      %add3A_464 = arith.addi %mul3A_462, %add3A_463 : i32
      %get3A_465 = arith.index_cast %add3A_464 : i32 to index
      %get3A_466 = arith.constant 0 : index
      %get3A_467 = arith.constant 0 : index
      %get3A_468 = vector.load %arg1[%get3A_465, %get3A_466, %get3A_467] : memref<1733x8x128xf32, #tpu.memory_space<vmem>>, vector<1x8x128xf32>
      %get3A_469 = vector.shape_cast %get3A_468 : vector<1x8x128xf32> to vector<8x128xf32>
      %sub3A_470 = arith.subf %get3A_469, %max3A_32 : vector<8x128xf32>
      %exp3A_471 = math.exp %sub3A_470 : vector<8x128xf32>
      %add3A_472 = arith.addf %add3A_448, %exp3A_471 : vector<8x128xf32>
      %mul3A_473 = arith.constant 173 : i32
      %mul3A_474 = arith.muli %scan3A_86, %mul3A_473 : i32
      %add3A_475 = arith.constant 32 : i32
      %add3A_476 = arith.addi %mul3A_474, %add3A_475 : i32
      %get3A_477 = arith.index_cast %add3A_476 : i32 to index
      %get3A_478 = arith.constant 0 : index
      %get3A_479 = arith.constant 0 : index
      %get3A_480 = vector.load %arg1[%get3A_477, %get3A_478, %get3A_479] : memref<1733x8x128xf32, #tpu.memory_space<vmem>>, vector<1x8x128xf32>
      %get3A_481 = vector.shape_cast %get3A_480 : vector<1x8x128xf32> to vector<8x128xf32>
      %sub3A_482 = arith.subf %get3A_481, %max3A_32 : vector<8x128xf32>
      %exp3A_483 = math.exp %sub3A_482 : vector<8x128xf32>
      %add3A_484 = arith.addf %add3A_460, %exp3A_483 : vector<8x128xf32>
      %mul3A_485 = arith.constant 173 : i32
      %mul3A_486 = arith.muli %scan3A_86, %mul3A_485 : i32
      %add3A_487 = arith.constant 33 : i32
      %add3A_488 = arith.addi %mul3A_486, %add3A_487 : i32
      %get3A_489 = arith.index_cast %add3A_488 : i32 to index
      %get3A_490 = arith.constant 0 : index
      %get3A_491 = arith.constant 0 : index
      %get3A_492 = vector.load %arg1[%get3A_489, %get3A_490, %get3A_491] : memref<1733x8x128xf32, #tpu.memory_space<vmem>>, vector<1x8x128xf32>
      %get3A_493 = vector.shape_cast %get3A_492 : vector<1x8x128xf32> to vector<8x128xf32>
      %sub3A_494 = arith.subf %get3A_493, %max3A_32 : vector<8x128xf32>
      %exp3A_495 = math.exp %sub3A_494 : vector<8x128xf32>
      %add3A_496 = arith.addf %add3A_472, %exp3A_495 : vector<8x128xf32>
      %mul3A_497 = arith.constant 173 : i32
      %mul3A_498 = arith.muli %scan3A_86, %mul3A_497 : i32
      %add3A_499 = arith.constant 34 : i32
      %add3A_500 = arith.addi %mul3A_498, %add3A_499 : i32
      %get3A_501 = arith.index_cast %add3A_500 : i32 to index
      %get3A_502 = arith.constant 0 : index
      %get3A_503 = arith.constant 0 : index
      %get3A_504 = vector.load %arg1[%get3A_501, %get3A_502, %get3A_503] : memref<1733x8x128xf32, #tpu.memory_space<vmem>>, vector<1x8x128xf32>
      %get3A_505 = vector.shape_cast %get3A_504 : vector<1x8x128xf32> to vector<8x128xf32>
      %sub3A_506 = arith.subf %get3A_505, %max3A_32 : vector<8x128xf32>
      %exp3A_507 = math.exp %sub3A_506 : vector<8x128xf32>
      %add3A_508 = arith.addf %add3A_484, %exp3A_507 : vector<8x128xf32>
      %mul3A_509 = arith.constant 173 : i32
      %mul3A_510 = arith.muli %scan3A_86, %mul3A_509 : i32
      %add3A_511 = arith.constant 35 : i32
      %add3A_512 = arith.addi %mul3A_510, %add3A_511 : i32
      %get3A_513 = arith.index_cast %add3A_512 : i32 to index
      %get3A_514 = arith.constant 0 : index
      %get3A_515 = arith.constant 0 : index
      %get3A_516 = vector.load %arg1[%get3A_513, %get3A_514, %get3A_515] : memref<1733x8x128xf32, #tpu.memory_space<vmem>>, vector<1x8x128xf32>
      %get3A_517 = vector.shape_cast %get3A_516 : vector<1x8x128xf32> to vector<8x128xf32>
      %sub3A_518 = arith.subf %get3A_517, %max3A_32 : vector<8x128xf32>
      %exp3A_519 = math.exp %sub3A_518 : vector<8x128xf32>
      %add3A_520 = arith.addf %add3A_496, %exp3A_519 : vector<8x128xf32>
      %mul3A_521 = arith.constant 173 : i32
      %mul3A_522 = arith.muli %scan3A_86, %mul3A_521 : i32
      %add3A_523 = arith.constant 36 : i32
      %add3A_524 = arith.addi %mul3A_522, %add3A_523 : i32
      %get3A_525 = arith.index_cast %add3A_524 : i32 to index
      %get3A_526 = arith.constant 0 : index
      %get3A_527 = arith.constant 0 : index
      %get3A_528 = vector.load %arg1[%get3A_525, %get3A_526, %get3A_527] : memref<1733x8x128xf32, #tpu.memory_space<vmem>>, vector<1x8x128xf32>
      %get3A_529 = vector.shape_cast %get3A_528 : vector<1x8x128xf32> to vector<8x128xf32>
      %sub3A_530 = arith.subf %get3A_529, %max3A_32 : vector<8x128xf32>
      %exp3A_531 = math.exp %sub3A_530 : vector<8x128xf32>
      %add3A_532 = arith.addf %add3A_508, %exp3A_531 : vector<8x128xf32>
      %mul3A_533 = arith.constant 173 : i32
      %mul3A_534 = arith.muli %scan3A_86, %mul3A_533 : i32
      %add3A_535 = arith.constant 37 : i32
      %add3A_536 = arith.addi %mul3A_534, %add3A_535 : i32
      %get3A_537 = arith.index_cast %add3A_536 : i32 to index
      %get3A_538 = arith.constant 0 : index
      %get3A_539 = arith.constant 0 : index
      %get3A_540 = vector.load %arg1[%get3A_537, %get3A_538, %get3A_539] : memref<1733x8x128xf32, #tpu.memory_space<vmem>>, vector<1x8x128xf32>
      %get3A_541 = vector.shape_cast %get3A_540 : vector<1x8x128xf32> to vector<8x128xf32>
      %sub3A_542 = arith.subf %get3A_541, %max3A_32 : vector<8x128xf32>
      %exp3A_543 = math.exp %sub3A_542 : vector<8x128xf32>
      %add3A_544 = arith.addf %add3A_520, %exp3A_543 : vector<8x128xf32>
      %mul3A_545 = arith.constant 173 : i32
      %mul3A_546 = arith.muli %scan3A_86, %mul3A_545 : i32
      %add3A_547 = arith.constant 38 : i32
      %add3A_548 = arith.addi %mul3A_546, %add3A_547 : i32
      %get3A_549 = arith.index_cast %add3A_548 : i32 to index
      %get3A_550 = arith.constant 0 : index
      %get3A_551 = arith.constant 0 : index
      %get3A_552 = vector.load %arg1[%get3A_549, %get3A_550, %get3A_551] : memref<1733x8x128xf32, #tpu.memory_space<vmem>>, vector<1x8x128xf32>
      %get3A_553 = vector.shape_cast %get3A_552 : vector<1x8x128xf32> to vector<8x128xf32>
      %sub3A_554 = arith.subf %get3A_553, %max3A_32 : vector<8x128xf32>
      %exp3A_555 = math.exp %sub3A_554 : vector<8x128xf32>
      %add3A_556 = arith.addf %add3A_532, %exp3A_555 : vector<8x128xf32>
      %mul3A_557 = arith.constant 173 : i32
      %mul3A_558 = arith.muli %scan3A_86, %mul3A_557 : i32
      %add3A_559 = arith.constant 39 : i32
      %add3A_560 = arith.addi %mul3A_558, %add3A_559 : i32
      %get3A_561 = arith.index_cast %add3A_560 : i32 to index
      %get3A_562 = arith.constant 0 : index
      %get3A_563 = arith.constant 0 : index
      %get3A_564 = vector.load %arg1[%get3A_561, %get3A_562, %get3A_563] : memref<1733x8x128xf32, #tpu.memory_space<vmem>>, vector<1x8x128xf32>
      %get3A_565 = vector.shape_cast %get3A_564 : vector<1x8x128xf32> to vector<8x128xf32>
      %sub3A_566 = arith.subf %get3A_565, %max3A_32 : vector<8x128xf32>
      %exp3A_567 = math.exp %sub3A_566 : vector<8x128xf32>
      %add3A_568 = arith.addf %add3A_544, %exp3A_567 : vector<8x128xf32>
      %mul3A_569 = arith.constant 173 : i32
      %mul3A_570 = arith.muli %scan3A_86, %mul3A_569 : i32
      %add3A_571 = arith.constant 40 : i32
      %add3A_572 = arith.addi %mul3A_570, %add3A_571 : i32
      %get3A_573 = arith.index_cast %add3A_572 : i32 to index
      %get3A_574 = arith.constant 0 : index
      %get3A_575 = arith.constant 0 : index
      %get3A_576 = vector.load %arg1[%get3A_573, %get3A_574, %get3A_575] : memref<1733x8x128xf32, #tpu.memory_space<vmem>>, vector<1x8x128xf32>
      %get3A_577 = vector.shape_cast %get3A_576 : vector<1x8x128xf32> to vector<8x128xf32>
      %sub3A_578 = arith.subf %get3A_577, %max3A_32 : vector<8x128xf32>
      %exp3A_579 = math.exp %sub3A_578 : vector<8x128xf32>
      %add3A_580 = arith.addf %add3A_556, %exp3A_579 : vector<8x128xf32>
      %mul3A_581 = arith.constant 173 : i32
      %mul3A_582 = arith.muli %scan3A_86, %mul3A_581 : i32
      %add3A_583 = arith.constant 41 : i32
      %add3A_584 = arith.addi %mul3A_582, %add3A_583 : i32
      %get3A_585 = arith.index_cast %add3A_584 : i32 to index
      %get3A_586 = arith.constant 0 : index
      %get3A_587 = arith.constant 0 : index
      %get3A_588 = vector.load %arg1[%get3A_585, %get3A_586, %get3A_587] : memref<1733x8x128xf32, #tpu.memory_space<vmem>>, vector<1x8x128xf32>
      %get3A_589 = vector.shape_cast %get3A_588 : vector<1x8x128xf32> to vector<8x128xf32>
      %sub3A_590 = arith.subf %get3A_589, %max3A_32 : vector<8x128xf32>
      %exp3A_591 = math.exp %sub3A_590 : vector<8x128xf32>
      %add3A_592 = arith.addf %add3A_568, %exp3A_591 : vector<8x128xf32>
      %mul3A_593 = arith.constant 173 : i32
      %mul3A_594 = arith.muli %scan3A_86, %mul3A_593 : i32
      %add3A_595 = arith.constant 42 : i32
      %add3A_596 = arith.addi %mul3A_594, %add3A_595 : i32
      %get3A_597 = arith.index_cast %add3A_596 : i32 to index
      %get3A_598 = arith.constant 0 : index
      %get3A_599 = arith.constant 0 : index
      %get3A_600 = vector.load %arg1[%get3A_597, %get3A_598, %get3A_599] : memref<1733x8x128xf32, #tpu.memory_space<vmem>>, vector<1x8x128xf32>
      %get3A_601 = vector.shape_cast %get3A_600 : vector<1x8x128xf32> to vector<8x128xf32>
      %sub3A_602 = arith.subf %get3A_601, %max3A_32 : vector<8x128xf32>
      %exp3A_603 = math.exp %sub3A_602 : vector<8x128xf32>
      %add3A_604 = arith.addf %add3A_580, %exp3A_603 : vector<8x128xf32>
      %mul3A_605 = arith.constant 173 : i32
      %mul3A_606 = arith.muli %scan3A_86, %mul3A_605 : i32
      %add3A_607 = arith.constant 43 : i32
      %add3A_608 = arith.addi %mul3A_606, %add3A_607 : i32
      %get3A_609 = arith.index_cast %add3A_608 : i32 to index
      %get3A_610 = arith.constant 0 : index
      %get3A_611 = arith.constant 0 : index
      %get3A_612 = vector.load %arg1[%get3A_609, %get3A_610, %get3A_611] : memref<1733x8x128xf32, #tpu.memory_space<vmem>>, vector<1x8x128xf32>
      %get3A_613 = vector.shape_cast %get3A_612 : vector<1x8x128xf32> to vector<8x128xf32>
      %sub3A_614 = arith.subf %get3A_613, %max3A_32 : vector<8x128xf32>
      %exp3A_615 = math.exp %sub3A_614 : vector<8x128xf32>
      %add3A_616 = arith.addf %add3A_592, %exp3A_615 : vector<8x128xf32>
      %mul3A_617 = arith.constant 173 : i32
      %mul3A_618 = arith.muli %scan3A_86, %mul3A_617 : i32
      %add3A_619 = arith.constant 44 : i32
      %add3A_620 = arith.addi %mul3A_618, %add3A_619 : i32
      %get3A_621 = arith.index_cast %add3A_620 : i32 to index
      %get3A_622 = arith.constant 0 : index
      %get3A_623 = arith.constant 0 : index
      %get3A_624 = vector.load %arg1[%get3A_621, %get3A_622, %get3A_623] : memref<1733x8x128xf32, #tpu.memory_space<vmem>>, vector<1x8x128xf32>
      %get3A_625 = vector.shape_cast %get3A_624 : vector<1x8x128xf32> to vector<8x128xf32>
      %sub3A_626 = arith.subf %get3A_625, %max3A_32 : vector<8x128xf32>
      %exp3A_627 = math.exp %sub3A_626 : vector<8x128xf32>
      %add3A_628 = arith.addf %add3A_604, %exp3A_627 : vector<8x128xf32>
      %mul3A_629 = arith.constant 173 : i32
      %mul3A_630 = arith.muli %scan3A_86, %mul3A_629 : i32
      %add3A_631 = arith.constant 45 : i32
      %add3A_632 = arith.addi %mul3A_630, %add3A_631 : i32
      %get3A_633 = arith.index_cast %add3A_632 : i32 to index
      %get3A_634 = arith.constant 0 : index
      %get3A_635 = arith.constant 0 : index
      %get3A_636 = vector.load %arg1[%get3A_633, %get3A_634, %get3A_635] : memref<1733x8x128xf32, #tpu.memory_space<vmem>>, vector<1x8x128xf32>
      %get3A_637 = vector.shape_cast %get3A_636 : vector<1x8x128xf32> to vector<8x128xf32>
      %sub3A_638 = arith.subf %get3A_637, %max3A_32 : vector<8x128xf32>
      %exp3A_639 = math.exp %sub3A_638 : vector<8x128xf32>
      %add3A_640 = arith.addf %add3A_616, %exp3A_639 : vector<8x128xf32>
      %mul3A_641 = arith.constant 173 : i32
      %mul3A_642 = arith.muli %scan3A_86, %mul3A_641 : i32
      %add3A_643 = arith.constant 46 : i32
      %add3A_644 = arith.addi %mul3A_642, %add3A_643 : i32
      %get3A_645 = arith.index_cast %add3A_644 : i32 to index
      %get3A_646 = arith.constant 0 : index
      %get3A_647 = arith.constant 0 : index
      %get3A_648 = vector.load %arg1[%get3A_645, %get3A_646, %get3A_647] : memref<1733x8x128xf32, #tpu.memory_space<vmem>>, vector<1x8x128xf32>
      %get3A_649 = vector.shape_cast %get3A_648 : vector<1x8x128xf32> to vector<8x128xf32>
      %sub3A_650 = arith.subf %get3A_649, %max3A_32 : vector<8x128xf32>
      %exp3A_651 = math.exp %sub3A_650 : vector<8x128xf32>
      %add3A_652 = arith.addf %add3A_628, %exp3A_651 : vector<8x128xf32>
      %mul3A_653 = arith.constant 173 : i32
      %mul3A_654 = arith.muli %scan3A_86, %mul3A_653 : i32
      %add3A_655 = arith.constant 47 : i32
      %add3A_656 = arith.addi %mul3A_654, %add3A_655 : i32
      %get3A_657 = arith.index_cast %add3A_656 : i32 to index
      %get3A_658 = arith.constant 0 : index
      %get3A_659 = arith.constant 0 : index
      %get3A_660 = vector.load %arg1[%get3A_657, %get3A_658, %get3A_659] : memref<1733x8x128xf32, #tpu.memory_space<vmem>>, vector<1x8x128xf32>
      %get3A_661 = vector.shape_cast %get3A_660 : vector<1x8x128xf32> to vector<8x128xf32>
      %sub3A_662 = arith.subf %get3A_661, %max3A_32 : vector<8x128xf32>
      %exp3A_663 = math.exp %sub3A_662 : vector<8x128xf32>
      %add3A_664 = arith.addf %add3A_640, %exp3A_663 : vector<8x128xf32>
      %mul3A_665 = arith.constant 173 : i32
      %mul3A_666 = arith.muli %scan3A_86, %mul3A_665 : i32
      %add3A_667 = arith.constant 48 : i32
      %add3A_668 = arith.addi %mul3A_666, %add3A_667 : i32
      %get3A_669 = arith.index_cast %add3A_668 : i32 to index
      %get3A_670 = arith.constant 0 : index
      %get3A_671 = arith.constant 0 : index
      %get3A_672 = vector.load %arg1[%get3A_669, %get3A_670, %get3A_671] : memref<1733x8x128xf32, #tpu.memory_space<vmem>>, vector<1x8x128xf32>
      %get3A_673 = vector.shape_cast %get3A_672 : vector<1x8x128xf32> to vector<8x128xf32>
      %sub3A_674 = arith.subf %get3A_673, %max3A_32 : vector<8x128xf32>
      %exp3A_675 = math.exp %sub3A_674 : vector<8x128xf32>
      %add3A_676 = arith.addf %add3A_652, %exp3A_675 : vector<8x128xf32>
      %mul3A_677 = arith.constant 173 : i32
      %mul3A_678 = arith.muli %scan3A_86, %mul3A_677 : i32
      %add3A_679 = arith.constant 49 : i32
      %add3A_680 = arith.addi %mul3A_678, %add3A_679 : i32
      %get3A_681 = arith.index_cast %add3A_680 : i32 to index
      %get3A_682 = arith.constant 0 : index
      %get3A_683 = arith.constant 0 : index
      %get3A_684 = vector.load %arg1[%get3A_681, %get3A_682, %get3A_683] : memref<1733x8x128xf32, #tpu.memory_space<vmem>>, vector<1x8x128xf32>
      %get3A_685 = vector.shape_cast %get3A_684 : vector<1x8x128xf32> to vector<8x128xf32>
      %sub3A_686 = arith.subf %get3A_685, %max3A_32 : vector<8x128xf32>
      %exp3A_687 = math.exp %sub3A_686 : vector<8x128xf32>
      %add3A_688 = arith.addf %add3A_664, %exp3A_687 : vector<8x128xf32>
      %mul3A_689 = arith.constant 173 : i32
      %mul3A_690 = arith.muli %scan3A_86, %mul3A_689 : i32
      %add3A_691 = arith.constant 50 : i32
      %add3A_692 = arith.addi %mul3A_690, %add3A_691 : i32
      %get3A_693 = arith.index_cast %add3A_692 : i32 to index
      %get3A_694 = arith.constant 0 : index
      %get3A_695 = arith.constant 0 : index
      %get3A_696 = vector.load %arg1[%get3A_693, %get3A_694, %get3A_695] : memref<1733x8x128xf32, #tpu.memory_space<vmem>>, vector<1x8x128xf32>
      %get3A_697 = vector.shape_cast %get3A_696 : vector<1x8x128xf32> to vector<8x128xf32>
      %sub3A_698 = arith.subf %get3A_697, %max3A_32 : vector<8x128xf32>
      %exp3A_699 = math.exp %sub3A_698 : vector<8x128xf32>
      %add3A_700 = arith.addf %add3A_676, %exp3A_699 : vector<8x128xf32>
      %mul3A_701 = arith.constant 173 : i32
      %mul3A_702 = arith.muli %scan3A_86, %mul3A_701 : i32
      %add3A_703 = arith.constant 51 : i32
      %add3A_704 = arith.addi %mul3A_702, %add3A_703 : i32
      %get3A_705 = arith.index_cast %add3A_704 : i32 to index
      %get3A_706 = arith.constant 0 : index
      %get3A_707 = arith.constant 0 : index
      %get3A_708 = vector.load %arg1[%get3A_705, %get3A_706, %get3A_707] : memref<1733x8x128xf32, #tpu.memory_space<vmem>>, vector<1x8x128xf32>
      %get3A_709 = vector.shape_cast %get3A_708 : vector<1x8x128xf32> to vector<8x128xf32>
      %sub3A_710 = arith.subf %get3A_709, %max3A_32 : vector<8x128xf32>
      %exp3A_711 = math.exp %sub3A_710 : vector<8x128xf32>
      %add3A_712 = arith.addf %add3A_688, %exp3A_711 : vector<8x128xf32>
      %mul3A_713 = arith.constant 173 : i32
      %mul3A_714 = arith.muli %scan3A_86, %mul3A_713 : i32
      %add3A_715 = arith.constant 52 : i32
      %add3A_716 = arith.addi %mul3A_714, %add3A_715 : i32
      %get3A_717 = arith.index_cast %add3A_716 : i32 to index
      %get3A_718 = arith.constant 0 : index
      %get3A_719 = arith.constant 0 : index
      %get3A_720 = vector.load %arg1[%get3A_717, %get3A_718, %get3A_719] : memref<1733x8x128xf32, #tpu.memory_space<vmem>>, vector<1x8x128xf32>
      %get3A_721 = vector.shape_cast %get3A_720 : vector<1x8x128xf32> to vector<8x128xf32>
      %sub3A_722 = arith.subf %get3A_721, %max3A_32 : vector<8x128xf32>
      %exp3A_723 = math.exp %sub3A_722 : vector<8x128xf32>
      %add3A_724 = arith.addf %add3A_700, %exp3A_723 : vector<8x128xf32>
      %mul3A_725 = arith.constant 173 : i32
      %mul3A_726 = arith.muli %scan3A_86, %mul3A_725 : i32
      %add3A_727 = arith.constant 53 : i32
      %add3A_728 = arith.addi %mul3A_726, %add3A_727 : i32
      %get3A_729 = arith.index_cast %add3A_728 : i32 to index
      %get3A_730 = arith.constant 0 : index
      %get3A_731 = arith.constant 0 : index
      %get3A_732 = vector.load %arg1[%get3A_729, %get3A_730, %get3A_731] : memref<1733x8x128xf32, #tpu.memory_space<vmem>>, vector<1x8x128xf32>
      %get3A_733 = vector.shape_cast %get3A_732 : vector<1x8x128xf32> to vector<8x128xf32>
      %sub3A_734 = arith.subf %get3A_733, %max3A_32 : vector<8x128xf32>
      %exp3A_735 = math.exp %sub3A_734 : vector<8x128xf32>
      %add3A_736 = arith.addf %add3A_712, %exp3A_735 : vector<8x128xf32>
      %mul3A_737 = arith.constant 173 : i32
      %mul3A_738 = arith.muli %scan3A_86, %mul3A_737 : i32
      %add3A_739 = arith.constant 54 : i32
      %add3A_740 = arith.addi %mul3A_738, %add3A_739 : i32
      %get3A_741 = arith.index_cast %add3A_740 : i32 to index
      %get3A_742 = arith.constant 0 : index
      %get3A_743 = arith.constant 0 : index
      %get3A_744 = vector.load %arg1[%get3A_741, %get3A_742, %get3A_743] : memref<1733x8x128xf32, #tpu.memory_space<vmem>>, vector<1x8x128xf32>
      %get3A_745 = vector.shape_cast %get3A_744 : vector<1x8x128xf32> to vector<8x128xf32>
      %sub3A_746 = arith.subf %get3A_745, %max3A_32 : vector<8x128xf32>
      %exp3A_747 = math.exp %sub3A_746 : vector<8x128xf32>
      %add3A_748 = arith.addf %add3A_724, %exp3A_747 : vector<8x128xf32>
      %mul3A_749 = arith.constant 173 : i32
      %mul3A_750 = arith.muli %scan3A_86, %mul3A_749 : i32
      %add3A_751 = arith.constant 55 : i32
      %add3A_752 = arith.addi %mul3A_750, %add3A_751 : i32
      %get3A_753 = arith.index_cast %add3A_752 : i32 to index
      %get3A_754 = arith.constant 0 : index
      %get3A_755 = arith.constant 0 : index
      %get3A_756 = vector.load %arg1[%get3A_753, %get3A_754, %get3A_755] : memref<1733x8x128xf32, #tpu.memory_space<vmem>>, vector<1x8x128xf32>
      %get3A_757 = vector.shape_cast %get3A_756 : vector<1x8x128xf32> to vector<8x128xf32>
      %sub3A_758 = arith.subf %get3A_757, %max3A_32 : vector<8x128xf32>
      %exp3A_759 = math.exp %sub3A_758 : vector<8x128xf32>
      %add3A_760 = arith.addf %add3A_736, %exp3A_759 : vector<8x128xf32>
      %mul3A_761 = arith.constant 173 : i32
      %mul3A_762 = arith.muli %scan3A_86, %mul3A_761 : i32
      %add3A_763 = arith.constant 56 : i32
      %add3A_764 = arith.addi %mul3A_762, %add3A_763 : i32
      %get3A_765 = arith.index_cast %add3A_764 : i32 to index
      %get3A_766 = arith.constant 0 : index
      %get3A_767 = arith.constant 0 : index
      %get3A_768 = vector.load %arg1[%get3A_765, %get3A_766, %get3A_767] : memref<1733x8x128xf32, #tpu.memory_space<vmem>>, vector<1x8x128xf32>
      %get3A_769 = vector.shape_cast %get3A_768 : vector<1x8x128xf32> to vector<8x128xf32>
      %sub3A_770 = arith.subf %get3A_769, %max3A_32 : vector<8x128xf32>
      %exp3A_771 = math.exp %sub3A_770 : vector<8x128xf32>
      %add3A_772 = arith.addf %add3A_748, %exp3A_771 : vector<8x128xf32>
      %mul3A_773 = arith.constant 173 : i32
      %mul3A_774 = arith.muli %scan3A_86, %mul3A_773 : i32
      %add3A_775 = arith.constant 57 : i32
      %add3A_776 = arith.addi %mul3A_774, %add3A_775 : i32
      %get3A_777 = arith.index_cast %add3A_776 : i32 to index
      %get3A_778 = arith.constant 0 : index
      %get3A_779 = arith.constant 0 : index
      %get3A_780 = vector.load %arg1[%get3A_777, %get3A_778, %get3A_779] : memref<1733x8x128xf32, #tpu.memory_space<vmem>>, vector<1x8x128xf32>
      %get3A_781 = vector.shape_cast %get3A_780 : vector<1x8x128xf32> to vector<8x128xf32>
      %sub3A_782 = arith.subf %get3A_781, %max3A_32 : vector<8x128xf32>
      %exp3A_783 = math.exp %sub3A_782 : vector<8x128xf32>
      %add3A_784 = arith.addf %add3A_760, %exp3A_783 : vector<8x128xf32>
      %mul3A_785 = arith.constant 173 : i32
      %mul3A_786 = arith.muli %scan3A_86, %mul3A_785 : i32
      %add3A_787 = arith.constant 58 : i32
      %add3A_788 = arith.addi %mul3A_786, %add3A_787 : i32
      %get3A_789 = arith.index_cast %add3A_788 : i32 to index
      %get3A_790 = arith.constant 0 : index
      %get3A_791 = arith.constant 0 : index
      %get3A_792 = vector.load %arg1[%get3A_789, %get3A_790, %get3A_791] : memref<1733x8x128xf32, #tpu.memory_space<vmem>>, vector<1x8x128xf32>
      %get3A_793 = vector.shape_cast %get3A_792 : vector<1x8x128xf32> to vector<8x128xf32>
      %sub3A_794 = arith.subf %get3A_793, %max3A_32 : vector<8x128xf32>
      %exp3A_795 = math.exp %sub3A_794 : vector<8x128xf32>
      %add3A_796 = arith.addf %add3A_772, %exp3A_795 : vector<8x128xf32>
      %mul3A_797 = arith.constant 173 : i32
      %mul3A_798 = arith.muli %scan3A_86, %mul3A_797 : i32
      %add3A_799 = arith.constant 59 : i32
      %add3A_800 = arith.addi %mul3A_798, %add3A_799 : i32
      %get3A_801 = arith.index_cast %add3A_800 : i32 to index
      %get3A_802 = arith.constant 0 : index
      %get3A_803 = arith.constant 0 : index
      %get3A_804 = vector.load %arg1[%get3A_801, %get3A_802, %get3A_803] : memref<1733x8x128xf32, #tpu.memory_space<vmem>>, vector<1x8x128xf32>
      %get3A_805 = vector.shape_cast %get3A_804 : vector<1x8x128xf32> to vector<8x128xf32>
      %sub3A_806 = arith.subf %get3A_805, %max3A_32 : vector<8x128xf32>
      %exp3A_807 = math.exp %sub3A_806 : vector<8x128xf32>
      %add3A_808 = arith.addf %add3A_784, %exp3A_807 : vector<8x128xf32>
      %mul3A_809 = arith.constant 173 : i32
      %mul3A_810 = arith.muli %scan3A_86, %mul3A_809 : i32
      %add3A_811 = arith.constant 60 : i32
      %add3A_812 = arith.addi %mul3A_810, %add3A_811 : i32
      %get3A_813 = arith.index_cast %add3A_812 : i32 to index
      %get3A_814 = arith.constant 0 : index
      %get3A_815 = arith.constant 0 : index
      %get3A_816 = vector.load %arg1[%get3A_813, %get3A_814, %get3A_815] : memref<1733x8x128xf32, #tpu.memory_space<vmem>>, vector<1x8x128xf32>
      %get3A_817 = vector.shape_cast %get3A_816 : vector<1x8x128xf32> to vector<8x128xf32>
      %sub3A_818 = arith.subf %get3A_817, %max3A_32 : vector<8x128xf32>
      %exp3A_819 = math.exp %sub3A_818 : vector<8x128xf32>
      %add3A_820 = arith.addf %add3A_796, %exp3A_819 : vector<8x128xf32>
      %mul3A_821 = arith.constant 173 : i32
      %mul3A_822 = arith.muli %scan3A_86, %mul3A_821 : i32
      %add3A_823 = arith.constant 61 : i32
      %add3A_824 = arith.addi %mul3A_822, %add3A_823 : i32
      %get3A_825 = arith.index_cast %add3A_824 : i32 to index
      %get3A_826 = arith.constant 0 : index
      %get3A_827 = arith.constant 0 : index
      %get3A_828 = vector.load %arg1[%get3A_825, %get3A_826, %get3A_827] : memref<1733x8x128xf32, #tpu.memory_space<vmem>>, vector<1x8x128xf32>
      %get3A_829 = vector.shape_cast %get3A_828 : vector<1x8x128xf32> to vector<8x128xf32>
      %sub3A_830 = arith.subf %get3A_829, %max3A_32 : vector<8x128xf32>
      %exp3A_831 = math.exp %sub3A_830 : vector<8x128xf32>
      %add3A_832 = arith.addf %add3A_808, %exp3A_831 : vector<8x128xf32>
      %mul3A_833 = arith.constant 173 : i32
      %mul3A_834 = arith.muli %scan3A_86, %mul3A_833 : i32
      %add3A_835 = arith.constant 62 : i32
      %add3A_836 = arith.addi %mul3A_834, %add3A_835 : i32
      %get3A_837 = arith.index_cast %add3A_836 : i32 to index
      %get3A_838 = arith.constant 0 : index
      %get3A_839 = arith.constant 0 : index
      %get3A_840 = vector.load %arg1[%get3A_837, %get3A_838, %get3A_839] : memref<1733x8x128xf32, #tpu.memory_space<vmem>>, vector<1x8x128xf32>
      %get3A_841 = vector.shape_cast %get3A_840 : vector<1x8x128xf32> to vector<8x128xf32>
      %sub3A_842 = arith.subf %get3A_841, %max3A_32 : vector<8x128xf32>
      %exp3A_843 = math.exp %sub3A_842 : vector<8x128xf32>
      %add3A_844 = arith.addf %add3A_820, %exp3A_843 : vector<8x128xf32>
      %mul3A_845 = arith.constant 173 : i32
      %mul3A_846 = arith.muli %scan3A_86, %mul3A_845 : i32
      %add3A_847 = arith.constant 63 : i32
      %add3A_848 = arith.addi %mul3A_846, %add3A_847 : i32
      %get3A_849 = arith.index_cast %add3A_848 : i32 to index
      %get3A_850 = arith.constant 0 : index
      %get3A_851 = arith.constant 0 : index
      %get3A_852 = vector.load %arg1[%get3A_849, %get3A_850, %get3A_851] : memref<1733x8x128xf32, #tpu.memory_space<vmem>>, vector<1x8x128xf32>
      %get3A_853 = vector.shape_cast %get3A_852 : vector<1x8x128xf32> to vector<8x128xf32>
      %sub3A_854 = arith.subf %get3A_853, %max3A_32 : vector<8x128xf32>
      %exp3A_855 = math.exp %sub3A_854 : vector<8x128xf32>
      %add3A_856 = arith.addf %add3A_832, %exp3A_855 : vector<8x128xf32>
      %mul3A_857 = arith.constant 173 : i32
      %mul3A_858 = arith.muli %scan3A_86, %mul3A_857 : i32
      %add3A_859 = arith.constant 64 : i32
      %add3A_860 = arith.addi %mul3A_858, %add3A_859 : i32
      %get3A_861 = arith.index_cast %add3A_860 : i32 to index
      %get3A_862 = arith.constant 0 : index
      %get3A_863 = arith.constant 0 : index
      %get3A_864 = vector.load %arg1[%get3A_861, %get3A_862, %get3A_863] : memref<1733x8x128xf32, #tpu.memory_space<vmem>>, vector<1x8x128xf32>
      %get3A_865 = vector.shape_cast %get3A_864 : vector<1x8x128xf32> to vector<8x128xf32>
      %sub3A_866 = arith.subf %get3A_865, %max3A_32 : vector<8x128xf32>
      %exp3A_867 = math.exp %sub3A_866 : vector<8x128xf32>
      %add3A_868 = arith.addf %add3A_844, %exp3A_867 : vector<8x128xf32>
      %mul3A_869 = arith.constant 173 : i32
      %mul3A_870 = arith.muli %scan3A_86, %mul3A_869 : i32
      %add3A_871 = arith.constant 65 : i32
      %add3A_872 = arith.addi %mul3A_870, %add3A_871 : i32
      %get3A_873 = arith.index_cast %add3A_872 : i32 to index
      %get3A_874 = arith.constant 0 : index
      %get3A_875 = arith.constant 0 : index
      %get3A_876 = vector.load %arg1[%get3A_873, %get3A_874, %get3A_875] : memref<1733x8x128xf32, #tpu.memory_space<vmem>>, vector<1x8x128xf32>
      %get3A_877 = vector.shape_cast %get3A_876 : vector<1x8x128xf32> to vector<8x128xf32>
      %sub3A_878 = arith.subf %get3A_877, %max3A_32 : vector<8x128xf32>
      %exp3A_879 = math.exp %sub3A_878 : vector<8x128xf32>
      %add3A_880 = arith.addf %add3A_856, %exp3A_879 : vector<8x128xf32>
      %mul3A_881 = arith.constant 173 : i32
      %mul3A_882 = arith.muli %scan3A_86, %mul3A_881 : i32
      %add3A_883 = arith.constant 66 : i32
      %add3A_884 = arith.addi %mul3A_882, %add3A_883 : i32
      %get3A_885 = arith.index_cast %add3A_884 : i32 to index
      %get3A_886 = arith.constant 0 : index
      %get3A_887 = arith.constant 0 : index
      %get3A_888 = vector.load %arg1[%get3A_885, %get3A_886, %get3A_887] : memref<1733x8x128xf32, #tpu.memory_space<vmem>>, vector<1x8x128xf32>
      %get3A_889 = vector.shape_cast %get3A_888 : vector<1x8x128xf32> to vector<8x128xf32>
      %sub3A_890 = arith.subf %get3A_889, %max3A_32 : vector<8x128xf32>
      %exp3A_891 = math.exp %sub3A_890 : vector<8x128xf32>
      %add3A_892 = arith.addf %add3A_868, %exp3A_891 : vector<8x128xf32>
      %mul3A_893 = arith.constant 173 : i32
      %mul3A_894 = arith.muli %scan3A_86, %mul3A_893 : i32
      %add3A_895 = arith.constant 67 : i32
      %add3A_896 = arith.addi %mul3A_894, %add3A_895 : i32
      %get3A_897 = arith.index_cast %add3A_896 : i32 to index
      %get3A_898 = arith.constant 0 : index
      %get3A_899 = arith.constant 0 : index
      %get3A_900 = vector.load %arg1[%get3A_897, %get3A_898, %get3A_899] : memref<1733x8x128xf32, #tpu.memory_space<vmem>>, vector<1x8x128xf32>
      %get3A_901 = vector.shape_cast %get3A_900 : vector<1x8x128xf32> to vector<8x128xf32>
      %sub3A_902 = arith.subf %get3A_901, %max3A_32 : vector<8x128xf32>
      %exp3A_903 = math.exp %sub3A_902 : vector<8x128xf32>
      %add3A_904 = arith.addf %add3A_880, %exp3A_903 : vector<8x128xf32>
      %mul3A_905 = arith.constant 173 : i32
      %mul3A_906 = arith.muli %scan3A_86, %mul3A_905 : i32
      %add3A_907 = arith.constant 68 : i32
      %add3A_908 = arith.addi %mul3A_906, %add3A_907 : i32
      %get3A_909 = arith.index_cast %add3A_908 : i32 to index
      %get3A_910 = arith.constant 0 : index
      %get3A_911 = arith.constant 0 : index
      %get3A_912 = vector.load %arg1[%get3A_909, %get3A_910, %get3A_911] : memref<1733x8x128xf32, #tpu.memory_space<vmem>>, vector<1x8x128xf32>
      %get3A_913 = vector.shape_cast %get3A_912 : vector<1x8x128xf32> to vector<8x128xf32>
      %sub3A_914 = arith.subf %get3A_913, %max3A_32 : vector<8x128xf32>
      %exp3A_915 = math.exp %sub3A_914 : vector<8x128xf32>
      %add3A_916 = arith.addf %add3A_892, %exp3A_915 : vector<8x128xf32>
      %mul3A_917 = arith.constant 173 : i32
      %mul3A_918 = arith.muli %scan3A_86, %mul3A_917 : i32
      %add3A_919 = arith.constant 69 : i32
      %add3A_920 = arith.addi %mul3A_918, %add3A_919 : i32
      %get3A_921 = arith.index_cast %add3A_920 : i32 to index
      %get3A_922 = arith.constant 0 : index
      %get3A_923 = arith.constant 0 : index
      %get3A_924 = vector.load %arg1[%get3A_921, %get3A_922, %get3A_923] : memref<1733x8x128xf32, #tpu.memory_space<vmem>>, vector<1x8x128xf32>
      %get3A_925 = vector.shape_cast %get3A_924 : vector<1x8x128xf32> to vector<8x128xf32>
      %sub3A_926 = arith.subf %get3A_925, %max3A_32 : vector<8x128xf32>
      %exp3A_927 = math.exp %sub3A_926 : vector<8x128xf32>
      %add3A_928 = arith.addf %add3A_904, %exp3A_927 : vector<8x128xf32>
      %mul3A_929 = arith.constant 173 : i32
      %mul3A_930 = arith.muli %scan3A_86, %mul3A_929 : i32
      %add3A_931 = arith.constant 70 : i32
      %add3A_932 = arith.addi %mul3A_930, %add3A_931 : i32
      %get3A_933 = arith.index_cast %add3A_932 : i32 to index
      %get3A_934 = arith.constant 0 : index
      %get3A_935 = arith.constant 0 : index
      %get3A_936 = vector.load %arg1[%get3A_933, %get3A_934, %get3A_935] : memref<1733x8x128xf32, #tpu.memory_space<vmem>>, vector<1x8x128xf32>
      %get3A_937 = vector.shape_cast %get3A_936 : vector<1x8x128xf32> to vector<8x128xf32>
      %sub3A_938 = arith.subf %get3A_937, %max3A_32 : vector<8x128xf32>
      %exp3A_939 = math.exp %sub3A_938 : vector<8x128xf32>
      %add3A_940 = arith.addf %add3A_916, %exp3A_939 : vector<8x128xf32>
      %mul3A_941 = arith.constant 173 : i32
      %mul3A_942 = arith.muli %scan3A_86, %mul3A_941 : i32
      %add3A_943 = arith.constant 71 : i32
      %add3A_944 = arith.addi %mul3A_942, %add3A_943 : i32
      %get3A_945 = arith.index_cast %add3A_944 : i32 to index
      %get3A_946 = arith.constant 0 : index
      %get3A_947 = arith.constant 0 : index
      %get3A_948 = vector.load %arg1[%get3A_945, %get3A_946, %get3A_947] : memref<1733x8x128xf32, #tpu.memory_space<vmem>>, vector<1x8x128xf32>
      %get3A_949 = vector.shape_cast %get3A_948 : vector<1x8x128xf32> to vector<8x128xf32>
      %sub3A_950 = arith.subf %get3A_949, %max3A_32 : vector<8x128xf32>
      %exp3A_951 = math.exp %sub3A_950 : vector<8x128xf32>
      %add3A_952 = arith.addf %add3A_928, %exp3A_951 : vector<8x128xf32>
      %mul3A_953 = arith.constant 173 : i32
      %mul3A_954 = arith.muli %scan3A_86, %mul3A_953 : i32
      %add3A_955 = arith.constant 72 : i32
      %add3A_956 = arith.addi %mul3A_954, %add3A_955 : i32
      %get3A_957 = arith.index_cast %add3A_956 : i32 to index
      %get3A_958 = arith.constant 0 : index
      %get3A_959 = arith.constant 0 : index
      %get3A_960 = vector.load %arg1[%get3A_957, %get3A_958, %get3A_959] : memref<1733x8x128xf32, #tpu.memory_space<vmem>>, vector<1x8x128xf32>
      %get3A_961 = vector.shape_cast %get3A_960 : vector<1x8x128xf32> to vector<8x128xf32>
      %sub3A_962 = arith.subf %get3A_961, %max3A_32 : vector<8x128xf32>
      %exp3A_963 = math.exp %sub3A_962 : vector<8x128xf32>
      %add3A_964 = arith.addf %add3A_940, %exp3A_963 : vector<8x128xf32>
      %mul3A_965 = arith.constant 173 : i32
      %mul3A_966 = arith.muli %scan3A_86, %mul3A_965 : i32
      %add3A_967 = arith.constant 73 : i32
      %add3A_968 = arith.addi %mul3A_966, %add3A_967 : i32
      %get3A_969 = arith.index_cast %add3A_968 : i32 to index
      %get3A_970 = arith.constant 0 : index
      %get3A_971 = arith.constant 0 : index
      %get3A_972 = vector.load %arg1[%get3A_969, %get3A_970, %get3A_971] : memref<1733x8x128xf32, #tpu.memory_space<vmem>>, vector<1x8x128xf32>
      %get3A_973 = vector.shape_cast %get3A_972 : vector<1x8x128xf32> to vector<8x128xf32>
      %sub3A_974 = arith.subf %get3A_973, %max3A_32 : vector<8x128xf32>
      %exp3A_975 = math.exp %sub3A_974 : vector<8x128xf32>
      %add3A_976 = arith.addf %add3A_952, %exp3A_975 : vector<8x128xf32>
      %mul3A_977 = arith.constant 173 : i32
      %mul3A_978 = arith.muli %scan3A_86, %mul3A_977 : i32
      %add3A_979 = arith.constant 74 : i32
      %add3A_980 = arith.addi %mul3A_978, %add3A_979 : i32
      %get3A_981 = arith.index_cast %add3A_980 : i32 to index
      %get3A_982 = arith.constant 0 : index
      %get3A_983 = arith.constant 0 : index
      %get3A_984 = vector.load %arg1[%get3A_981, %get3A_982, %get3A_983] : memref<1733x8x128xf32, #tpu.memory_space<vmem>>, vector<1x8x128xf32>
      %get3A_985 = vector.shape_cast %get3A_984 : vector<1x8x128xf32> to vector<8x128xf32>
      %sub3A_986 = arith.subf %get3A_985, %max3A_32 : vector<8x128xf32>
      %exp3A_987 = math.exp %sub3A_986 : vector<8x128xf32>
      %add3A_988 = arith.addf %add3A_964, %exp3A_987 : vector<8x128xf32>
      %mul3A_989 = arith.constant 173 : i32
      %mul3A_990 = arith.muli %scan3A_86, %mul3A_989 : i32
      %add3A_991 = arith.constant 75 : i32
      %add3A_992 = arith.addi %mul3A_990, %add3A_991 : i32
      %get3A_993 = arith.index_cast %add3A_992 : i32 to index
      %get3A_994 = arith.constant 0 : index
      %get3A_995 = arith.constant 0 : index
      %get3A_996 = vector.load %arg1[%get3A_993, %get3A_994, %get3A_995] : memref<1733x8x128xf32, #tpu.memory_space<vmem>>, vector<1x8x128xf32>
      %get3A_997 = vector.shape_cast %get3A_996 : vector<1x8x128xf32> to vector<8x128xf32>
      %sub3A_998 = arith.subf %get3A_997, %max3A_32 : vector<8x128xf32>
      %exp3A_999 = math.exp %sub3A_998 : vector<8x128xf32>
      %add3A_1000 = arith.addf %add3A_976, %exp3A_999 : vector<8x128xf32>
      %mul3A_1001 = arith.constant 173 : i32
      %mul3A_1002 = arith.muli %scan3A_86, %mul3A_1001 : i32
      %add3A_1003 = arith.constant 76 : i32
      %add3A_1004 = arith.addi %mul3A_1002, %add3A_1003 : i32
      %get3A_1005 = arith.index_cast %add3A_1004 : i32 to index
      %get3A_1006 = arith.constant 0 : index
      %get3A_1007 = arith.constant 0 : index
      %get3A_1008 = vector.load %arg1[%get3A_1005, %get3A_1006, %get3A_1007] : memref<1733x8x128xf32, #tpu.memory_space<vmem>>, vector<1x8x128xf32>
      %get3A_1009 = vector.shape_cast %get3A_1008 : vector<1x8x128xf32> to vector<8x128xf32>
      %sub3A_1010 = arith.subf %get3A_1009, %max3A_32 : vector<8x128xf32>
      %exp3A_1011 = math.exp %sub3A_1010 : vector<8x128xf32>
      %add3A_1012 = arith.addf %add3A_988, %exp3A_1011 : vector<8x128xf32>
      %mul3A_1013 = arith.constant 173 : i32
      %mul3A_1014 = arith.muli %scan3A_86, %mul3A_1013 : i32
      %add3A_1015 = arith.constant 77 : i32
      %add3A_1016 = arith.addi %mul3A_1014, %add3A_1015 : i32
      %get3A_1017 = arith.index_cast %add3A_1016 : i32 to index
      %get3A_1018 = arith.constant 0 : index
      %get3A_1019 = arith.constant 0 : index
      %get3A_1020 = vector.load %arg1[%get3A_1017, %get3A_1018, %get3A_1019] : memref<1733x8x128xf32, #tpu.memory_space<vmem>>, vector<1x8x128xf32>
      %get3A_1021 = vector.shape_cast %get3A_1020 : vector<1x8x128xf32> to vector<8x128xf32>
      %sub3A_1022 = arith.subf %get3A_1021, %max3A_32 : vector<8x128xf32>
      %exp3A_1023 = math.exp %sub3A_1022 : vector<8x128xf32>
      %add3A_1024 = arith.addf %add3A_1000, %exp3A_1023 : vector<8x128xf32>
      %mul3A_1025 = arith.constant 173 : i32
      %mul3A_1026 = arith.muli %scan3A_86, %mul3A_1025 : i32
      %add3A_1027 = arith.constant 78 : i32
      %add3A_1028 = arith.addi %mul3A_1026, %add3A_1027 : i32
      %get3A_1029 = arith.index_cast %add3A_1028 : i32 to index
      %get3A_1030 = arith.constant 0 : index
      %get3A_1031 = arith.constant 0 : index
      %get3A_1032 = vector.load %arg1[%get3A_1029, %get3A_1030, %get3A_1031] : memref<1733x8x128xf32, #tpu.memory_space<vmem>>, vector<1x8x128xf32>
      %get3A_1033 = vector.shape_cast %get3A_1032 : vector<1x8x128xf32> to vector<8x128xf32>
      %sub3A_1034 = arith.subf %get3A_1033, %max3A_32 : vector<8x128xf32>
      %exp3A_1035 = math.exp %sub3A_1034 : vector<8x128xf32>
      %add3A_1036 = arith.addf %add3A_1012, %exp3A_1035 : vector<8x128xf32>
      %mul3A_1037 = arith.constant 173 : i32
      %mul3A_1038 = arith.muli %scan3A_86, %mul3A_1037 : i32
      %add3A_1039 = arith.constant 79 : i32
      %add3A_1040 = arith.addi %mul3A_1038, %add3A_1039 : i32
      %get3A_1041 = arith.index_cast %add3A_1040 : i32 to index
      %get3A_1042 = arith.constant 0 : index
      %get3A_1043 = arith.constant 0 : index
      %get3A_1044 = vector.load %arg1[%get3A_1041, %get3A_1042, %get3A_1043] : memref<1733x8x128xf32, #tpu.memory_space<vmem>>, vector<1x8x128xf32>
      %get3A_1045 = vector.shape_cast %get3A_1044 : vector<1x8x128xf32> to vector<8x128xf32>
      %sub3A_1046 = arith.subf %get3A_1045, %max3A_32 : vector<8x128xf32>
      %exp3A_1047 = math.exp %sub3A_1046 : vector<8x128xf32>
      %add3A_1048 = arith.addf %add3A_1024, %exp3A_1047 : vector<8x128xf32>
      %mul3A_1049 = arith.constant 173 : i32
      %mul3A_1050 = arith.muli %scan3A_86, %mul3A_1049 : i32
      %add3A_1051 = arith.constant 80 : i32
      %add3A_1052 = arith.addi %mul3A_1050, %add3A_1051 : i32
      %get3A_1053 = arith.index_cast %add3A_1052 : i32 to index
      %get3A_1054 = arith.constant 0 : index
      %get3A_1055 = arith.constant 0 : index
      %get3A_1056 = vector.load %arg1[%get3A_1053, %get3A_1054, %get3A_1055] : memref<1733x8x128xf32, #tpu.memory_space<vmem>>, vector<1x8x128xf32>
      %get3A_1057 = vector.shape_cast %get3A_1056 : vector<1x8x128xf32> to vector<8x128xf32>
      %sub3A_1058 = arith.subf %get3A_1057, %max3A_32 : vector<8x128xf32>
      %exp3A_1059 = math.exp %sub3A_1058 : vector<8x128xf32>
      %add3A_1060 = arith.addf %add3A_1036, %exp3A_1059 : vector<8x128xf32>
      %mul3A_1061 = arith.constant 173 : i32
      %mul3A_1062 = arith.muli %scan3A_86, %mul3A_1061 : i32
      %add3A_1063 = arith.constant 81 : i32
      %add3A_1064 = arith.addi %mul3A_1062, %add3A_1063 : i32
      %get3A_1065 = arith.index_cast %add3A_1064 : i32 to index
      %get3A_1066 = arith.constant 0 : index
      %get3A_1067 = arith.constant 0 : index
      %get3A_1068 = vector.load %arg1[%get3A_1065, %get3A_1066, %get3A_1067] : memref<1733x8x128xf32, #tpu.memory_space<vmem>>, vector<1x8x128xf32>
      %get3A_1069 = vector.shape_cast %get3A_1068 : vector<1x8x128xf32> to vector<8x128xf32>
      %sub3A_1070 = arith.subf %get3A_1069, %max3A_32 : vector<8x128xf32>
      %exp3A_1071 = math.exp %sub3A_1070 : vector<8x128xf32>
      %add3A_1072 = arith.addf %add3A_1048, %exp3A_1071 : vector<8x128xf32>
      %mul3A_1073 = arith.constant 173 : i32
      %mul3A_1074 = arith.muli %scan3A_86, %mul3A_1073 : i32
      %add3A_1075 = arith.constant 82 : i32
      %add3A_1076 = arith.addi %mul3A_1074, %add3A_1075 : i32
      %get3A_1077 = arith.index_cast %add3A_1076 : i32 to index
      %get3A_1078 = arith.constant 0 : index
      %get3A_1079 = arith.constant 0 : index
      %get3A_1080 = vector.load %arg1[%get3A_1077, %get3A_1078, %get3A_1079] : memref<1733x8x128xf32, #tpu.memory_space<vmem>>, vector<1x8x128xf32>
      %get3A_1081 = vector.shape_cast %get3A_1080 : vector<1x8x128xf32> to vector<8x128xf32>
      %sub3A_1082 = arith.subf %get3A_1081, %max3A_32 : vector<8x128xf32>
      %exp3A_1083 = math.exp %sub3A_1082 : vector<8x128xf32>
      %add3A_1084 = arith.addf %add3A_1060, %exp3A_1083 : vector<8x128xf32>
      %mul3A_1085 = arith.constant 173 : i32
      %mul3A_1086 = arith.muli %scan3A_86, %mul3A_1085 : i32
      %add3A_1087 = arith.constant 83 : i32
      %add3A_1088 = arith.addi %mul3A_1086, %add3A_1087 : i32
      %get3A_1089 = arith.index_cast %add3A_1088 : i32 to index
      %get3A_1090 = arith.constant 0 : index
      %get3A_1091 = arith.constant 0 : index
      %get3A_1092 = vector.load %arg1[%get3A_1089, %get3A_1090, %get3A_1091] : memref<1733x8x128xf32, #tpu.memory_space<vmem>>, vector<1x8x128xf32>
      %get3A_1093 = vector.shape_cast %get3A_1092 : vector<1x8x128xf32> to vector<8x128xf32>
      %sub3A_1094 = arith.subf %get3A_1093, %max3A_32 : vector<8x128xf32>
      %exp3A_1095 = math.exp %sub3A_1094 : vector<8x128xf32>
      %add3A_1096 = arith.addf %add3A_1072, %exp3A_1095 : vector<8x128xf32>
      %mul3A_1097 = arith.constant 173 : i32
      %mul3A_1098 = arith.muli %scan3A_86, %mul3A_1097 : i32
      %add3A_1099 = arith.constant 84 : i32
      %add3A_1100 = arith.addi %mul3A_1098, %add3A_1099 : i32
      %get3A_1101 = arith.index_cast %add3A_1100 : i32 to index
      %get3A_1102 = arith.constant 0 : index
      %get3A_1103 = arith.constant 0 : index
      %get3A_1104 = vector.load %arg1[%get3A_1101, %get3A_1102, %get3A_1103] : memref<1733x8x128xf32, #tpu.memory_space<vmem>>, vector<1x8x128xf32>
      %get3A_1105 = vector.shape_cast %get3A_1104 : vector<1x8x128xf32> to vector<8x128xf32>
      %sub3A_1106 = arith.subf %get3A_1105, %max3A_32 : vector<8x128xf32>
      %exp3A_1107 = math.exp %sub3A_1106 : vector<8x128xf32>
      %add3A_1108 = arith.addf %add3A_1084, %exp3A_1107 : vector<8x128xf32>
      %mul3A_1109 = arith.constant 173 : i32
      %mul3A_1110 = arith.muli %scan3A_86, %mul3A_1109 : i32
      %add3A_1111 = arith.constant 85 : i32
      %add3A_1112 = arith.addi %mul3A_1110, %add3A_1111 : i32
      %get3A_1113 = arith.index_cast %add3A_1112 : i32 to index
      %get3A_1114 = arith.constant 0 : index
      %get3A_1115 = arith.constant 0 : index
      %get3A_1116 = vector.load %arg1[%get3A_1113, %get3A_1114, %get3A_1115] : memref<1733x8x128xf32, #tpu.memory_space<vmem>>, vector<1x8x128xf32>
      %get3A_1117 = vector.shape_cast %get3A_1116 : vector<1x8x128xf32> to vector<8x128xf32>
      %sub3A_1118 = arith.subf %get3A_1117, %max3A_32 : vector<8x128xf32>
      %exp3A_1119 = math.exp %sub3A_1118 : vector<8x128xf32>
      %add3A_1120 = arith.addf %add3A_1096, %exp3A_1119 : vector<8x128xf32>
      %mul3A_1121 = arith.constant 173 : i32
      %mul3A_1122 = arith.muli %scan3A_86, %mul3A_1121 : i32
      %add3A_1123 = arith.constant 86 : i32
      %add3A_1124 = arith.addi %mul3A_1122, %add3A_1123 : i32
      %get3A_1125 = arith.index_cast %add3A_1124 : i32 to index
      %get3A_1126 = arith.constant 0 : index
      %get3A_1127 = arith.constant 0 : index
      %get3A_1128 = vector.load %arg1[%get3A_1125, %get3A_1126, %get3A_1127] : memref<1733x8x128xf32, #tpu.memory_space<vmem>>, vector<1x8x128xf32>
      %get3A_1129 = vector.shape_cast %get3A_1128 : vector<1x8x128xf32> to vector<8x128xf32>
      %sub3A_1130 = arith.subf %get3A_1129, %max3A_32 : vector<8x128xf32>
      %exp3A_1131 = math.exp %sub3A_1130 : vector<8x128xf32>
      %add3A_1132 = arith.addf %add3A_1108, %exp3A_1131 : vector<8x128xf32>
      %mul3A_1133 = arith.constant 173 : i32
      %mul3A_1134 = arith.muli %scan3A_86, %mul3A_1133 : i32
      %add3A_1135 = arith.constant 87 : i32
      %add3A_1136 = arith.addi %mul3A_1134, %add3A_1135 : i32
      %get3A_1137 = arith.index_cast %add3A_1136 : i32 to index
      %get3A_1138 = arith.constant 0 : index
      %get3A_1139 = arith.constant 0 : index
      %get3A_1140 = vector.load %arg1[%get3A_1137, %get3A_1138, %get3A_1139] : memref<1733x8x128xf32, #tpu.memory_space<vmem>>, vector<1x8x128xf32>
      %get3A_1141 = vector.shape_cast %get3A_1140 : vector<1x8x128xf32> to vector<8x128xf32>
      %sub3A_1142 = arith.subf %get3A_1141, %max3A_32 : vector<8x128xf32>
      %exp3A_1143 = math.exp %sub3A_1142 : vector<8x128xf32>
      %add3A_1144 = arith.addf %add3A_1120, %exp3A_1143 : vector<8x128xf32>
      %mul3A_1145 = arith.constant 173 : i32
      %mul3A_1146 = arith.muli %scan3A_86, %mul3A_1145 : i32
      %add3A_1147 = arith.constant 88 : i32
      %add3A_1148 = arith.addi %mul3A_1146, %add3A_1147 : i32
      %get3A_1149 = arith.index_cast %add3A_1148 : i32 to index
      %get3A_1150 = arith.constant 0 : index
      %get3A_1151 = arith.constant 0 : index
      %get3A_1152 = vector.load %arg1[%get3A_1149, %get3A_1150, %get3A_1151] : memref<1733x8x128xf32, #tpu.memory_space<vmem>>, vector<1x8x128xf32>
      %get3A_1153 = vector.shape_cast %get3A_1152 : vector<1x8x128xf32> to vector<8x128xf32>
      %sub3A_1154 = arith.subf %get3A_1153, %max3A_32 : vector<8x128xf32>
      %exp3A_1155 = math.exp %sub3A_1154 : vector<8x128xf32>
      %add3A_1156 = arith.addf %add3A_1132, %exp3A_1155 : vector<8x128xf32>
      %mul3A_1157 = arith.constant 173 : i32
      %mul3A_1158 = arith.muli %scan3A_86, %mul3A_1157 : i32
      %add3A_1159 = arith.constant 89 : i32
      %add3A_1160 = arith.addi %mul3A_1158, %add3A_1159 : i32
      %get3A_1161 = arith.index_cast %add3A_1160 : i32 to index
      %get3A_1162 = arith.constant 0 : index
      %get3A_1163 = arith.constant 0 : index
      %get3A_1164 = vector.load %arg1[%get3A_1161, %get3A_1162, %get3A_1163] : memref<1733x8x128xf32, #tpu.memory_space<vmem>>, vector<1x8x128xf32>
      %get3A_1165 = vector.shape_cast %get3A_1164 : vector<1x8x128xf32> to vector<8x128xf32>
      %sub3A_1166 = arith.subf %get3A_1165, %max3A_32 : vector<8x128xf32>
      %exp3A_1167 = math.exp %sub3A_1166 : vector<8x128xf32>
      %add3A_1168 = arith.addf %add3A_1144, %exp3A_1167 : vector<8x128xf32>
      %mul3A_1169 = arith.constant 173 : i32
      %mul3A_1170 = arith.muli %scan3A_86, %mul3A_1169 : i32
      %add3A_1171 = arith.constant 90 : i32
      %add3A_1172 = arith.addi %mul3A_1170, %add3A_1171 : i32
      %get3A_1173 = arith.index_cast %add3A_1172 : i32 to index
      %get3A_1174 = arith.constant 0 : index
      %get3A_1175 = arith.constant 0 : index
      %get3A_1176 = vector.load %arg1[%get3A_1173, %get3A_1174, %get3A_1175] : memref<1733x8x128xf32, #tpu.memory_space<vmem>>, vector<1x8x128xf32>
      %get3A_1177 = vector.shape_cast %get3A_1176 : vector<1x8x128xf32> to vector<8x128xf32>
      %sub3A_1178 = arith.subf %get3A_1177, %max3A_32 : vector<8x128xf32>
      %exp3A_1179 = math.exp %sub3A_1178 : vector<8x128xf32>
      %add3A_1180 = arith.addf %add3A_1156, %exp3A_1179 : vector<8x128xf32>
      %mul3A_1181 = arith.constant 173 : i32
      %mul3A_1182 = arith.muli %scan3A_86, %mul3A_1181 : i32
      %add3A_1183 = arith.constant 91 : i32
      %add3A_1184 = arith.addi %mul3A_1182, %add3A_1183 : i32
      %get3A_1185 = arith.index_cast %add3A_1184 : i32 to index
      %get3A_1186 = arith.constant 0 : index
      %get3A_1187 = arith.constant 0 : index
      %get3A_1188 = vector.load %arg1[%get3A_1185, %get3A_1186, %get3A_1187] : memref<1733x8x128xf32, #tpu.memory_space<vmem>>, vector<1x8x128xf32>
      %get3A_1189 = vector.shape_cast %get3A_1188 : vector<1x8x128xf32> to vector<8x128xf32>
      %sub3A_1190 = arith.subf %get3A_1189, %max3A_32 : vector<8x128xf32>
      %exp3A_1191 = math.exp %sub3A_1190 : vector<8x128xf32>
      %add3A_1192 = arith.addf %add3A_1168, %exp3A_1191 : vector<8x128xf32>
      %mul3A_1193 = arith.constant 173 : i32
      %mul3A_1194 = arith.muli %scan3A_86, %mul3A_1193 : i32
      %add3A_1195 = arith.constant 92 : i32
      %add3A_1196 = arith.addi %mul3A_1194, %add3A_1195 : i32
      %get3A_1197 = arith.index_cast %add3A_1196 : i32 to index
      %get3A_1198 = arith.constant 0 : index
      %get3A_1199 = arith.constant 0 : index
      %get3A_1200 = vector.load %arg1[%get3A_1197, %get3A_1198, %get3A_1199] : memref<1733x8x128xf32, #tpu.memory_space<vmem>>, vector<1x8x128xf32>
      %get3A_1201 = vector.shape_cast %get3A_1200 : vector<1x8x128xf32> to vector<8x128xf32>
      %sub3A_1202 = arith.subf %get3A_1201, %max3A_32 : vector<8x128xf32>
      %exp3A_1203 = math.exp %sub3A_1202 : vector<8x128xf32>
      %add3A_1204 = arith.addf %add3A_1180, %exp3A_1203 : vector<8x128xf32>
      %mul3A_1205 = arith.constant 173 : i32
      %mul3A_1206 = arith.muli %scan3A_86, %mul3A_1205 : i32
      %add3A_1207 = arith.constant 93 : i32
      %add3A_1208 = arith.addi %mul3A_1206, %add3A_1207 : i32
      %get3A_1209 = arith.index_cast %add3A_1208 : i32 to index
      %get3A_1210 = arith.constant 0 : index
      %get3A_1211 = arith.constant 0 : index
      %get3A_1212 = vector.load %arg1[%get3A_1209, %get3A_1210, %get3A_1211] : memref<1733x8x128xf32, #tpu.memory_space<vmem>>, vector<1x8x128xf32>
      %get3A_1213 = vector.shape_cast %get3A_1212 : vector<1x8x128xf32> to vector<8x128xf32>
      %sub3A_1214 = arith.subf %get3A_1213, %max3A_32 : vector<8x128xf32>
      %exp3A_1215 = math.exp %sub3A_1214 : vector<8x128xf32>
      %add3A_1216 = arith.addf %add3A_1192, %exp3A_1215 : vector<8x128xf32>
      %mul3A_1217 = arith.constant 173 : i32
      %mul3A_1218 = arith.muli %scan3A_86, %mul3A_1217 : i32
      %add3A_1219 = arith.constant 94 : i32
      %add3A_1220 = arith.addi %mul3A_1218, %add3A_1219 : i32
      %get3A_1221 = arith.index_cast %add3A_1220 : i32 to index
      %get3A_1222 = arith.constant 0 : index
      %get3A_1223 = arith.constant 0 : index
      %get3A_1224 = vector.load %arg1[%get3A_1221, %get3A_1222, %get3A_1223] : memref<1733x8x128xf32, #tpu.memory_space<vmem>>, vector<1x8x128xf32>
      %get3A_1225 = vector.shape_cast %get3A_1224 : vector<1x8x128xf32> to vector<8x128xf32>
      %sub3A_1226 = arith.subf %get3A_1225, %max3A_32 : vector<8x128xf32>
      %exp3A_1227 = math.exp %sub3A_1226 : vector<8x128xf32>
      %add3A_1228 = arith.addf %add3A_1204, %exp3A_1227 : vector<8x128xf32>
      %mul3A_1229 = arith.constant 173 : i32
      %mul3A_1230 = arith.muli %scan3A_86, %mul3A_1229 : i32
      %add3A_1231 = arith.constant 95 : i32
      %add3A_1232 = arith.addi %mul3A_1230, %add3A_1231 : i32
      %get3A_1233 = arith.index_cast %add3A_1232 : i32 to index
      %get3A_1234 = arith.constant 0 : index
      %get3A_1235 = arith.constant 0 : index
      %get3A_1236 = vector.load %arg1[%get3A_1233, %get3A_1234, %get3A_1235] : memref<1733x8x128xf32, #tpu.memory_space<vmem>>, vector<1x8x128xf32>
      %get3A_1237 = vector.shape_cast %get3A_1236 : vector<1x8x128xf32> to vector<8x128xf32>
      %sub3A_1238 = arith.subf %get3A_1237, %max3A_32 : vector<8x128xf32>
      %exp3A_1239 = math.exp %sub3A_1238 : vector<8x128xf32>
      %add3A_1240 = arith.addf %add3A_1216, %exp3A_1239 : vector<8x128xf32>
      %mul3A_1241 = arith.constant 173 : i32
      %mul3A_1242 = arith.muli %scan3A_86, %mul3A_1241 : i32
      %add3A_1243 = arith.constant 96 : i32
      %add3A_1244 = arith.addi %mul3A_1242, %add3A_1243 : i32
      %get3A_1245 = arith.index_cast %add3A_1244 : i32 to index
      %get3A_1246 = arith.constant 0 : index
      %get3A_1247 = arith.constant 0 : index
      %get3A_1248 = vector.load %arg1[%get3A_1245, %get3A_1246, %get3A_1247] : memref<1733x8x128xf32, #tpu.memory_space<vmem>>, vector<1x8x128xf32>
      %get3A_1249 = vector.shape_cast %get3A_1248 : vector<1x8x128xf32> to vector<8x128xf32>
      %sub3A_1250 = arith.subf %get3A_1249, %max3A_32 : vector<8x128xf32>
      %exp3A_1251 = math.exp %sub3A_1250 : vector<8x128xf32>
      %add3A_1252 = arith.addf %add3A_1228, %exp3A_1251 : vector<8x128xf32>
      %mul3A_1253 = arith.constant 173 : i32
      %mul3A_1254 = arith.muli %scan3A_86, %mul3A_1253 : i32
      %add3A_1255 = arith.constant 97 : i32
      %add3A_1256 = arith.addi %mul3A_1254, %add3A_1255 : i32
      %get3A_1257 = arith.index_cast %add3A_1256 : i32 to index
      %get3A_1258 = arith.constant 0 : index
      %get3A_1259 = arith.constant 0 : index
      %get3A_1260 = vector.load %arg1[%get3A_1257, %get3A_1258, %get3A_1259] : memref<1733x8x128xf32, #tpu.memory_space<vmem>>, vector<1x8x128xf32>
      %get3A_1261 = vector.shape_cast %get3A_1260 : vector<1x8x128xf32> to vector<8x128xf32>
      %sub3A_1262 = arith.subf %get3A_1261, %max3A_32 : vector<8x128xf32>
      %exp3A_1263 = math.exp %sub3A_1262 : vector<8x128xf32>
      %add3A_1264 = arith.addf %add3A_1240, %exp3A_1263 : vector<8x128xf32>
      %mul3A_1265 = arith.constant 173 : i32
      %mul3A_1266 = arith.muli %scan3A_86, %mul3A_1265 : i32
      %add3A_1267 = arith.constant 98 : i32
      %add3A_1268 = arith.addi %mul3A_1266, %add3A_1267 : i32
      %get3A_1269 = arith.index_cast %add3A_1268 : i32 to index
      %get3A_1270 = arith.constant 0 : index
      %get3A_1271 = arith.constant 0 : index
      %get3A_1272 = vector.load %arg1[%get3A_1269, %get3A_1270, %get3A_1271] : memref<1733x8x128xf32, #tpu.memory_space<vmem>>, vector<1x8x128xf32>
      %get3A_1273 = vector.shape_cast %get3A_1272 : vector<1x8x128xf32> to vector<8x128xf32>
      %sub3A_1274 = arith.subf %get3A_1273, %max3A_32 : vector<8x128xf32>
      %exp3A_1275 = math.exp %sub3A_1274 : vector<8x128xf32>
      %add3A_1276 = arith.addf %add3A_1252, %exp3A_1275 : vector<8x128xf32>
      %mul3A_1277 = arith.constant 173 : i32
      %mul3A_1278 = arith.muli %scan3A_86, %mul3A_1277 : i32
      %add3A_1279 = arith.constant 99 : i32
      %add3A_1280 = arith.addi %mul3A_1278, %add3A_1279 : i32
      %get3A_1281 = arith.index_cast %add3A_1280 : i32 to index
      %get3A_1282 = arith.constant 0 : index
      %get3A_1283 = arith.constant 0 : index
      %get3A_1284 = vector.load %arg1[%get3A_1281, %get3A_1282, %get3A_1283] : memref<1733x8x128xf32, #tpu.memory_space<vmem>>, vector<1x8x128xf32>
      %get3A_1285 = vector.shape_cast %get3A_1284 : vector<1x8x128xf32> to vector<8x128xf32>
      %sub3A_1286 = arith.subf %get3A_1285, %max3A_32 : vector<8x128xf32>
      %exp3A_1287 = math.exp %sub3A_1286 : vector<8x128xf32>
      %add3A_1288 = arith.addf %add3A_1264, %exp3A_1287 : vector<8x128xf32>
      %mul3A_1289 = arith.constant 173 : i32
      %mul3A_1290 = arith.muli %scan3A_86, %mul3A_1289 : i32
      %add3A_1291 = arith.constant 100 : i32
      %add3A_1292 = arith.addi %mul3A_1290, %add3A_1291 : i32
      %get3A_1293 = arith.index_cast %add3A_1292 : i32 to index
      %get3A_1294 = arith.constant 0 : index
      %get3A_1295 = arith.constant 0 : index
      %get3A_1296 = vector.load %arg1[%get3A_1293, %get3A_1294, %get3A_1295] : memref<1733x8x128xf32, #tpu.memory_space<vmem>>, vector<1x8x128xf32>
      %get3A_1297 = vector.shape_cast %get3A_1296 : vector<1x8x128xf32> to vector<8x128xf32>
      %sub3A_1298 = arith.subf %get3A_1297, %max3A_32 : vector<8x128xf32>
      %exp3A_1299 = math.exp %sub3A_1298 : vector<8x128xf32>
      %add3A_1300 = arith.addf %add3A_1276, %exp3A_1299 : vector<8x128xf32>
      %mul3A_1301 = arith.constant 173 : i32
      %mul3A_1302 = arith.muli %scan3A_86, %mul3A_1301 : i32
      %add3A_1303 = arith.constant 101 : i32
      %add3A_1304 = arith.addi %mul3A_1302, %add3A_1303 : i32
      %get3A_1305 = arith.index_cast %add3A_1304 : i32 to index
      %get3A_1306 = arith.constant 0 : index
      %get3A_1307 = arith.constant 0 : index
      %get3A_1308 = vector.load %arg1[%get3A_1305, %get3A_1306, %get3A_1307] : memref<1733x8x128xf32, #tpu.memory_space<vmem>>, vector<1x8x128xf32>
      %get3A_1309 = vector.shape_cast %get3A_1308 : vector<1x8x128xf32> to vector<8x128xf32>
      %sub3A_1310 = arith.subf %get3A_1309, %max3A_32 : vector<8x128xf32>
      %exp3A_1311 = math.exp %sub3A_1310 : vector<8x128xf32>
      %add3A_1312 = arith.addf %add3A_1288, %exp3A_1311 : vector<8x128xf32>
      %mul3A_1313 = arith.constant 173 : i32
      %mul3A_1314 = arith.muli %scan3A_86, %mul3A_1313 : i32
      %add3A_1315 = arith.constant 102 : i32
      %add3A_1316 = arith.addi %mul3A_1314, %add3A_1315 : i32
      %get3A_1317 = arith.index_cast %add3A_1316 : i32 to index
      %get3A_1318 = arith.constant 0 : index
      %get3A_1319 = arith.constant 0 : index
      %get3A_1320 = vector.load %arg1[%get3A_1317, %get3A_1318, %get3A_1319] : memref<1733x8x128xf32, #tpu.memory_space<vmem>>, vector<1x8x128xf32>
      %get3A_1321 = vector.shape_cast %get3A_1320 : vector<1x8x128xf32> to vector<8x128xf32>
      %sub3A_1322 = arith.subf %get3A_1321, %max3A_32 : vector<8x128xf32>
      %exp3A_1323 = math.exp %sub3A_1322 : vector<8x128xf32>
      %add3A_1324 = arith.addf %add3A_1300, %exp3A_1323 : vector<8x128xf32>
      %mul3A_1325 = arith.constant 173 : i32
      %mul3A_1326 = arith.muli %scan3A_86, %mul3A_1325 : i32
      %add3A_1327 = arith.constant 103 : i32
      %add3A_1328 = arith.addi %mul3A_1326, %add3A_1327 : i32
      %get3A_1329 = arith.index_cast %add3A_1328 : i32 to index
      %get3A_1330 = arith.constant 0 : index
      %get3A_1331 = arith.constant 0 : index
      %get3A_1332 = vector.load %arg1[%get3A_1329, %get3A_1330, %get3A_1331] : memref<1733x8x128xf32, #tpu.memory_space<vmem>>, vector<1x8x128xf32>
      %get3A_1333 = vector.shape_cast %get3A_1332 : vector<1x8x128xf32> to vector<8x128xf32>
      %sub3A_1334 = arith.subf %get3A_1333, %max3A_32 : vector<8x128xf32>
      %exp3A_1335 = math.exp %sub3A_1334 : vector<8x128xf32>
      %add3A_1336 = arith.addf %add3A_1312, %exp3A_1335 : vector<8x128xf32>
      %mul3A_1337 = arith.constant 173 : i32
      %mul3A_1338 = arith.muli %scan3A_86, %mul3A_1337 : i32
      %add3A_1339 = arith.constant 104 : i32
      %add3A_1340 = arith.addi %mul3A_1338, %add3A_1339 : i32
      %get3A_1341 = arith.index_cast %add3A_1340 : i32 to index
      %get3A_1342 = arith.constant 0 : index
      %get3A_1343 = arith.constant 0 : index
      %get3A_1344 = vector.load %arg1[%get3A_1341, %get3A_1342, %get3A_1343] : memref<1733x8x128xf32, #tpu.memory_space<vmem>>, vector<1x8x128xf32>
      %get3A_1345 = vector.shape_cast %get3A_1344 : vector<1x8x128xf32> to vector<8x128xf32>
      %sub3A_1346 = arith.subf %get3A_1345, %max3A_32 : vector<8x128xf32>
      %exp3A_1347 = math.exp %sub3A_1346 : vector<8x128xf32>
      %add3A_1348 = arith.addf %add3A_1324, %exp3A_1347 : vector<8x128xf32>
      %mul3A_1349 = arith.constant 173 : i32
      %mul3A_1350 = arith.muli %scan3A_86, %mul3A_1349 : i32
      %add3A_1351 = arith.constant 105 : i32
      %add3A_1352 = arith.addi %mul3A_1350, %add3A_1351 : i32
      %get3A_1353 = arith.index_cast %add3A_1352 : i32 to index
      %get3A_1354 = arith.constant 0 : index
      %get3A_1355 = arith.constant 0 : index
      %get3A_1356 = vector.load %arg1[%get3A_1353, %get3A_1354, %get3A_1355] : memref<1733x8x128xf32, #tpu.memory_space<vmem>>, vector<1x8x128xf32>
      %get3A_1357 = vector.shape_cast %get3A_1356 : vector<1x8x128xf32> to vector<8x128xf32>
      %sub3A_1358 = arith.subf %get3A_1357, %max3A_32 : vector<8x128xf32>
      %exp3A_1359 = math.exp %sub3A_1358 : vector<8x128xf32>
      %add3A_1360 = arith.addf %add3A_1336, %exp3A_1359 : vector<8x128xf32>
      %mul3A_1361 = arith.constant 173 : i32
      %mul3A_1362 = arith.muli %scan3A_86, %mul3A_1361 : i32
      %add3A_1363 = arith.constant 106 : i32
      %add3A_1364 = arith.addi %mul3A_1362, %add3A_1363 : i32
      %get3A_1365 = arith.index_cast %add3A_1364 : i32 to index
      %get3A_1366 = arith.constant 0 : index
      %get3A_1367 = arith.constant 0 : index
      %get3A_1368 = vector.load %arg1[%get3A_1365, %get3A_1366, %get3A_1367] : memref<1733x8x128xf32, #tpu.memory_space<vmem>>, vector<1x8x128xf32>
      %get3A_1369 = vector.shape_cast %get3A_1368 : vector<1x8x128xf32> to vector<8x128xf32>
      %sub3A_1370 = arith.subf %get3A_1369, %max3A_32 : vector<8x128xf32>
      %exp3A_1371 = math.exp %sub3A_1370 : vector<8x128xf32>
      %add3A_1372 = arith.addf %add3A_1348, %exp3A_1371 : vector<8x128xf32>
      %mul3A_1373 = arith.constant 173 : i32
      %mul3A_1374 = arith.muli %scan3A_86, %mul3A_1373 : i32
      %add3A_1375 = arith.constant 107 : i32
      %add3A_1376 = arith.addi %mul3A_1374, %add3A_1375 : i32
      %get3A_1377 = arith.index_cast %add3A_1376 : i32 to index
      %get3A_1378 = arith.constant 0 : index
      %get3A_1379 = arith.constant 0 : index
      %get3A_1380 = vector.load %arg1[%get3A_1377, %get3A_1378, %get3A_1379] : memref<1733x8x128xf32, #tpu.memory_space<vmem>>, vector<1x8x128xf32>
      %get3A_1381 = vector.shape_cast %get3A_1380 : vector<1x8x128xf32> to vector<8x128xf32>
      %sub3A_1382 = arith.subf %get3A_1381, %max3A_32 : vector<8x128xf32>
      %exp3A_1383 = math.exp %sub3A_1382 : vector<8x128xf32>
      %add3A_1384 = arith.addf %add3A_1360, %exp3A_1383 : vector<8x128xf32>
      %mul3A_1385 = arith.constant 173 : i32
      %mul3A_1386 = arith.muli %scan3A_86, %mul3A_1385 : i32
      %add3A_1387 = arith.constant 108 : i32
      %add3A_1388 = arith.addi %mul3A_1386, %add3A_1387 : i32
      %get3A_1389 = arith.index_cast %add3A_1388 : i32 to index
      %get3A_1390 = arith.constant 0 : index
      %get3A_1391 = arith.constant 0 : index
      %get3A_1392 = vector.load %arg1[%get3A_1389, %get3A_1390, %get3A_1391] : memref<1733x8x128xf32, #tpu.memory_space<vmem>>, vector<1x8x128xf32>
      %get3A_1393 = vector.shape_cast %get3A_1392 : vector<1x8x128xf32> to vector<8x128xf32>
      %sub3A_1394 = arith.subf %get3A_1393, %max3A_32 : vector<8x128xf32>
      %exp3A_1395 = math.exp %sub3A_1394 : vector<8x128xf32>
      %add3A_1396 = arith.addf %add3A_1372, %exp3A_1395 : vector<8x128xf32>
      %mul3A_1397 = arith.constant 173 : i32
      %mul3A_1398 = arith.muli %scan3A_86, %mul3A_1397 : i32
      %add3A_1399 = arith.constant 109 : i32
      %add3A_1400 = arith.addi %mul3A_1398, %add3A_1399 : i32
      %get3A_1401 = arith.index_cast %add3A_1400 : i32 to index
      %get3A_1402 = arith.constant 0 : index
      %get3A_1403 = arith.constant 0 : index
      %get3A_1404 = vector.load %arg1[%get3A_1401, %get3A_1402, %get3A_1403] : memref<1733x8x128xf32, #tpu.memory_space<vmem>>, vector<1x8x128xf32>
      %get3A_1405 = vector.shape_cast %get3A_1404 : vector<1x8x128xf32> to vector<8x128xf32>
      %sub3A_1406 = arith.subf %get3A_1405, %max3A_32 : vector<8x128xf32>
      %exp3A_1407 = math.exp %sub3A_1406 : vector<8x128xf32>
      %add3A_1408 = arith.addf %add3A_1384, %exp3A_1407 : vector<8x128xf32>
      %mul3A_1409 = arith.constant 173 : i32
      %mul3A_1410 = arith.muli %scan3A_86, %mul3A_1409 : i32
      %add3A_1411 = arith.constant 110 : i32
      %add3A_1412 = arith.addi %mul3A_1410, %add3A_1411 : i32
      %get3A_1413 = arith.index_cast %add3A_1412 : i32 to index
      %get3A_1414 = arith.constant 0 : index
      %get3A_1415 = arith.constant 0 : index
      %get3A_1416 = vector.load %arg1[%get3A_1413, %get3A_1414, %get3A_1415] : memref<1733x8x128xf32, #tpu.memory_space<vmem>>, vector<1x8x128xf32>
      %get3A_1417 = vector.shape_cast %get3A_1416 : vector<1x8x128xf32> to vector<8x128xf32>
      %sub3A_1418 = arith.subf %get3A_1417, %max3A_32 : vector<8x128xf32>
      %exp3A_1419 = math.exp %sub3A_1418 : vector<8x128xf32>
      %add3A_1420 = arith.addf %add3A_1396, %exp3A_1419 : vector<8x128xf32>
      %mul3A_1421 = arith.constant 173 : i32
      %mul3A_1422 = arith.muli %scan3A_86, %mul3A_1421 : i32
      %add3A_1423 = arith.constant 111 : i32
      %add3A_1424 = arith.addi %mul3A_1422, %add3A_1423 : i32
      %get3A_1425 = arith.index_cast %add3A_1424 : i32 to index
      %get3A_1426 = arith.constant 0 : index
      %get3A_1427 = arith.constant 0 : index
      %get3A_1428 = vector.load %arg1[%get3A_1425, %get3A_1426, %get3A_1427] : memref<1733x8x128xf32, #tpu.memory_space<vmem>>, vector<1x8x128xf32>
      %get3A_1429 = vector.shape_cast %get3A_1428 : vector<1x8x128xf32> to vector<8x128xf32>
      %sub3A_1430 = arith.subf %get3A_1429, %max3A_32 : vector<8x128xf32>
      %exp3A_1431 = math.exp %sub3A_1430 : vector<8x128xf32>
      %add3A_1432 = arith.addf %add3A_1408, %exp3A_1431 : vector<8x128xf32>
      %mul3A_1433 = arith.constant 173 : i32
      %mul3A_1434 = arith.muli %scan3A_86, %mul3A_1433 : i32
      %add3A_1435 = arith.constant 112 : i32
      %add3A_1436 = arith.addi %mul3A_1434, %add3A_1435 : i32
      %get3A_1437 = arith.index_cast %add3A_1436 : i32 to index
      %get3A_1438 = arith.constant 0 : index
      %get3A_1439 = arith.constant 0 : index
      %get3A_1440 = vector.load %arg1[%get3A_1437, %get3A_1438, %get3A_1439] : memref<1733x8x128xf32, #tpu.memory_space<vmem>>, vector<1x8x128xf32>
      %get3A_1441 = vector.shape_cast %get3A_1440 : vector<1x8x128xf32> to vector<8x128xf32>
      %sub3A_1442 = arith.subf %get3A_1441, %max3A_32 : vector<8x128xf32>
      %exp3A_1443 = math.exp %sub3A_1442 : vector<8x128xf32>
      %add3A_1444 = arith.addf %add3A_1420, %exp3A_1443 : vector<8x128xf32>
      %mul3A_1445 = arith.constant 173 : i32
      %mul3A_1446 = arith.muli %scan3A_86, %mul3A_1445 : i32
      %add3A_1447 = arith.constant 113 : i32
      %add3A_1448 = arith.addi %mul3A_1446, %add3A_1447 : i32
      %get3A_1449 = arith.index_cast %add3A_1448 : i32 to index
      %get3A_1450 = arith.constant 0 : index
      %get3A_1451 = arith.constant 0 : index
      %get3A_1452 = vector.load %arg1[%get3A_1449, %get3A_1450, %get3A_1451] : memref<1733x8x128xf32, #tpu.memory_space<vmem>>, vector<1x8x128xf32>
      %get3A_1453 = vector.shape_cast %get3A_1452 : vector<1x8x128xf32> to vector<8x128xf32>
      %sub3A_1454 = arith.subf %get3A_1453, %max3A_32 : vector<8x128xf32>
      %exp3A_1455 = math.exp %sub3A_1454 : vector<8x128xf32>
      %add3A_1456 = arith.addf %add3A_1432, %exp3A_1455 : vector<8x128xf32>
      %mul3A_1457 = arith.constant 173 : i32
      %mul3A_1458 = arith.muli %scan3A_86, %mul3A_1457 : i32
      %add3A_1459 = arith.constant 114 : i32
      %add3A_1460 = arith.addi %mul3A_1458, %add3A_1459 : i32
      %get3A_1461 = arith.index_cast %add3A_1460 : i32 to index
      %get3A_1462 = arith.constant 0 : index
      %get3A_1463 = arith.constant 0 : index
      %get3A_1464 = vector.load %arg1[%get3A_1461, %get3A_1462, %get3A_1463] : memref<1733x8x128xf32, #tpu.memory_space<vmem>>, vector<1x8x128xf32>
      %get3A_1465 = vector.shape_cast %get3A_1464 : vector<1x8x128xf32> to vector<8x128xf32>
      %sub3A_1466 = arith.subf %get3A_1465, %max3A_32 : vector<8x128xf32>
      %exp3A_1467 = math.exp %sub3A_1466 : vector<8x128xf32>
      %add3A_1468 = arith.addf %add3A_1444, %exp3A_1467 : vector<8x128xf32>
      %mul3A_1469 = arith.constant 173 : i32
      %mul3A_1470 = arith.muli %scan3A_86, %mul3A_1469 : i32
      %add3A_1471 = arith.constant 115 : i32
      %add3A_1472 = arith.addi %mul3A_1470, %add3A_1471 : i32
      %get3A_1473 = arith.index_cast %add3A_1472 : i32 to index
      %get3A_1474 = arith.constant 0 : index
      %get3A_1475 = arith.constant 0 : index
      %get3A_1476 = vector.load %arg1[%get3A_1473, %get3A_1474, %get3A_1475] : memref<1733x8x128xf32, #tpu.memory_space<vmem>>, vector<1x8x128xf32>
      %get3A_1477 = vector.shape_cast %get3A_1476 : vector<1x8x128xf32> to vector<8x128xf32>
      %sub3A_1478 = arith.subf %get3A_1477, %max3A_32 : vector<8x128xf32>
      %exp3A_1479 = math.exp %sub3A_1478 : vector<8x128xf32>
      %add3A_1480 = arith.addf %add3A_1456, %exp3A_1479 : vector<8x128xf32>
      %mul3A_1481 = arith.constant 173 : i32
      %mul3A_1482 = arith.muli %scan3A_86, %mul3A_1481 : i32
      %add3A_1483 = arith.constant 116 : i32
      %add3A_1484 = arith.addi %mul3A_1482, %add3A_1483 : i32
      %get3A_1485 = arith.index_cast %add3A_1484 : i32 to index
      %get3A_1486 = arith.constant 0 : index
      %get3A_1487 = arith.constant 0 : index
      %get3A_1488 = vector.load %arg1[%get3A_1485, %get3A_1486, %get3A_1487] : memref<1733x8x128xf32, #tpu.memory_space<vmem>>, vector<1x8x128xf32>
      %get3A_1489 = vector.shape_cast %get3A_1488 : vector<1x8x128xf32> to vector<8x128xf32>
      %sub3A_1490 = arith.subf %get3A_1489, %max3A_32 : vector<8x128xf32>
      %exp3A_1491 = math.exp %sub3A_1490 : vector<8x128xf32>
      %add3A_1492 = arith.addf %add3A_1468, %exp3A_1491 : vector<8x128xf32>
      %mul3A_1493 = arith.constant 173 : i32
      %mul3A_1494 = arith.muli %scan3A_86, %mul3A_1493 : i32
      %add3A_1495 = arith.constant 117 : i32
      %add3A_1496 = arith.addi %mul3A_1494, %add3A_1495 : i32
      %get3A_1497 = arith.index_cast %add3A_1496 : i32 to index
      %get3A_1498 = arith.constant 0 : index
      %get3A_1499 = arith.constant 0 : index
      %get3A_1500 = vector.load %arg1[%get3A_1497, %get3A_1498, %get3A_1499] : memref<1733x8x128xf32, #tpu.memory_space<vmem>>, vector<1x8x128xf32>
      %get3A_1501 = vector.shape_cast %get3A_1500 : vector<1x8x128xf32> to vector<8x128xf32>
      %sub3A_1502 = arith.subf %get3A_1501, %max3A_32 : vector<8x128xf32>
      %exp3A_1503 = math.exp %sub3A_1502 : vector<8x128xf32>
      %add3A_1504 = arith.addf %add3A_1480, %exp3A_1503 : vector<8x128xf32>
      %mul3A_1505 = arith.constant 173 : i32
      %mul3A_1506 = arith.muli %scan3A_86, %mul3A_1505 : i32
      %add3A_1507 = arith.constant 118 : i32
      %add3A_1508 = arith.addi %mul3A_1506, %add3A_1507 : i32
      %get3A_1509 = arith.index_cast %add3A_1508 : i32 to index
      %get3A_1510 = arith.constant 0 : index
      %get3A_1511 = arith.constant 0 : index
      %get3A_1512 = vector.load %arg1[%get3A_1509, %get3A_1510, %get3A_1511] : memref<1733x8x128xf32, #tpu.memory_space<vmem>>, vector<1x8x128xf32>
      %get3A_1513 = vector.shape_cast %get3A_1512 : vector<1x8x128xf32> to vector<8x128xf32>
      %sub3A_1514 = arith.subf %get3A_1513, %max3A_32 : vector<8x128xf32>
      %exp3A_1515 = math.exp %sub3A_1514 : vector<8x128xf32>
      %add3A_1516 = arith.addf %add3A_1492, %exp3A_1515 : vector<8x128xf32>
      %mul3A_1517 = arith.constant 173 : i32
      %mul3A_1518 = arith.muli %scan3A_86, %mul3A_1517 : i32
      %add3A_1519 = arith.constant 119 : i32
      %add3A_1520 = arith.addi %mul3A_1518, %add3A_1519 : i32
      %get3A_1521 = arith.index_cast %add3A_1520 : i32 to index
      %get3A_1522 = arith.constant 0 : index
      %get3A_1523 = arith.constant 0 : index
      %get3A_1524 = vector.load %arg1[%get3A_1521, %get3A_1522, %get3A_1523] : memref<1733x8x128xf32, #tpu.memory_space<vmem>>, vector<1x8x128xf32>
      %get3A_1525 = vector.shape_cast %get3A_1524 : vector<1x8x128xf32> to vector<8x128xf32>
      %sub3A_1526 = arith.subf %get3A_1525, %max3A_32 : vector<8x128xf32>
      %exp3A_1527 = math.exp %sub3A_1526 : vector<8x128xf32>
      %add3A_1528 = arith.addf %add3A_1504, %exp3A_1527 : vector<8x128xf32>
      %mul3A_1529 = arith.constant 173 : i32
      %mul3A_1530 = arith.muli %scan3A_86, %mul3A_1529 : i32
      %add3A_1531 = arith.constant 120 : i32
      %add3A_1532 = arith.addi %mul3A_1530, %add3A_1531 : i32
      %get3A_1533 = arith.index_cast %add3A_1532 : i32 to index
      %get3A_1534 = arith.constant 0 : index
      %get3A_1535 = arith.constant 0 : index
      %get3A_1536 = vector.load %arg1[%get3A_1533, %get3A_1534, %get3A_1535] : memref<1733x8x128xf32, #tpu.memory_space<vmem>>, vector<1x8x128xf32>
      %get3A_1537 = vector.shape_cast %get3A_1536 : vector<1x8x128xf32> to vector<8x128xf32>
      %sub3A_1538 = arith.subf %get3A_1537, %max3A_32 : vector<8x128xf32>
      %exp3A_1539 = math.exp %sub3A_1538 : vector<8x128xf32>
      %add3A_1540 = arith.addf %add3A_1516, %exp3A_1539 : vector<8x128xf32>
      %mul3A_1541 = arith.constant 173 : i32
      %mul3A_1542 = arith.muli %scan3A_86, %mul3A_1541 : i32
      %add3A_1543 = arith.constant 121 : i32
      %add3A_1544 = arith.addi %mul3A_1542, %add3A_1543 : i32
      %get3A_1545 = arith.index_cast %add3A_1544 : i32 to index
      %get3A_1546 = arith.constant 0 : index
      %get3A_1547 = arith.constant 0 : index
      %get3A_1548 = vector.load %arg1[%get3A_1545, %get3A_1546, %get3A_1547] : memref<1733x8x128xf32, #tpu.memory_space<vmem>>, vector<1x8x128xf32>
      %get3A_1549 = vector.shape_cast %get3A_1548 : vector<1x8x128xf32> to vector<8x128xf32>
      %sub3A_1550 = arith.subf %get3A_1549, %max3A_32 : vector<8x128xf32>
      %exp3A_1551 = math.exp %sub3A_1550 : vector<8x128xf32>
      %add3A_1552 = arith.addf %add3A_1528, %exp3A_1551 : vector<8x128xf32>
      %mul3A_1553 = arith.constant 173 : i32
      %mul3A_1554 = arith.muli %scan3A_86, %mul3A_1553 : i32
      %add3A_1555 = arith.constant 122 : i32
      %add3A_1556 = arith.addi %mul3A_1554, %add3A_1555 : i32
      %get3A_1557 = arith.index_cast %add3A_1556 : i32 to index
      %get3A_1558 = arith.constant 0 : index
      %get3A_1559 = arith.constant 0 : index
      %get3A_1560 = vector.load %arg1[%get3A_1557, %get3A_1558, %get3A_1559] : memref<1733x8x128xf32, #tpu.memory_space<vmem>>, vector<1x8x128xf32>
      %get3A_1561 = vector.shape_cast %get3A_1560 : vector<1x8x128xf32> to vector<8x128xf32>
      %sub3A_1562 = arith.subf %get3A_1561, %max3A_32 : vector<8x128xf32>
      %exp3A_1563 = math.exp %sub3A_1562 : vector<8x128xf32>
      %add3A_1564 = arith.addf %add3A_1540, %exp3A_1563 : vector<8x128xf32>
      %mul3A_1565 = arith.constant 173 : i32
      %mul3A_1566 = arith.muli %scan3A_86, %mul3A_1565 : i32
      %add3A_1567 = arith.constant 123 : i32
      %add3A_1568 = arith.addi %mul3A_1566, %add3A_1567 : i32
      %get3A_1569 = arith.index_cast %add3A_1568 : i32 to index
      %get3A_1570 = arith.constant 0 : index
      %get3A_1571 = arith.constant 0 : index
      %get3A_1572 = vector.load %arg1[%get3A_1569, %get3A_1570, %get3A_1571] : memref<1733x8x128xf32, #tpu.memory_space<vmem>>, vector<1x8x128xf32>
      %get3A_1573 = vector.shape_cast %get3A_1572 : vector<1x8x128xf32> to vector<8x128xf32>
      %sub3A_1574 = arith.subf %get3A_1573, %max3A_32 : vector<8x128xf32>
      %exp3A_1575 = math.exp %sub3A_1574 : vector<8x128xf32>
      %add3A_1576 = arith.addf %add3A_1552, %exp3A_1575 : vector<8x128xf32>
      %mul3A_1577 = arith.constant 173 : i32
      %mul3A_1578 = arith.muli %scan3A_86, %mul3A_1577 : i32
      %add3A_1579 = arith.constant 124 : i32
      %add3A_1580 = arith.addi %mul3A_1578, %add3A_1579 : i32
      %get3A_1581 = arith.index_cast %add3A_1580 : i32 to index
      %get3A_1582 = arith.constant 0 : index
      %get3A_1583 = arith.constant 0 : index
      %get3A_1584 = vector.load %arg1[%get3A_1581, %get3A_1582, %get3A_1583] : memref<1733x8x128xf32, #tpu.memory_space<vmem>>, vector<1x8x128xf32>
      %get3A_1585 = vector.shape_cast %get3A_1584 : vector<1x8x128xf32> to vector<8x128xf32>
      %sub3A_1586 = arith.subf %get3A_1585, %max3A_32 : vector<8x128xf32>
      %exp3A_1587 = math.exp %sub3A_1586 : vector<8x128xf32>
      %add3A_1588 = arith.addf %add3A_1564, %exp3A_1587 : vector<8x128xf32>
      %mul3A_1589 = arith.constant 173 : i32
      %mul3A_1590 = arith.muli %scan3A_86, %mul3A_1589 : i32
      %add3A_1591 = arith.constant 125 : i32
      %add3A_1592 = arith.addi %mul3A_1590, %add3A_1591 : i32
      %get3A_1593 = arith.index_cast %add3A_1592 : i32 to index
      %get3A_1594 = arith.constant 0 : index
      %get3A_1595 = arith.constant 0 : index
      %get3A_1596 = vector.load %arg1[%get3A_1593, %get3A_1594, %get3A_1595] : memref<1733x8x128xf32, #tpu.memory_space<vmem>>, vector<1x8x128xf32>
      %get3A_1597 = vector.shape_cast %get3A_1596 : vector<1x8x128xf32> to vector<8x128xf32>
      %sub3A_1598 = arith.subf %get3A_1597, %max3A_32 : vector<8x128xf32>
      %exp3A_1599 = math.exp %sub3A_1598 : vector<8x128xf32>
      %add3A_1600 = arith.addf %add3A_1576, %exp3A_1599 : vector<8x128xf32>
      %mul3A_1601 = arith.constant 173 : i32
      %mul3A_1602 = arith.muli %scan3A_86, %mul3A_1601 : i32
      %add3A_1603 = arith.constant 126 : i32
      %add3A_1604 = arith.addi %mul3A_1602, %add3A_1603 : i32
      %get3A_1605 = arith.index_cast %add3A_1604 : i32 to index
      %get3A_1606 = arith.constant 0 : index
      %get3A_1607 = arith.constant 0 : index
      %get3A_1608 = vector.load %arg1[%get3A_1605, %get3A_1606, %get3A_1607] : memref<1733x8x128xf32, #tpu.memory_space<vmem>>, vector<1x8x128xf32>
      %get3A_1609 = vector.shape_cast %get3A_1608 : vector<1x8x128xf32> to vector<8x128xf32>
      %sub3A_1610 = arith.subf %get3A_1609, %max3A_32 : vector<8x128xf32>
      %exp3A_1611 = math.exp %sub3A_1610 : vector<8x128xf32>
      %add3A_1612 = arith.addf %add3A_1588, %exp3A_1611 : vector<8x128xf32>
      %mul3A_1613 = arith.constant 173 : i32
      %mul3A_1614 = arith.muli %scan3A_86, %mul3A_1613 : i32
      %add3A_1615 = arith.constant 127 : i32
      %add3A_1616 = arith.addi %mul3A_1614, %add3A_1615 : i32
      %get3A_1617 = arith.index_cast %add3A_1616 : i32 to index
      %get3A_1618 = arith.constant 0 : index
      %get3A_1619 = arith.constant 0 : index
      %get3A_1620 = vector.load %arg1[%get3A_1617, %get3A_1618, %get3A_1619] : memref<1733x8x128xf32, #tpu.memory_space<vmem>>, vector<1x8x128xf32>
      %get3A_1621 = vector.shape_cast %get3A_1620 : vector<1x8x128xf32> to vector<8x128xf32>
      %sub3A_1622 = arith.subf %get3A_1621, %max3A_32 : vector<8x128xf32>
      %exp3A_1623 = math.exp %sub3A_1622 : vector<8x128xf32>
      %add3A_1624 = arith.addf %add3A_1600, %exp3A_1623 : vector<8x128xf32>
      %mul3A_1625 = arith.constant 173 : i32
      %mul3A_1626 = arith.muli %scan3A_86, %mul3A_1625 : i32
      %add3A_1627 = arith.constant 128 : i32
      %add3A_1628 = arith.addi %mul3A_1626, %add3A_1627 : i32
      %get3A_1629 = arith.index_cast %add3A_1628 : i32 to index
      %get3A_1630 = arith.constant 0 : index
      %get3A_1631 = arith.constant 0 : index
      %get3A_1632 = vector.load %arg1[%get3A_1629, %get3A_1630, %get3A_1631] : memref<1733x8x128xf32, #tpu.memory_space<vmem>>, vector<1x8x128xf32>
      %get3A_1633 = vector.shape_cast %get3A_1632 : vector<1x8x128xf32> to vector<8x128xf32>
      %sub3A_1634 = arith.subf %get3A_1633, %max3A_32 : vector<8x128xf32>
      %exp3A_1635 = math.exp %sub3A_1634 : vector<8x128xf32>
      %add3A_1636 = arith.addf %add3A_1612, %exp3A_1635 : vector<8x128xf32>
      %mul3A_1637 = arith.constant 173 : i32
      %mul3A_1638 = arith.muli %scan3A_86, %mul3A_1637 : i32
      %add3A_1639 = arith.constant 129 : i32
      %add3A_1640 = arith.addi %mul3A_1638, %add3A_1639 : i32
      %get3A_1641 = arith.index_cast %add3A_1640 : i32 to index
      %get3A_1642 = arith.constant 0 : index
      %get3A_1643 = arith.constant 0 : index
      %get3A_1644 = vector.load %arg1[%get3A_1641, %get3A_1642, %get3A_1643] : memref<1733x8x128xf32, #tpu.memory_space<vmem>>, vector<1x8x128xf32>
      %get3A_1645 = vector.shape_cast %get3A_1644 : vector<1x8x128xf32> to vector<8x128xf32>
      %sub3A_1646 = arith.subf %get3A_1645, %max3A_32 : vector<8x128xf32>
      %exp3A_1647 = math.exp %sub3A_1646 : vector<8x128xf32>
      %add3A_1648 = arith.addf %add3A_1624, %exp3A_1647 : vector<8x128xf32>
      %mul3A_1649 = arith.constant 173 : i32
      %mul3A_1650 = arith.muli %scan3A_86, %mul3A_1649 : i32
      %add3A_1651 = arith.constant 130 : i32
      %add3A_1652 = arith.addi %mul3A_1650, %add3A_1651 : i32
      %get3A_1653 = arith.index_cast %add3A_1652 : i32 to index
      %get3A_1654 = arith.constant 0 : index
      %get3A_1655 = arith.constant 0 : index
      %get3A_1656 = vector.load %arg1[%get3A_1653, %get3A_1654, %get3A_1655] : memref<1733x8x128xf32, #tpu.memory_space<vmem>>, vector<1x8x128xf32>
      %get3A_1657 = vector.shape_cast %get3A_1656 : vector<1x8x128xf32> to vector<8x128xf32>
      %sub3A_1658 = arith.subf %get3A_1657, %max3A_32 : vector<8x128xf32>
      %exp3A_1659 = math.exp %sub3A_1658 : vector<8x128xf32>
      %add3A_1660 = arith.addf %add3A_1636, %exp3A_1659 : vector<8x128xf32>
      %mul3A_1661 = arith.constant 173 : i32
      %mul3A_1662 = arith.muli %scan3A_86, %mul3A_1661 : i32
      %add3A_1663 = arith.constant 131 : i32
      %add3A_1664 = arith.addi %mul3A_1662, %add3A_1663 : i32
      %get3A_1665 = arith.index_cast %add3A_1664 : i32 to index
      %get3A_1666 = arith.constant 0 : index
      %get3A_1667 = arith.constant 0 : index
      %get3A_1668 = vector.load %arg1[%get3A_1665, %get3A_1666, %get3A_1667] : memref<1733x8x128xf32, #tpu.memory_space<vmem>>, vector<1x8x128xf32>
      %get3A_1669 = vector.shape_cast %get3A_1668 : vector<1x8x128xf32> to vector<8x128xf32>
      %sub3A_1670 = arith.subf %get3A_1669, %max3A_32 : vector<8x128xf32>
      %exp3A_1671 = math.exp %sub3A_1670 : vector<8x128xf32>
      %add3A_1672 = arith.addf %add3A_1648, %exp3A_1671 : vector<8x128xf32>
      %mul3A_1673 = arith.constant 173 : i32
      %mul3A_1674 = arith.muli %scan3A_86, %mul3A_1673 : i32
      %add3A_1675 = arith.constant 132 : i32
      %add3A_1676 = arith.addi %mul3A_1674, %add3A_1675 : i32
      %get3A_1677 = arith.index_cast %add3A_1676 : i32 to index
      %get3A_1678 = arith.constant 0 : index
      %get3A_1679 = arith.constant 0 : index
      %get3A_1680 = vector.load %arg1[%get3A_1677, %get3A_1678, %get3A_1679] : memref<1733x8x128xf32, #tpu.memory_space<vmem>>, vector<1x8x128xf32>
      %get3A_1681 = vector.shape_cast %get3A_1680 : vector<1x8x128xf32> to vector<8x128xf32>
      %sub3A_1682 = arith.subf %get3A_1681, %max3A_32 : vector<8x128xf32>
      %exp3A_1683 = math.exp %sub3A_1682 : vector<8x128xf32>
      %add3A_1684 = arith.addf %add3A_1660, %exp3A_1683 : vector<8x128xf32>
      %mul3A_1685 = arith.constant 173 : i32
      %mul3A_1686 = arith.muli %scan3A_86, %mul3A_1685 : i32
      %add3A_1687 = arith.constant 133 : i32
      %add3A_1688 = arith.addi %mul3A_1686, %add3A_1687 : i32
      %get3A_1689 = arith.index_cast %add3A_1688 : i32 to index
      %get3A_1690 = arith.constant 0 : index
      %get3A_1691 = arith.constant 0 : index
      %get3A_1692 = vector.load %arg1[%get3A_1689, %get3A_1690, %get3A_1691] : memref<1733x8x128xf32, #tpu.memory_space<vmem>>, vector<1x8x128xf32>
      %get3A_1693 = vector.shape_cast %get3A_1692 : vector<1x8x128xf32> to vector<8x128xf32>
      %sub3A_1694 = arith.subf %get3A_1693, %max3A_32 : vector<8x128xf32>
      %exp3A_1695 = math.exp %sub3A_1694 : vector<8x128xf32>
      %add3A_1696 = arith.addf %add3A_1672, %exp3A_1695 : vector<8x128xf32>
      %mul3A_1697 = arith.constant 173 : i32
      %mul3A_1698 = arith.muli %scan3A_86, %mul3A_1697 : i32
      %add3A_1699 = arith.constant 134 : i32
      %add3A_1700 = arith.addi %mul3A_1698, %add3A_1699 : i32
      %get3A_1701 = arith.index_cast %add3A_1700 : i32 to index
      %get3A_1702 = arith.constant 0 : index
      %get3A_1703 = arith.constant 0 : index
      %get3A_1704 = vector.load %arg1[%get3A_1701, %get3A_1702, %get3A_1703] : memref<1733x8x128xf32, #tpu.memory_space<vmem>>, vector<1x8x128xf32>
      %get3A_1705 = vector.shape_cast %get3A_1704 : vector<1x8x128xf32> to vector<8x128xf32>
      %sub3A_1706 = arith.subf %get3A_1705, %max3A_32 : vector<8x128xf32>
      %exp3A_1707 = math.exp %sub3A_1706 : vector<8x128xf32>
      %add3A_1708 = arith.addf %add3A_1684, %exp3A_1707 : vector<8x128xf32>
      %mul3A_1709 = arith.constant 173 : i32
      %mul3A_1710 = arith.muli %scan3A_86, %mul3A_1709 : i32
      %add3A_1711 = arith.constant 135 : i32
      %add3A_1712 = arith.addi %mul3A_1710, %add3A_1711 : i32
      %get3A_1713 = arith.index_cast %add3A_1712 : i32 to index
      %get3A_1714 = arith.constant 0 : index
      %get3A_1715 = arith.constant 0 : index
      %get3A_1716 = vector.load %arg1[%get3A_1713, %get3A_1714, %get3A_1715] : memref<1733x8x128xf32, #tpu.memory_space<vmem>>, vector<1x8x128xf32>
      %get3A_1717 = vector.shape_cast %get3A_1716 : vector<1x8x128xf32> to vector<8x128xf32>
      %sub3A_1718 = arith.subf %get3A_1717, %max3A_32 : vector<8x128xf32>
      %exp3A_1719 = math.exp %sub3A_1718 : vector<8x128xf32>
      %add3A_1720 = arith.addf %add3A_1696, %exp3A_1719 : vector<8x128xf32>
      %mul3A_1721 = arith.constant 173 : i32
      %mul3A_1722 = arith.muli %scan3A_86, %mul3A_1721 : i32
      %add3A_1723 = arith.constant 136 : i32
      %add3A_1724 = arith.addi %mul3A_1722, %add3A_1723 : i32
      %get3A_1725 = arith.index_cast %add3A_1724 : i32 to index
      %get3A_1726 = arith.constant 0 : index
      %get3A_1727 = arith.constant 0 : index
      %get3A_1728 = vector.load %arg1[%get3A_1725, %get3A_1726, %get3A_1727] : memref<1733x8x128xf32, #tpu.memory_space<vmem>>, vector<1x8x128xf32>
      %get3A_1729 = vector.shape_cast %get3A_1728 : vector<1x8x128xf32> to vector<8x128xf32>
      %sub3A_1730 = arith.subf %get3A_1729, %max3A_32 : vector<8x128xf32>
      %exp3A_1731 = math.exp %sub3A_1730 : vector<8x128xf32>
      %add3A_1732 = arith.addf %add3A_1708, %exp3A_1731 : vector<8x128xf32>
      %mul3A_1733 = arith.constant 173 : i32
      %mul3A_1734 = arith.muli %scan3A_86, %mul3A_1733 : i32
      %add3A_1735 = arith.constant 137 : i32
      %add3A_1736 = arith.addi %mul3A_1734, %add3A_1735 : i32
      %get3A_1737 = arith.index_cast %add3A_1736 : i32 to index
      %get3A_1738 = arith.constant 0 : index
      %get3A_1739 = arith.constant 0 : index
      %get3A_1740 = vector.load %arg1[%get3A_1737, %get3A_1738, %get3A_1739] : memref<1733x8x128xf32, #tpu.memory_space<vmem>>, vector<1x8x128xf32>
      %get3A_1741 = vector.shape_cast %get3A_1740 : vector<1x8x128xf32> to vector<8x128xf32>
      %sub3A_1742 = arith.subf %get3A_1741, %max3A_32 : vector<8x128xf32>
      %exp3A_1743 = math.exp %sub3A_1742 : vector<8x128xf32>
      %add3A_1744 = arith.addf %add3A_1720, %exp3A_1743 : vector<8x128xf32>
      %mul3A_1745 = arith.constant 173 : i32
      %mul3A_1746 = arith.muli %scan3A_86, %mul3A_1745 : i32
      %add3A_1747 = arith.constant 138 : i32
      %add3A_1748 = arith.addi %mul3A_1746, %add3A_1747 : i32
      %get3A_1749 = arith.index_cast %add3A_1748 : i32 to index
      %get3A_1750 = arith.constant 0 : index
      %get3A_1751 = arith.constant 0 : index
      %get3A_1752 = vector.load %arg1[%get3A_1749, %get3A_1750, %get3A_1751] : memref<1733x8x128xf32, #tpu.memory_space<vmem>>, vector<1x8x128xf32>
      %get3A_1753 = vector.shape_cast %get3A_1752 : vector<1x8x128xf32> to vector<8x128xf32>
      %sub3A_1754 = arith.subf %get3A_1753, %max3A_32 : vector<8x128xf32>
      %exp3A_1755 = math.exp %sub3A_1754 : vector<8x128xf32>
      %add3A_1756 = arith.addf %add3A_1732, %exp3A_1755 : vector<8x128xf32>
      %mul3A_1757 = arith.constant 173 : i32
      %mul3A_1758 = arith.muli %scan3A_86, %mul3A_1757 : i32
      %add3A_1759 = arith.constant 139 : i32
      %add3A_1760 = arith.addi %mul3A_1758, %add3A_1759 : i32
      %get3A_1761 = arith.index_cast %add3A_1760 : i32 to index
      %get3A_1762 = arith.constant 0 : index
      %get3A_1763 = arith.constant 0 : index
      %get3A_1764 = vector.load %arg1[%get3A_1761, %get3A_1762, %get3A_1763] : memref<1733x8x128xf32, #tpu.memory_space<vmem>>, vector<1x8x128xf32>
      %get3A_1765 = vector.shape_cast %get3A_1764 : vector<1x8x128xf32> to vector<8x128xf32>
      %sub3A_1766 = arith.subf %get3A_1765, %max3A_32 : vector<8x128xf32>
      %exp3A_1767 = math.exp %sub3A_1766 : vector<8x128xf32>
      %add3A_1768 = arith.addf %add3A_1744, %exp3A_1767 : vector<8x128xf32>
      %mul3A_1769 = arith.constant 173 : i32
      %mul3A_1770 = arith.muli %scan3A_86, %mul3A_1769 : i32
      %add3A_1771 = arith.constant 140 : i32
      %add3A_1772 = arith.addi %mul3A_1770, %add3A_1771 : i32
      %get3A_1773 = arith.index_cast %add3A_1772 : i32 to index
      %get3A_1774 = arith.constant 0 : index
      %get3A_1775 = arith.constant 0 : index
      %get3A_1776 = vector.load %arg1[%get3A_1773, %get3A_1774, %get3A_1775] : memref<1733x8x128xf32, #tpu.memory_space<vmem>>, vector<1x8x128xf32>
      %get3A_1777 = vector.shape_cast %get3A_1776 : vector<1x8x128xf32> to vector<8x128xf32>
      %sub3A_1778 = arith.subf %get3A_1777, %max3A_32 : vector<8x128xf32>
      %exp3A_1779 = math.exp %sub3A_1778 : vector<8x128xf32>
      %add3A_1780 = arith.addf %add3A_1756, %exp3A_1779 : vector<8x128xf32>
      %mul3A_1781 = arith.constant 173 : i32
      %mul3A_1782 = arith.muli %scan3A_86, %mul3A_1781 : i32
      %add3A_1783 = arith.constant 141 : i32
      %add3A_1784 = arith.addi %mul3A_1782, %add3A_1783 : i32
      %get3A_1785 = arith.index_cast %add3A_1784 : i32 to index
      %get3A_1786 = arith.constant 0 : index
      %get3A_1787 = arith.constant 0 : index
      %get3A_1788 = vector.load %arg1[%get3A_1785, %get3A_1786, %get3A_1787] : memref<1733x8x128xf32, #tpu.memory_space<vmem>>, vector<1x8x128xf32>
      %get3A_1789 = vector.shape_cast %get3A_1788 : vector<1x8x128xf32> to vector<8x128xf32>
      %sub3A_1790 = arith.subf %get3A_1789, %max3A_32 : vector<8x128xf32>
      %exp3A_1791 = math.exp %sub3A_1790 : vector<8x128xf32>
      %add3A_1792 = arith.addf %add3A_1768, %exp3A_1791 : vector<8x128xf32>
      %mul3A_1793 = arith.constant 173 : i32
      %mul3A_1794 = arith.muli %scan3A_86, %mul3A_1793 : i32
      %add3A_1795 = arith.constant 142 : i32
      %add3A_1796 = arith.addi %mul3A_1794, %add3A_1795 : i32
      %get3A_1797 = arith.index_cast %add3A_1796 : i32 to index
      %get3A_1798 = arith.constant 0 : index
      %get3A_1799 = arith.constant 0 : index
      %get3A_1800 = vector.load %arg1[%get3A_1797, %get3A_1798, %get3A_1799] : memref<1733x8x128xf32, #tpu.memory_space<vmem>>, vector<1x8x128xf32>
      %get3A_1801 = vector.shape_cast %get3A_1800 : vector<1x8x128xf32> to vector<8x128xf32>
      %sub3A_1802 = arith.subf %get3A_1801, %max3A_32 : vector<8x128xf32>
      %exp3A_1803 = math.exp %sub3A_1802 : vector<8x128xf32>
      %add3A_1804 = arith.addf %add3A_1780, %exp3A_1803 : vector<8x128xf32>
      %mul3A_1805 = arith.constant 173 : i32
      %mul3A_1806 = arith.muli %scan3A_86, %mul3A_1805 : i32
      %add3A_1807 = arith.constant 143 : i32
      %add3A_1808 = arith.addi %mul3A_1806, %add3A_1807 : i32
      %get3A_1809 = arith.index_cast %add3A_1808 : i32 to index
      %get3A_1810 = arith.constant 0 : index
      %get3A_1811 = arith.constant 0 : index
      %get3A_1812 = vector.load %arg1[%get3A_1809, %get3A_1810, %get3A_1811] : memref<1733x8x128xf32, #tpu.memory_space<vmem>>, vector<1x8x128xf32>
      %get3A_1813 = vector.shape_cast %get3A_1812 : vector<1x8x128xf32> to vector<8x128xf32>
      %sub3A_1814 = arith.subf %get3A_1813, %max3A_32 : vector<8x128xf32>
      %exp3A_1815 = math.exp %sub3A_1814 : vector<8x128xf32>
      %add3A_1816 = arith.addf %add3A_1792, %exp3A_1815 : vector<8x128xf32>
      %mul3A_1817 = arith.constant 173 : i32
      %mul3A_1818 = arith.muli %scan3A_86, %mul3A_1817 : i32
      %add3A_1819 = arith.constant 144 : i32
      %add3A_1820 = arith.addi %mul3A_1818, %add3A_1819 : i32
      %get3A_1821 = arith.index_cast %add3A_1820 : i32 to index
      %get3A_1822 = arith.constant 0 : index
      %get3A_1823 = arith.constant 0 : index
      %get3A_1824 = vector.load %arg1[%get3A_1821, %get3A_1822, %get3A_1823] : memref<1733x8x128xf32, #tpu.memory_space<vmem>>, vector<1x8x128xf32>
      %get3A_1825 = vector.shape_cast %get3A_1824 : vector<1x8x128xf32> to vector<8x128xf32>
      %sub3A_1826 = arith.subf %get3A_1825, %max3A_32 : vector<8x128xf32>
      %exp3A_1827 = math.exp %sub3A_1826 : vector<8x128xf32>
      %add3A_1828 = arith.addf %add3A_1804, %exp3A_1827 : vector<8x128xf32>
      %mul3A_1829 = arith.constant 173 : i32
      %mul3A_1830 = arith.muli %scan3A_86, %mul3A_1829 : i32
      %add3A_1831 = arith.constant 145 : i32
      %add3A_1832 = arith.addi %mul3A_1830, %add3A_1831 : i32
      %get3A_1833 = arith.index_cast %add3A_1832 : i32 to index
      %get3A_1834 = arith.constant 0 : index
      %get3A_1835 = arith.constant 0 : index
      %get3A_1836 = vector.load %arg1[%get3A_1833, %get3A_1834, %get3A_1835] : memref<1733x8x128xf32, #tpu.memory_space<vmem>>, vector<1x8x128xf32>
      %get3A_1837 = vector.shape_cast %get3A_1836 : vector<1x8x128xf32> to vector<8x128xf32>
      %sub3A_1838 = arith.subf %get3A_1837, %max3A_32 : vector<8x128xf32>
      %exp3A_1839 = math.exp %sub3A_1838 : vector<8x128xf32>
      %add3A_1840 = arith.addf %add3A_1816, %exp3A_1839 : vector<8x128xf32>
      %mul3A_1841 = arith.constant 173 : i32
      %mul3A_1842 = arith.muli %scan3A_86, %mul3A_1841 : i32
      %add3A_1843 = arith.constant 146 : i32
      %add3A_1844 = arith.addi %mul3A_1842, %add3A_1843 : i32
      %get3A_1845 = arith.index_cast %add3A_1844 : i32 to index
      %get3A_1846 = arith.constant 0 : index
      %get3A_1847 = arith.constant 0 : index
      %get3A_1848 = vector.load %arg1[%get3A_1845, %get3A_1846, %get3A_1847] : memref<1733x8x128xf32, #tpu.memory_space<vmem>>, vector<1x8x128xf32>
      %get3A_1849 = vector.shape_cast %get3A_1848 : vector<1x8x128xf32> to vector<8x128xf32>
      %sub3A_1850 = arith.subf %get3A_1849, %max3A_32 : vector<8x128xf32>
      %exp3A_1851 = math.exp %sub3A_1850 : vector<8x128xf32>
      %add3A_1852 = arith.addf %add3A_1828, %exp3A_1851 : vector<8x128xf32>
      %mul3A_1853 = arith.constant 173 : i32
      %mul3A_1854 = arith.muli %scan3A_86, %mul3A_1853 : i32
      %add3A_1855 = arith.constant 147 : i32
      %add3A_1856 = arith.addi %mul3A_1854, %add3A_1855 : i32
      %get3A_1857 = arith.index_cast %add3A_1856 : i32 to index
      %get3A_1858 = arith.constant 0 : index
      %get3A_1859 = arith.constant 0 : index
      %get3A_1860 = vector.load %arg1[%get3A_1857, %get3A_1858, %get3A_1859] : memref<1733x8x128xf32, #tpu.memory_space<vmem>>, vector<1x8x128xf32>
      %get3A_1861 = vector.shape_cast %get3A_1860 : vector<1x8x128xf32> to vector<8x128xf32>
      %sub3A_1862 = arith.subf %get3A_1861, %max3A_32 : vector<8x128xf32>
      %exp3A_1863 = math.exp %sub3A_1862 : vector<8x128xf32>
      %add3A_1864 = arith.addf %add3A_1840, %exp3A_1863 : vector<8x128xf32>
      %mul3A_1865 = arith.constant 173 : i32
      %mul3A_1866 = arith.muli %scan3A_86, %mul3A_1865 : i32
      %add3A_1867 = arith.constant 148 : i32
      %add3A_1868 = arith.addi %mul3A_1866, %add3A_1867 : i32
      %get3A_1869 = arith.index_cast %add3A_1868 : i32 to index
      %get3A_1870 = arith.constant 0 : index
      %get3A_1871 = arith.constant 0 : index
      %get3A_1872 = vector.load %arg1[%get3A_1869, %get3A_1870, %get3A_1871] : memref<1733x8x128xf32, #tpu.memory_space<vmem>>, vector<1x8x128xf32>
      %get3A_1873 = vector.shape_cast %get3A_1872 : vector<1x8x128xf32> to vector<8x128xf32>
      %sub3A_1874 = arith.subf %get3A_1873, %max3A_32 : vector<8x128xf32>
      %exp3A_1875 = math.exp %sub3A_1874 : vector<8x128xf32>
      %add3A_1876 = arith.addf %add3A_1852, %exp3A_1875 : vector<8x128xf32>
      %mul3A_1877 = arith.constant 173 : i32
      %mul3A_1878 = arith.muli %scan3A_86, %mul3A_1877 : i32
      %add3A_1879 = arith.constant 149 : i32
      %add3A_1880 = arith.addi %mul3A_1878, %add3A_1879 : i32
      %get3A_1881 = arith.index_cast %add3A_1880 : i32 to index
      %get3A_1882 = arith.constant 0 : index
      %get3A_1883 = arith.constant 0 : index
      %get3A_1884 = vector.load %arg1[%get3A_1881, %get3A_1882, %get3A_1883] : memref<1733x8x128xf32, #tpu.memory_space<vmem>>, vector<1x8x128xf32>
      %get3A_1885 = vector.shape_cast %get3A_1884 : vector<1x8x128xf32> to vector<8x128xf32>
      %sub3A_1886 = arith.subf %get3A_1885, %max3A_32 : vector<8x128xf32>
      %exp3A_1887 = math.exp %sub3A_1886 : vector<8x128xf32>
      %add3A_1888 = arith.addf %add3A_1864, %exp3A_1887 : vector<8x128xf32>
      %mul3A_1889 = arith.constant 173 : i32
      %mul3A_1890 = arith.muli %scan3A_86, %mul3A_1889 : i32
      %add3A_1891 = arith.constant 150 : i32
      %add3A_1892 = arith.addi %mul3A_1890, %add3A_1891 : i32
      %get3A_1893 = arith.index_cast %add3A_1892 : i32 to index
      %get3A_1894 = arith.constant 0 : index
      %get3A_1895 = arith.constant 0 : index
      %get3A_1896 = vector.load %arg1[%get3A_1893, %get3A_1894, %get3A_1895] : memref<1733x8x128xf32, #tpu.memory_space<vmem>>, vector<1x8x128xf32>
      %get3A_1897 = vector.shape_cast %get3A_1896 : vector<1x8x128xf32> to vector<8x128xf32>
      %sub3A_1898 = arith.subf %get3A_1897, %max3A_32 : vector<8x128xf32>
      %exp3A_1899 = math.exp %sub3A_1898 : vector<8x128xf32>
      %add3A_1900 = arith.addf %add3A_1876, %exp3A_1899 : vector<8x128xf32>
      %mul3A_1901 = arith.constant 173 : i32
      %mul3A_1902 = arith.muli %scan3A_86, %mul3A_1901 : i32
      %add3A_1903 = arith.constant 151 : i32
      %add3A_1904 = arith.addi %mul3A_1902, %add3A_1903 : i32
      %get3A_1905 = arith.index_cast %add3A_1904 : i32 to index
      %get3A_1906 = arith.constant 0 : index
      %get3A_1907 = arith.constant 0 : index
      %get3A_1908 = vector.load %arg1[%get3A_1905, %get3A_1906, %get3A_1907] : memref<1733x8x128xf32, #tpu.memory_space<vmem>>, vector<1x8x128xf32>
      %get3A_1909 = vector.shape_cast %get3A_1908 : vector<1x8x128xf32> to vector<8x128xf32>
      %sub3A_1910 = arith.subf %get3A_1909, %max3A_32 : vector<8x128xf32>
      %exp3A_1911 = math.exp %sub3A_1910 : vector<8x128xf32>
      %add3A_1912 = arith.addf %add3A_1888, %exp3A_1911 : vector<8x128xf32>
      %mul3A_1913 = arith.constant 173 : i32
      %mul3A_1914 = arith.muli %scan3A_86, %mul3A_1913 : i32
      %add3A_1915 = arith.constant 152 : i32
      %add3A_1916 = arith.addi %mul3A_1914, %add3A_1915 : i32
      %get3A_1917 = arith.index_cast %add3A_1916 : i32 to index
      %get3A_1918 = arith.constant 0 : index
      %get3A_1919 = arith.constant 0 : index
      %get3A_1920 = vector.load %arg1[%get3A_1917, %get3A_1918, %get3A_1919] : memref<1733x8x128xf32, #tpu.memory_space<vmem>>, vector<1x8x128xf32>
      %get3A_1921 = vector.shape_cast %get3A_1920 : vector<1x8x128xf32> to vector<8x128xf32>
      %sub3A_1922 = arith.subf %get3A_1921, %max3A_32 : vector<8x128xf32>
      %exp3A_1923 = math.exp %sub3A_1922 : vector<8x128xf32>
      %add3A_1924 = arith.addf %add3A_1900, %exp3A_1923 : vector<8x128xf32>
      %mul3A_1925 = arith.constant 173 : i32
      %mul3A_1926 = arith.muli %scan3A_86, %mul3A_1925 : i32
      %add3A_1927 = arith.constant 153 : i32
      %add3A_1928 = arith.addi %mul3A_1926, %add3A_1927 : i32
      %get3A_1929 = arith.index_cast %add3A_1928 : i32 to index
      %get3A_1930 = arith.constant 0 : index
      %get3A_1931 = arith.constant 0 : index
      %get3A_1932 = vector.load %arg1[%get3A_1929, %get3A_1930, %get3A_1931] : memref<1733x8x128xf32, #tpu.memory_space<vmem>>, vector<1x8x128xf32>
      %get3A_1933 = vector.shape_cast %get3A_1932 : vector<1x8x128xf32> to vector<8x128xf32>
      %sub3A_1934 = arith.subf %get3A_1933, %max3A_32 : vector<8x128xf32>
      %exp3A_1935 = math.exp %sub3A_1934 : vector<8x128xf32>
      %add3A_1936 = arith.addf %add3A_1912, %exp3A_1935 : vector<8x128xf32>
      %mul3A_1937 = arith.constant 173 : i32
      %mul3A_1938 = arith.muli %scan3A_86, %mul3A_1937 : i32
      %add3A_1939 = arith.constant 154 : i32
      %add3A_1940 = arith.addi %mul3A_1938, %add3A_1939 : i32
      %get3A_1941 = arith.index_cast %add3A_1940 : i32 to index
      %get3A_1942 = arith.constant 0 : index
      %get3A_1943 = arith.constant 0 : index
      %get3A_1944 = vector.load %arg1[%get3A_1941, %get3A_1942, %get3A_1943] : memref<1733x8x128xf32, #tpu.memory_space<vmem>>, vector<1x8x128xf32>
      %get3A_1945 = vector.shape_cast %get3A_1944 : vector<1x8x128xf32> to vector<8x128xf32>
      %sub3A_1946 = arith.subf %get3A_1945, %max3A_32 : vector<8x128xf32>
      %exp3A_1947 = math.exp %sub3A_1946 : vector<8x128xf32>
      %add3A_1948 = arith.addf %add3A_1924, %exp3A_1947 : vector<8x128xf32>
      %mul3A_1949 = arith.constant 173 : i32
      %mul3A_1950 = arith.muli %scan3A_86, %mul3A_1949 : i32
      %add3A_1951 = arith.constant 155 : i32
      %add3A_1952 = arith.addi %mul3A_1950, %add3A_1951 : i32
      %get3A_1953 = arith.index_cast %add3A_1952 : i32 to index
      %get3A_1954 = arith.constant 0 : index
      %get3A_1955 = arith.constant 0 : index
      %get3A_1956 = vector.load %arg1[%get3A_1953, %get3A_1954, %get3A_1955] : memref<1733x8x128xf32, #tpu.memory_space<vmem>>, vector<1x8x128xf32>
      %get3A_1957 = vector.shape_cast %get3A_1956 : vector<1x8x128xf32> to vector<8x128xf32>
      %sub3A_1958 = arith.subf %get3A_1957, %max3A_32 : vector<8x128xf32>
      %exp3A_1959 = math.exp %sub3A_1958 : vector<8x128xf32>
      %add3A_1960 = arith.addf %add3A_1936, %exp3A_1959 : vector<8x128xf32>
      %mul3A_1961 = arith.constant 173 : i32
      %mul3A_1962 = arith.muli %scan3A_86, %mul3A_1961 : i32
      %add3A_1963 = arith.constant 156 : i32
      %add3A_1964 = arith.addi %mul3A_1962, %add3A_1963 : i32
      %get3A_1965 = arith.index_cast %add3A_1964 : i32 to index
      %get3A_1966 = arith.constant 0 : index
      %get3A_1967 = arith.constant 0 : index
      %get3A_1968 = vector.load %arg1[%get3A_1965, %get3A_1966, %get3A_1967] : memref<1733x8x128xf32, #tpu.memory_space<vmem>>, vector<1x8x128xf32>
      %get3A_1969 = vector.shape_cast %get3A_1968 : vector<1x8x128xf32> to vector<8x128xf32>
      %sub3A_1970 = arith.subf %get3A_1969, %max3A_32 : vector<8x128xf32>
      %exp3A_1971 = math.exp %sub3A_1970 : vector<8x128xf32>
      %add3A_1972 = arith.addf %add3A_1948, %exp3A_1971 : vector<8x128xf32>
      %mul3A_1973 = arith.constant 173 : i32
      %mul3A_1974 = arith.muli %scan3A_86, %mul3A_1973 : i32
      %add3A_1975 = arith.constant 157 : i32
      %add3A_1976 = arith.addi %mul3A_1974, %add3A_1975 : i32
      %get3A_1977 = arith.index_cast %add3A_1976 : i32 to index
      %get3A_1978 = arith.constant 0 : index
      %get3A_1979 = arith.constant 0 : index
      %get3A_1980 = vector.load %arg1[%get3A_1977, %get3A_1978, %get3A_1979] : memref<1733x8x128xf32, #tpu.memory_space<vmem>>, vector<1x8x128xf32>
      %get3A_1981 = vector.shape_cast %get3A_1980 : vector<1x8x128xf32> to vector<8x128xf32>
      %sub3A_1982 = arith.subf %get3A_1981, %max3A_32 : vector<8x128xf32>
      %exp3A_1983 = math.exp %sub3A_1982 : vector<8x128xf32>
      %add3A_1984 = arith.addf %add3A_1960, %exp3A_1983 : vector<8x128xf32>
      %mul3A_1985 = arith.constant 173 : i32
      %mul3A_1986 = arith.muli %scan3A_86, %mul3A_1985 : i32
      %add3A_1987 = arith.constant 158 : i32
      %add3A_1988 = arith.addi %mul3A_1986, %add3A_1987 : i32
      %get3A_1989 = arith.index_cast %add3A_1988 : i32 to index
      %get3A_1990 = arith.constant 0 : index
      %get3A_1991 = arith.constant 0 : index
      %get3A_1992 = vector.load %arg1[%get3A_1989, %get3A_1990, %get3A_1991] : memref<1733x8x128xf32, #tpu.memory_space<vmem>>, vector<1x8x128xf32>
      %get3A_1993 = vector.shape_cast %get3A_1992 : vector<1x8x128xf32> to vector<8x128xf32>
      %sub3A_1994 = arith.subf %get3A_1993, %max3A_32 : vector<8x128xf32>
      %exp3A_1995 = math.exp %sub3A_1994 : vector<8x128xf32>
      %add3A_1996 = arith.addf %add3A_1972, %exp3A_1995 : vector<8x128xf32>
      %mul3A_1997 = arith.constant 173 : i32
      %mul3A_1998 = arith.muli %scan3A_86, %mul3A_1997 : i32
      %add3A_1999 = arith.constant 159 : i32
      %add3A_2000 = arith.addi %mul3A_1998, %add3A_1999 : i32
      %get3A_2001 = arith.index_cast %add3A_2000 : i32 to index
      %get3A_2002 = arith.constant 0 : index
      %get3A_2003 = arith.constant 0 : index
      %get3A_2004 = vector.load %arg1[%get3A_2001, %get3A_2002, %get3A_2003] : memref<1733x8x128xf32, #tpu.memory_space<vmem>>, vector<1x8x128xf32>
      %get3A_2005 = vector.shape_cast %get3A_2004 : vector<1x8x128xf32> to vector<8x128xf32>
      %sub3A_2006 = arith.subf %get3A_2005, %max3A_32 : vector<8x128xf32>
      %exp3A_2007 = math.exp %sub3A_2006 : vector<8x128xf32>
      %add3A_2008 = arith.addf %add3A_1984, %exp3A_2007 : vector<8x128xf32>
      %mul3A_2009 = arith.constant 173 : i32
      %mul3A_2010 = arith.muli %scan3A_86, %mul3A_2009 : i32
      %add3A_2011 = arith.constant 160 : i32
      %add3A_2012 = arith.addi %mul3A_2010, %add3A_2011 : i32
      %get3A_2013 = arith.index_cast %add3A_2012 : i32 to index
      %get3A_2014 = arith.constant 0 : index
      %get3A_2015 = arith.constant 0 : index
      %get3A_2016 = vector.load %arg1[%get3A_2013, %get3A_2014, %get3A_2015] : memref<1733x8x128xf32, #tpu.memory_space<vmem>>, vector<1x8x128xf32>
      %get3A_2017 = vector.shape_cast %get3A_2016 : vector<1x8x128xf32> to vector<8x128xf32>
      %sub3A_2018 = arith.subf %get3A_2017, %max3A_32 : vector<8x128xf32>
      %exp3A_2019 = math.exp %sub3A_2018 : vector<8x128xf32>
      %add3A_2020 = arith.addf %add3A_1996, %exp3A_2019 : vector<8x128xf32>
      %mul3A_2021 = arith.constant 173 : i32
      %mul3A_2022 = arith.muli %scan3A_86, %mul3A_2021 : i32
      %add3A_2023 = arith.constant 161 : i32
      %add3A_2024 = arith.addi %mul3A_2022, %add3A_2023 : i32
      %get3A_2025 = arith.index_cast %add3A_2024 : i32 to index
      %get3A_2026 = arith.constant 0 : index
      %get3A_2027 = arith.constant 0 : index
      %get3A_2028 = vector.load %arg1[%get3A_2025, %get3A_2026, %get3A_2027] : memref<1733x8x128xf32, #tpu.memory_space<vmem>>, vector<1x8x128xf32>
      %get3A_2029 = vector.shape_cast %get3A_2028 : vector<1x8x128xf32> to vector<8x128xf32>
      %sub3A_2030 = arith.subf %get3A_2029, %max3A_32 : vector<8x128xf32>
      %exp3A_2031 = math.exp %sub3A_2030 : vector<8x128xf32>
      %add3A_2032 = arith.addf %add3A_2008, %exp3A_2031 : vector<8x128xf32>
      %mul3A_2033 = arith.constant 173 : i32
      %mul3A_2034 = arith.muli %scan3A_86, %mul3A_2033 : i32
      %add3A_2035 = arith.constant 162 : i32
      %add3A_2036 = arith.addi %mul3A_2034, %add3A_2035 : i32
      %get3A_2037 = arith.index_cast %add3A_2036 : i32 to index
      %get3A_2038 = arith.constant 0 : index
      %get3A_2039 = arith.constant 0 : index
      %get3A_2040 = vector.load %arg1[%get3A_2037, %get3A_2038, %get3A_2039] : memref<1733x8x128xf32, #tpu.memory_space<vmem>>, vector<1x8x128xf32>
      %get3A_2041 = vector.shape_cast %get3A_2040 : vector<1x8x128xf32> to vector<8x128xf32>
      %sub3A_2042 = arith.subf %get3A_2041, %max3A_32 : vector<8x128xf32>
      %exp3A_2043 = math.exp %sub3A_2042 : vector<8x128xf32>
      %add3A_2044 = arith.addf %add3A_2020, %exp3A_2043 : vector<8x128xf32>
      %mul3A_2045 = arith.constant 173 : i32
      %mul3A_2046 = arith.muli %scan3A_86, %mul3A_2045 : i32
      %add3A_2047 = arith.constant 163 : i32
      %add3A_2048 = arith.addi %mul3A_2046, %add3A_2047 : i32
      %get3A_2049 = arith.index_cast %add3A_2048 : i32 to index
      %get3A_2050 = arith.constant 0 : index
      %get3A_2051 = arith.constant 0 : index
      %get3A_2052 = vector.load %arg1[%get3A_2049, %get3A_2050, %get3A_2051] : memref<1733x8x128xf32, #tpu.memory_space<vmem>>, vector<1x8x128xf32>
      %get3A_2053 = vector.shape_cast %get3A_2052 : vector<1x8x128xf32> to vector<8x128xf32>
      %sub3A_2054 = arith.subf %get3A_2053, %max3A_32 : vector<8x128xf32>
      %exp3A_2055 = math.exp %sub3A_2054 : vector<8x128xf32>
      %add3A_2056 = arith.addf %add3A_2032, %exp3A_2055 : vector<8x128xf32>
      %mul3A_2057 = arith.constant 173 : i32
      %mul3A_2058 = arith.muli %scan3A_86, %mul3A_2057 : i32
      %add3A_2059 = arith.constant 164 : i32
      %add3A_2060 = arith.addi %mul3A_2058, %add3A_2059 : i32
      %get3A_2061 = arith.index_cast %add3A_2060 : i32 to index
      %get3A_2062 = arith.constant 0 : index
      %get3A_2063 = arith.constant 0 : index
      %get3A_2064 = vector.load %arg1[%get3A_2061, %get3A_2062, %get3A_2063] : memref<1733x8x128xf32, #tpu.memory_space<vmem>>, vector<1x8x128xf32>
      %get3A_2065 = vector.shape_cast %get3A_2064 : vector<1x8x128xf32> to vector<8x128xf32>
      %sub3A_2066 = arith.subf %get3A_2065, %max3A_32 : vector<8x128xf32>
      %exp3A_2067 = math.exp %sub3A_2066 : vector<8x128xf32>
      %add3A_2068 = arith.addf %add3A_2044, %exp3A_2067 : vector<8x128xf32>
      %mul3A_2069 = arith.constant 173 : i32
      %mul3A_2070 = arith.muli %scan3A_86, %mul3A_2069 : i32
      %add3A_2071 = arith.constant 165 : i32
      %add3A_2072 = arith.addi %mul3A_2070, %add3A_2071 : i32
      %get3A_2073 = arith.index_cast %add3A_2072 : i32 to index
      %get3A_2074 = arith.constant 0 : index
      %get3A_2075 = arith.constant 0 : index
      %get3A_2076 = vector.load %arg1[%get3A_2073, %get3A_2074, %get3A_2075] : memref<1733x8x128xf32, #tpu.memory_space<vmem>>, vector<1x8x128xf32>
      %get3A_2077 = vector.shape_cast %get3A_2076 : vector<1x8x128xf32> to vector<8x128xf32>
      %sub3A_2078 = arith.subf %get3A_2077, %max3A_32 : vector<8x128xf32>
      %exp3A_2079 = math.exp %sub3A_2078 : vector<8x128xf32>
      %add3A_2080 = arith.addf %add3A_2056, %exp3A_2079 : vector<8x128xf32>
      %mul3A_2081 = arith.constant 173 : i32
      %mul3A_2082 = arith.muli %scan3A_86, %mul3A_2081 : i32
      %add3A_2083 = arith.constant 166 : i32
      %add3A_2084 = arith.addi %mul3A_2082, %add3A_2083 : i32
      %get3A_2085 = arith.index_cast %add3A_2084 : i32 to index
      %get3A_2086 = arith.constant 0 : index
      %get3A_2087 = arith.constant 0 : index
      %get3A_2088 = vector.load %arg1[%get3A_2085, %get3A_2086, %get3A_2087] : memref<1733x8x128xf32, #tpu.memory_space<vmem>>, vector<1x8x128xf32>
      %get3A_2089 = vector.shape_cast %get3A_2088 : vector<1x8x128xf32> to vector<8x128xf32>
      %sub3A_2090 = arith.subf %get3A_2089, %max3A_32 : vector<8x128xf32>
      %exp3A_2091 = math.exp %sub3A_2090 : vector<8x128xf32>
      %add3A_2092 = arith.addf %add3A_2068, %exp3A_2091 : vector<8x128xf32>
      %mul3A_2093 = arith.constant 173 : i32
      %mul3A_2094 = arith.muli %scan3A_86, %mul3A_2093 : i32
      %add3A_2095 = arith.constant 167 : i32
      %add3A_2096 = arith.addi %mul3A_2094, %add3A_2095 : i32
      %get3A_2097 = arith.index_cast %add3A_2096 : i32 to index
      %get3A_2098 = arith.constant 0 : index
      %get3A_2099 = arith.constant 0 : index
      %get3A_2100 = vector.load %arg1[%get3A_2097, %get3A_2098, %get3A_2099] : memref<1733x8x128xf32, #tpu.memory_space<vmem>>, vector<1x8x128xf32>
      %get3A_2101 = vector.shape_cast %get3A_2100 : vector<1x8x128xf32> to vector<8x128xf32>
      %sub3A_2102 = arith.subf %get3A_2101, %max3A_32 : vector<8x128xf32>
      %exp3A_2103 = math.exp %sub3A_2102 : vector<8x128xf32>
      %add3A_2104 = arith.addf %add3A_2080, %exp3A_2103 : vector<8x128xf32>
      %mul3A_2105 = arith.constant 173 : i32
      %mul3A_2106 = arith.muli %scan3A_86, %mul3A_2105 : i32
      %add3A_2107 = arith.constant 168 : i32
      %add3A_2108 = arith.addi %mul3A_2106, %add3A_2107 : i32
      %get3A_2109 = arith.index_cast %add3A_2108 : i32 to index
      %get3A_2110 = arith.constant 0 : index
      %get3A_2111 = arith.constant 0 : index
      %get3A_2112 = vector.load %arg1[%get3A_2109, %get3A_2110, %get3A_2111] : memref<1733x8x128xf32, #tpu.memory_space<vmem>>, vector<1x8x128xf32>
      %get3A_2113 = vector.shape_cast %get3A_2112 : vector<1x8x128xf32> to vector<8x128xf32>
      %sub3A_2114 = arith.subf %get3A_2113, %max3A_32 : vector<8x128xf32>
      %exp3A_2115 = math.exp %sub3A_2114 : vector<8x128xf32>
      %add3A_2116 = arith.addf %add3A_2092, %exp3A_2115 : vector<8x128xf32>
      %mul3A_2117 = arith.constant 173 : i32
      %mul3A_2118 = arith.muli %scan3A_86, %mul3A_2117 : i32
      %add3A_2119 = arith.constant 169 : i32
      %add3A_2120 = arith.addi %mul3A_2118, %add3A_2119 : i32
      %get3A_2121 = arith.index_cast %add3A_2120 : i32 to index
      %get3A_2122 = arith.constant 0 : index
      %get3A_2123 = arith.constant 0 : index
      %get3A_2124 = vector.load %arg1[%get3A_2121, %get3A_2122, %get3A_2123] : memref<1733x8x128xf32, #tpu.memory_space<vmem>>, vector<1x8x128xf32>
      %get3A_2125 = vector.shape_cast %get3A_2124 : vector<1x8x128xf32> to vector<8x128xf32>
      %sub3A_2126 = arith.subf %get3A_2125, %max3A_32 : vector<8x128xf32>
      %exp3A_2127 = math.exp %sub3A_2126 : vector<8x128xf32>
      %add3A_2128 = arith.addf %add3A_2104, %exp3A_2127 : vector<8x128xf32>
      %mul3A_2129 = arith.constant 173 : i32
      %mul3A_2130 = arith.muli %scan3A_86, %mul3A_2129 : i32
      %add3A_2131 = arith.constant 170 : i32
      %add3A_2132 = arith.addi %mul3A_2130, %add3A_2131 : i32
      %get3A_2133 = arith.index_cast %add3A_2132 : i32 to index
      %get3A_2134 = arith.constant 0 : index
      %get3A_2135 = arith.constant 0 : index
      %get3A_2136 = vector.load %arg1[%get3A_2133, %get3A_2134, %get3A_2135] : memref<1733x8x128xf32, #tpu.memory_space<vmem>>, vector<1x8x128xf32>
      %get3A_2137 = vector.shape_cast %get3A_2136 : vector<1x8x128xf32> to vector<8x128xf32>
      %sub3A_2138 = arith.subf %get3A_2137, %max3A_32 : vector<8x128xf32>
      %exp3A_2139 = math.exp %sub3A_2138 : vector<8x128xf32>
      %add3A_2140 = arith.addf %add3A_2116, %exp3A_2139 : vector<8x128xf32>
      %mul3A_2141 = arith.constant 173 : i32
      %mul3A_2142 = arith.muli %scan3A_86, %mul3A_2141 : i32
      %add3A_2143 = arith.constant 171 : i32
      %add3A_2144 = arith.addi %mul3A_2142, %add3A_2143 : i32
      %get3A_2145 = arith.index_cast %add3A_2144 : i32 to index
      %get3A_2146 = arith.constant 0 : index
      %get3A_2147 = arith.constant 0 : index
      %get3A_2148 = vector.load %arg1[%get3A_2145, %get3A_2146, %get3A_2147] : memref<1733x8x128xf32, #tpu.memory_space<vmem>>, vector<1x8x128xf32>
      %get3A_2149 = vector.shape_cast %get3A_2148 : vector<1x8x128xf32> to vector<8x128xf32>
      %sub3A_2150 = arith.subf %get3A_2149, %max3A_32 : vector<8x128xf32>
      %exp3A_2151 = math.exp %sub3A_2150 : vector<8x128xf32>
      %add3A_2152 = arith.addf %add3A_2128, %exp3A_2151 : vector<8x128xf32>
      %mul3A_2153 = arith.constant 173 : i32
      %mul3A_2154 = arith.muli %scan3A_86, %mul3A_2153 : i32
      %add3A_2155 = arith.constant 172 : i32
      %add3A_2156 = arith.addi %mul3A_2154, %add3A_2155 : i32
      %get3A_2157 = arith.index_cast %add3A_2156 : i32 to index
      %get3A_2158 = arith.constant 0 : index
      %get3A_2159 = arith.constant 0 : index
      %get3A_2160 = vector.load %arg1[%get3A_2157, %get3A_2158, %get3A_2159] : memref<1733x8x128xf32, #tpu.memory_space<vmem>>, vector<1x8x128xf32>
      %get3A_2161 = vector.shape_cast %get3A_2160 : vector<1x8x128xf32> to vector<8x128xf32>
      %sub3A_2162 = arith.subf %get3A_2161, %max3A_32 : vector<8x128xf32>
      %exp3A_2163 = math.exp %sub3A_2162 : vector<8x128xf32>
      %add3A_2164 = arith.addf %add3A_2140, %exp3A_2163 : vector<8x128xf32>
      scf.yield %add3A_2164, %add3A_2152 : vector<8x128xf32>, vector<8x128xf32>
    }
    %scan3A_38 = arith.constant 10 : i32
    %get3A_39 = arith.constant 1730 : index
    %get3A_40 = arith.constant 0 : index
    %get3A_41 = arith.constant 0 : index
    %get3A_42 = vector.load %arg1[%get3A_39, %get3A_40, %get3A_41] : memref<1733x8x128xf32, #tpu.memory_space<vmem>>, vector<1x8x128xf32>
    %get3A_43 = vector.shape_cast %get3A_42 : vector<1x8x128xf32> to vector<8x128xf32>
    %sub3A = arith.subf %get3A_43, %max3A_32 : vector<8x128xf32>
    %exp3A = math.exp %sub3A : vector<8x128xf32>
    %add3A_44 = arith.addf %scan3A_37#0, %exp3A : vector<8x128xf32>
    %get3A_45 = arith.constant 1731 : index
    %get3A_46 = arith.constant 0 : index
    %get3A_47 = arith.constant 0 : index
    %get3A_48 = vector.load %arg1[%get3A_45, %get3A_46, %get3A_47] : memref<1733x8x128xf32, #tpu.memory_space<vmem>>, vector<1x8x128xf32>
    %get3A_49 = vector.shape_cast %get3A_48 : vector<1x8x128xf32> to vector<8x128xf32>
    %sub3A_50 = arith.subf %get3A_49, %max3A_32 : vector<8x128xf32>
    %exp3A_51 = math.exp %sub3A_50 : vector<8x128xf32>
    %add3A_52 = arith.addf %add3A_44, %exp3A_51 : vector<8x128xf32>
    %get3A_53 = arith.constant 1732 : index
    %get3A_54 = arith.constant 0 : index
    %get3A_55 = arith.constant 0 : index
    %get3A_56 = vector.load %arg1[%get3A_53, %get3A_54, %get3A_55] : memref<1733x8x128xf32, #tpu.memory_space<vmem>>, vector<1x8x128xf32>
    %get3A_57 = vector.shape_cast %get3A_56 : vector<1x8x128xf32> to vector<8x128xf32>
    %sub3A_58 = arith.subf %get3A_57, %max3A_32 : vector<8x128xf32>
    %exp3A_59 = math.exp %sub3A_58 : vector<8x128xf32>
    %add3A_60 = arith.addf %add3A_52, %exp3A_59 : vector<8x128xf32>
    %swap3A = arith.constant 0 : index
    %swap3A_61 = arith.constant 0 : index
    %swap3A_62 = vector.load %arg4[%swap3A, %swap3A_61] : memref<8x128xf32, #tpu.memory_space<vmem>>, vector<8x128xf32>
    tpu.vector_store %arg4[%swap3A, %swap3A_61], %max3A_32 {strides = array<i32>} : memref<8x128xf32, #tpu.memory_space<vmem>>, vector<8x128xf32>,
    %get3A_63 = arith.constant 0 : index
    %get3A_64 = arith.constant 0 : index
    %get3A_65 = vector.load %arg5[%get3A_63, %get3A_64] : memref<8x128xf32, #tpu.memory_space<vmem>>, vector<8x128xf32>
    %sub3A_66 = arith.subf %get3A_31, %max3A_32 : vector<8x128xf32>
    %exp3A_67 = math.exp %sub3A_66 : vector<8x128xf32>
    %mul3A = arith.mulf %get3A_65, %exp3A_67 : vector<8x128xf32>
    %add3A_68 = arith.addf %add3A_60, %scan3A_37#1 : vector<8x128xf32>
    %add3A_69 = arith.addf %mul3A, %add3A_68 : vector<8x128xf32>
    %swap3A_70 = arith.constant 0 : index
    %swap3A_71 = arith.constant 0 : index
    %swap3A_72 = vector.load %arg5[%swap3A_70, %swap3A_71] : memref<8x128xf32, #tpu.memory_space<vmem>>, vector<8x128xf32>
    tpu.vector_store %arg5[%swap3A_70, %swap3A_71], %add3A_69 {strides = array<i32>} : memref<8x128xf32, #tpu.memory_space<vmem>>, vector<8x128xf32>,
    %get3A_73 = arith.constant 0 : index
    %get3A_74 = arith.constant 0 : index
    %get3A_75 = vector.load %arg6[%get3A_73, %get3A_74] : memref<8x128xf32, #tpu.memory_space<vmem>>, vector<8x128xf32>
    %add3A_76 = arith.addf %add3A_27, %scan3A_8#3 : vector<8x128xf32>
    %add3A_77 = arith.addf %get3A_75, %add3A_76 : vector<8x128xf32>
    %swap3A_78 = arith.constant 0 : index
    %swap3A_79 = arith.constant 0 : index
    %swap3A_80 = vector.load %arg6[%swap3A_78, %swap3A_79] : memref<8x128xf32, #tpu.memory_space<vmem>>, vector<8x128xf32>
    tpu.vector_store %arg6[%swap3A_78, %swap3A_79], %add3A_77 {strides = array<i32>} : memref<8x128xf32, #tpu.memory_space<vmem>>, vector<8x128xf32>,
    %eq3A_81 = arith.constant 28 : i32
    %eq3A_82 = arith.cmpi eq, %arg0, %eq3A_81 : i32
    %convert_element_type3A_83 = arith.extui %eq3A_82 : i1 to i32
    %cond3A_84 = arith.constant 0 : i32
    %cond3A_85 = arith.cmpi ne, %convert_element_type3A_83, %cond3A_84 : i32
    scf.if %cond3A_85 {
      %get3A_86 = arith.constant 0 : index
      %get3A_87 = arith.constant 0 : index
      %get3A_88 = vector.load %arg2[%get3A_86, %get3A_87] : memref<8x128xi32, #tpu.memory_space<vmem>>, vector<8x128xi32>
      %slice3A = vector.extract_strided_slice %get3A_88 {offsets = [0, 1], sizes = [8, 127], strides = [1, 1]} : vector<8x128xi32> to vector<8x127xi32>
      %broadcast_in_dim3A_89 = arith.constant 0 : i32
      %broadcast_in_dim3A_90 = vector.broadcast %broadcast_in_dim3A_89 : i32 to vector<8x1xi32>
      %concatenate3A = tpu.concatenate %slice3A, %broadcast_in_dim3A_90 in 1 : vector<8x127xi32>, vector<8x1xi32> -> vector<8x128xi32>
      %get3A_91 = arith.constant 0 : index
      %get3A_92 = arith.constant 0 : index
      %get3A_93 = vector.load %arg4[%get3A_91, %get3A_92] : memref<8x128xf32, #tpu.memory_space<vmem>>, vector<8x128xf32>
      %get3A_94 = arith.constant 0 : index
      %get3A_95 = arith.constant 0 : index
      %get3A_96 = vector.load %arg5[%get3A_94, %get3A_95] : memref<8x128xf32, #tpu.memory_space<vmem>>, vector<8x128xf32>
      %log3A = math.log %get3A_96 : vector<8x128xf32>
      %add3A_97 = arith.addf %get3A_93, %log3A : vector<8x128xf32>
      %get3A_98 = arith.constant 0 : index
      %get3A_99 = arith.constant 0 : index
      %get3A_100 = vector.load %arg6[%get3A_98, %get3A_99] : memref<8x128xf32, #tpu.memory_space<vmem>>, vector<8x128xf32>
      %mul3A_101 = arith.constant 9.9488625E-7 : f32
      %mul3A_102 = vector.broadcast %mul3A_101 : f32 to vector<8x128xf32>
      %mul3A_103 = arith.mulf %mul3A_102, %get3A_100 : vector<8x128xf32>
      %sub3A_104 = arith.subf %mul3A_103, %add3A_97 : vector<8x128xf32>
      %ne3A = arith.constant 0 : i32
      %ne3A_105 = vector.broadcast %ne3A : i32 to vector<8x128xi32>
      %ne3A_106 = arith.cmpi ne, %concatenate3A, %ne3A_105 : vector<8x128xi32>
      %jit3A = arith.constant 0.000000e+00 : f32
      %broadcast_in_dim3A_107 = vector.broadcast %jit3A : f32 to vector<8x128xf32>
      %select_n3A = arith.select %ne3A_106, %sub3A_104, %broadcast_in_dim3A_107 : vector<8x128xi1>, vector<8x128xf32>
      %reduce_sum3A = vector.shape_cast %select_n3A : vector<8x128xf32> to vector<1x8x128xf32>
      %reduce_sum3A_108 = arith.constant dense<0.000000e+00> : vector<1xf32>
      %reduce_sum3A_109 = vector.multi_reduction <add>, %reduce_sum3A, %reduce_sum3A_108 [1, 2] : vector<1x8x128xf32> to vector<1xf32>
      %reduce_sum3A_110 = vector.shape_cast %reduce_sum3A_109 : vector<1xf32> to vector<1x1x1xf32>
      %reduce_sum3A_111 = vector.extract %reduce_sum3A_110[0, 0, 0] : f32 from vector<1x1x1xf32>
      %swap3A_112 = arith.constant 0 : index
      %swap3A_113 = arith.constant 0 : index
      %swap3A_114 = memref.load %arg3[%swap3A_112, %swap3A_113] : memref<1x2xf32, #tpu.memory_space<smem>>
      memref.store %reduce_sum3A_111, %arg3[%swap3A_112, %swap3A_113] : memref<1x2xf32, #tpu.memory_space<smem>>
      %jit3A_115 = arith.constant 1.000000e+00 : f32
      %jit3A_116 = arith.constant 0.000000e+00 : f32
      %broadcast_in_dim3A_117 = vector.broadcast %jit3A_115 : f32 to vector<8x128xf32>
      %broadcast_in_dim3A_118 = vector.broadcast %jit3A_116 : f32 to vector<8x128xf32>
      %select_n3A_119 = arith.select %ne3A_106, %broadcast_in_dim3A_117, %broadcast_in_dim3A_118 : vector<8x128xi1>, vector<8x128xf32>
      %reduce_sum3A_120 = vector.shape_cast %select_n3A_119 : vector<8x128xf32> to vector<1x8x128xf32>
      %reduce_sum3A_121 = arith.constant dense<0.000000e+00> : vector<1xf32>
      %reduce_sum3A_122 = vector.multi_reduction <add>, %reduce_sum3A_120, %reduce_sum3A_121 [1, 2] : vector<1x8x128xf32> to vector<1xf32>
      %reduce_sum3A_123 = vector.shape_cast %reduce_sum3A_122 : vector<1xf32> to vector<1x1x1xf32>
      %reduce_sum3A_124 = vector.extract %reduce_sum3A_123[0, 0, 0] : f32 from vector<1x1x1xf32>
      %swap3A_125 = arith.constant 0 : index
      %swap3A_126 = arith.constant 1 : index
      %swap3A_127 = memref.load %arg3[%swap3A_125, %swap3A_126] : memref<1x2xf32, #tpu.memory_space<smem>>
      memref.store %reduce_sum3A_124, %arg3[%swap3A_125, %swap3A_126] : memref<1x2xf32, #tpu.memory_space<smem>>
    } else {
    }
    return
  }
  func.func @transform_0(%arg0: i32) -> (i32, i32, i32) {
    %c0_i32 = arith.constant 0 : i32
    %c0_i32_0 = arith.constant 0 : i32
    %c0_i32_1 = arith.constant 0 : i32
    return %arg0, %c0_i32, %c0_i32_0 : i32, i32, i32
  }
  func.func @transform_1(%arg0: i32) -> (i32, i32) {
    %c0_i32 = arith.constant 0 : i32
    %c0_i32_0 = arith.constant 0 : i32
    %c0_i32_1 = arith.constant 0 : i32
    return %c0_i32, %c0_i32_0 : i32, i32
  }
  func.func @transform_2(%arg0: i32) -> (i32, i32) {
    %c0_i32 = arith.constant 0 : i32
    %c0_i32_0 = arith.constant 0 : i32
    %c0_i32_1 = arith.constant 0 : i32
    return %c0_i32, %c0_i32_0 : i32, i32
  }
}

</mosaic_0001>

<sc_bundles>
// kernel: kernel.4.cloned.1.call-start
scs
__scs_entry_jumppad:
0x0: {  	(pc) =	sbr.rel $0x88, $3  }
0x1: {  	(tag) =	ssettag $0x0;
	lr =	simm.s32 $0x1  }
0x2: {  	[smem:$0x3F9F] =	sst lr;
	_ =	strace $0xD0000000  }
0x3: {  	_ = 	snop  }
0x4: {  	_ = 	snop  }
0x5: {  	_ = 	snop  }
0x6: {  	_ = 	snop  }
0x7: {  	_ = 	snop  }
__scs_overlays_trampoline_lowered:
0x8: {  	[smem:$0x3FAE] =	sst s0  }
0x9: {  	[smem:$0x3FAF] =	sst s1  }
0xa: {  	[smem:$0x3FB0] =	sst s2  }
0xb: {  	[smem:$0x3FB1] =	sst s3  }
0xc: {  	[smem:$0x3FB2] =	sst s4  }
0xd: {  	[smem:$0x3FB3] =	sst s5  }
0xe: {  	[smem:$0x3FB4] =	sst s6  }
0xf: {  	[smem:$0x3FB5] =	sst s7  }
0x10: {  	[smem:$0x3FB6] =	sst s8  }
0x11: {  	[smem:$0x3FB7] =	sst s9;
	s0 =	simm.s32 @!p0 $0x0  }
0x12: {  	s1 =	sld [smem:$0x3F9D];
	s0 =	simm.s32 @p0 $0x1  }
0x13: {  	[smem:$0x3FB8] =	sst s0;
	s0 =	simm.s32 @!p1 $0x0  }
0x14: {  	s2 =	sld [smem:$0x3F9C];
	s0 =	simm.s32 @p1 $0x1  }
0x15: {  	[smem:$0x3FB9] =	sst s0;
	s0 =	simm.s32 @!p2 $0x0  }
0x16: {  	s3 =	sld [smem:$0x3FDB];
	s0 =	simm.s32 @p2 $0x1  }
0x17: {  	s4 =	simm.s32 $0x1BF5;
	[smem:$0x3FBB] =	sst s0  }
0x18: {  	s0 =	sld [smem:$0x3F9E];
	_ =	swait.ge [sflag:s4], $0x0  }
0x19: {  	s7 =	sld [smem:$0x3F9F]  }
0x1a: {  	s8 =	sadd.s32 $0xFFFFE003, lr  }
0x1b: {  	s9 =	sadd.s32 $0xFFFFFEF7, lr;
	s5 =	simm.s32 $0xFFFFFFFF;
	p2 =	slt.u32 s8, $0xFFFFF086  }
0x1c: {  	p1 =	slt.u32 s9, $0xF7A;
	s5 =	simm.s32 @!p2 $0x0  }
0x1d: {  	s5 =	simm.s32 @p1 $0x1;
	p0 =	seq.s32 s7, s2  }
0x1e: {  	s7 =	smul.u32 @!p0 $0xF7A, s2;
	p2 =	seq.s32 @!p0 s5, $0x0  }
0x1f: {  	s9 =	smul.u32 $0xF7A, s1;
	s8 =	simm.s32 @!p0 $0x1BF5;
	p2 =	por !p2, p0  }
0x20: {  	[sflag:s8] =	ssyncset.s32 @!p0 $0xFFFFF086;
	s6 =	sadd.s32 @!p0 s3, s7;
	s7 =	simm.s32 @!p0 $0x108  }
0x21: {  	s3 =	sadd.s32 s3, s9;
	s6 =	sadd.s32 @!p0 $0x88, s6;
	s7 =	simm.s32 @p2 $0x1082  }
0x22: {  	[simem:s7], [sflag:s8] =	dma.local @!p0 [hbm:s6], $0xF7A  }
0x23: {  	s9 =	sor.u32 $0xD0000000, s2;
	s6 =	simm.s32 $0x108;
	_ =	swait.ge @!p0 [sflag:s8], $0x0  }
0x24: {  	s3 =	sadd.s32 $0x88, s3;
	s6 =	simm.s32 @!p1 $0x1082;
	[sflag:s4] =	ssyncset.s32 $0xFFFFF086  }
0x25: {  	[simem:s6], [sflag:s4] =	dma.local [hbm:s3], $0xF7A  }
0x26: {  	[smem:$0x3F9F] =	sst s1;
	(tag) =	ssettag s2;
	_ =	strace s9  }
0x27: {  	s1 =	sld [smem:$0x3FAF]  }
0x28: {  	s2 =	sld [smem:$0x3FB0]  }
0x29: {  	s4 =	sld [smem:$0x3FB2]  }
0x2a: {  	p0 =	seq.s32 s5, $0x0;
	s5 =	sld [smem:$0x3FB3]  }
0x2b: {  	s6 =	sld [smem:$0x3FB4]  }
0x2c: {  	s7 =	sld [smem:$0x3FB5]  }
0x2d: {  	s3 =	simm.s32 $0x108;
	s8 =	sld [smem:$0x3FB6]  }
0x2e: {  	s3 =	simm.s32 @!p0 $0x1082;
	s9 =	sld [smem:$0x3FB7]  }
0x2f: {  	lr =	sadd.s32 s0, s3;
	s0 =	sld [smem:$0x3FAE]  }
0x30: {  	s3 =	sld [smem:$0x3FB1]  }
0x31: {  	[smem:$0x3FBA] =	sst s10  }
0x32: {  	s10 =	sld [smem:$0x3FB8];
	_ =	sdelay $0x3  }
0x33: {  	p0 =	seq.s32 s10, $0x1;
	s10 =	sld [smem:$0x3FBA];
	_ =	sdelay $0x3  }
0x34: {  	[smem:$0x3FBA] =	sst s10  }
0x35: {  	s10 =	sld [smem:$0x3FB9];
	_ =	sdelay $0x3  }
0x36: {  	p1 =	seq.s32 s10, $0x1;
	s10 =	sld [smem:$0x3FBA];
	_ =	sdelay $0x3  }
0x37: {  	[smem:$0x3FBA] =	sst s10  }
0x38: {  	s10 =	sld [smem:$0x3FBB]  }
0x39: {  	_ = 	snop;
	(pc) =	sbr.ind lr, $3  }
0x3a: {  	_ = 	snop  }
0x3b: {  	_ = 	snop  }
0x3c: {  	p2 =	seq.s32 s10, $0x1;
	s10 =	sld [smem:$0x3FBA]  }
0x3d: {  	_ =	shalt  }
0x3e: {  	_ =	shalt  }
0x3f: {  	_ =	shalt  }
0x40: {  	_ =	shalt  }
0x41: {  	_ =	shalt  }
0x42: {  	_ =	shalt  }
0x43: {  	_ =	shalt  }
0x44: {  	_ =	shalt  }
0x45: {  	_ =	shalt  }
0x46: {  	_ =	shalt  }
0x47: {  	_ =	shalt  }
0x48: {  	_ =	shalt  }
0x49: {  	_ =	shalt  }
0x4a: {  	_ =	shalt  }
0x4b: {  	_ =	shalt  }
0x4c: {  	_ =	shalt  }
0x4d: {  	_ =	shalt  }
0x4e: {  	_ =	shalt  }
0x4f: {  	_ =	shalt  }
0x50: {  	_ =	shalt  }
0x51: {  	_ =	shalt  }
0x52: {  	_ =	shalt  }
0x53: {  	_ =	shalt  }
0x54: {  	_ =	shalt  }
0x55: {  	_ =	shalt  }
0x56: {  	_ =	shalt  }
0x57: {  	_ =	shalt  }
0x58: {  	_ =	shalt  }
0x59: {  	_ =	shalt  }
0x5a: {  	_ =	shalt  }
0x5b: {  	_ =	shalt  }
0x5c: {  	_ =	shalt  }
0x5d: {  	_ =	shalt  }
0x5e: {  	_ =	shalt  }
0x5f: {  	_ =	shalt  }
0x60: {  	_ =	shalt  }
0x61: {  	_ =	shalt  }
0x62: {  	_ =	shalt  }
0x63: {  	_ =	shalt  }
0x64: {  	_ =	shalt  }
0x65: {  	_ =	shalt  }
0x66: {  	_ =	shalt  }
0x67: {  	_ =	shalt  }
0x68: {  	_ =	shalt  }
0x69: {  	_ =	shalt  }
0x6a: {  	_ =	shalt  }
0x6b: {  	_ =	shalt  }
0x6c: {  	_ =	shalt  }
0x6d: {  	_ =	shalt  }
0x6e: {  	_ =	shalt  }
0x6f: {  	_ =	shalt  }
0x70: {  	_ =	shalt  }
0x71: {  	_ =	shalt  }
0x72: {  	_ =	shalt  }
0x73: {  	_ =	shalt  }
0x74: {  	_ =	shalt  }
0x75: {  	_ =	shalt  }
0x76: {  	_ =	shalt  }
0x77: {  	_ =	shalt  }
0x78: {  	_ =	shalt  }
0x79: {  	_ =	shalt  }
0x7a: {  	_ =	shalt  }
0x7b: {  	_ =	shalt  }
0x7c: {  	_ =	shalt  }
0x7d: {  	_ =	shalt  }
0x7e: {  	_ =	shalt  }
0x7f: {  	_ =	shalt  }
0x80: {  	_ =	shalt  }
0x81: {  	_ =	shalt  }
0x82: {  	_ =	shalt  }
0x83: {  	_ =	shalt  }
0x84: {  	_ =	shalt  }
0x85: {  	_ =	shalt  }
0x86: {  	_ =	shalt  }
0x87: {  	_ =	shalt  }
.Lfunc_end0:
.L_simem_size_0:
called_computation_lowered:
.L_overlay_start_0:
0x88: {  	s2 =	sld [smem:$0x3FD9]  }
0x89: {  	s3 =	sld [smem:$0x3FFE];
	_ =	sdelay $0x1  }
0x8a: {  	s1 =	srdreg.scid  }
0x8b: {  	s0 =	sand.u32 $0x1, s1  }
0x8c: {  	s17 =	sshll.u32 s0, $0xA;
	s2 =	sadd.s32 s3, s2  }
0x8d: {  	s2 =	sadd.s32 s2, s17  }
0x8e: {  	[smem:$0x3FC6] =	sst s2  }
0x8f: {  	_ = 	snop  }
0x90: {  	s2 =	sld [smem:$0x3FC9];
	(tm) =	ssettm $0x1  }
0x91: {  	s18 =	sld [smem:$0x3FFB];
	_ =	sdelay $0x3  }
0x92: {  	_ =	strace s18  }
0x93: {  	s3 =	sld [smem:$0x3FFC];
	_ =	sdelay $0x3  }
0x94: {  	_ =	strace s3  }
0x95: {  	s3 =	sld [smem:$0x3FFD];
	_ =	sdelay $0x3  }
0x96: {  	_ =	strace s3  }
0x97: {  	_ =	strace $0x8FFFFFFF  }
0x98: {  	s19 =	sld [smem:$0x3FDB];
	_ =	sdelay $0x1  }
0x99: {  	s4 =	simm.s32 $_scs_section_size  }
0x9a: {  	s5 =	simm.s32 $_size__tile_overlayer_lowered;
	s6 =	simm.s32 $_tile_overlayer_lowered  }
0x9b: {  	s22 =	simm.s32 $0x1BFF;
	s21 =	sshll.u32 s6, $0x1;
	s3 =	sadd.s32 s4, s19  }
0x9c: {  	s7 =	simm.s32 $0x0;
	s20 =	sshll.u32 s5, $0x1;
	s5 =	sadd.s32 s21, s3  }
0x9d: {  	[timem:s7], [sflag:s22] =	dma.local [hbm:s5], s20  }
0x9e: {  	_ =	swait.ge [sflag:s22], s20  }
0x9f: {  	s4 =	ssub.s32 $0x0, s20;
	[sflag:s22] =	ssyncset.done $0x0  }
0xa0: {  	[sflag:s22] =	ssyncadd.s32 s4;
	_ =	sdelay $0x1  }
0xa1: {  	s23 =	simm.s32 $0x1B8B  }
0xa2: {  	_ =	swait.ge [sflag:s23], $0x1  }
0xa3: {  	[sflag:s23] =	ssyncset.done $0x0  }
0xa4: {  	s25 =	simm.s32 $0x1B8E;
	s24 =	sld [smem:$0x3FFE];
	[sflag:s23] =	ssyncadd.s32 $0xFFFFFFFF  }
0xa5: {  	s26 =	simm.s32 $execute0_lowered;
	[smem:$0x3FD2] =	sst s25  }
0xa6: {  	s5 =	sshll.u32 s26, $0x1;
	_ =	strace $0x80000046;
	[dreg:$0x1] =	wrdreg $0xFFFFFFFF  }
0xa7: {  	s28 =	simm.s32 $_size_execute0_lowered;
	s3 =	sadd.s32 s3, s5;
	[dreg:$0x0] =	wrdreg $0x0  }
0xa8: {  	s5 =	sshll.u32 s28, $0x1;
	[dreg:$0x2] =	wrdreg s3  }
0xa9: {  	[dreg:$0x3] =	wrdreg s5  }
0xaa: {  	[dreg:$0x4] =	wrdreg $0xC0  }
0xab: {  	_ =	task [dreg:s7], $0x5FFFF  }
0xac: {  	[dreg:$0x1] =	wrdreg $0xFFFFFFFF  }
0xad: {  	[dreg:$0x0] =	wrdreg $0x60  }
0xae: {  	[dreg:$0x2] =	wrdreg s2  }
0xaf: {  	[dreg:$0x3] =	wrdreg s24  }
0xb0: {  	[dreg:$0x4] =	wrdreg $0x9  }
0xb1: {  	_ =	task.clear_ibuf [dreg:s7], $0x5FFFF;
	_ =	strace $0x90000046  }
0xb2: {  	s29 =	simm.s32 $0x9;
	_ =	strace $0x80000048  }
0xb3: {  	_ =	swait.ge [sflag:s29], $0x1  }
0xb4: {  	[sflag:s29] =	ssyncadd.s32 $0xFFFFFFFF  }
0xb5: {  	_ =	strace $0x90000048  }
0xb6: {  	_ =	sfence  }
0xb7: {  	s30 =	sld [smem:$0x0];
	_ =	sdelay $0x2  }
0xb8: {  	s31 =	sshll.u32 s1, $0xD;
	s1 =	sshrl.u32 s1, $0x2  }
0xb9: {  	s3 =	sand.u32 $0x4000, s31;
	s1 =	sadd.s32 s1, s30  }
0xba: {  	s0 =	sor.u32 s3, s0;
	s1 =	sshll.u32 s1, $0x11  }
0xbb: {  	s0 =	sor.u32 s1, s0  }
0xbc: {  	s0 =	sadd.s32 $0x8F2B, s0  }
0xbd: {  	[sflag:s0] =	ssyncadd.remote.s32 $0x1  }
0xbe: {  	_ =	sfence.sel $0xFFFF  }
0xbf: {  	[dreg:$0x0] =	wrdreg $0xFFFFFFFF;
	(pc) =	sbr.abs _section_cstart, $3  }
0xc0: {  	[dreg:$0x1] =	wrdreg $0xFFFFFFFF  }
0xc1: {  	_ =	task.clear_ibuf [dreg:s7], $0x2FFFF;
	_ =	strace $0x9FFFFFFF  }
0xc2: {  	(tm) =	ssettm $0x7FFFFFFF  }
0xc3: {  	_ =	shalt  }
tec
execute0_lowered:
.L_overlay_start_1:
0x0: {  	(tag) =	ssettag $0x1  }
0x1: {  	s1 =	srdreg.scid;
	s0 =	stileid.u32  }
0x2: {  	s2 =	rddreg [dreg:$0x0];
	s10 =	sand.u32 $0x1, s1;
	s30 =	sshll.u32 s0, $0x1  }
0x3: {  	s11 =	rddreg [dreg:$0x1];
	s12 =	sor.u32 s10, s30  }
0x4: {  	s3 =	simm.s32 $0x0;
	s1 =	rddreg [dreg:$0x2];
	s4 =	sshll.u32 s12, $0x2  }
0x5: {  	[smem:$0x7FF] =	sst s3;
	s4 =	sadd.s32 s4, s11  }
0x6: {  	_ =	strace $0x80000047;
	s5 =	sadd.s32 $0x600, s4;
	s4 =	simm.s32 $0x2  }
0x7: {  	[tilespmem:s3], [sflag:$0x2] =	stream.linear.gather [hbm4b:s5+s3], $0x20, $0x38;
	[tilespmem:$0x200] =	vst v63  }
0x8: {  	_ =	swait.ge [sflag:s4], $0x20  }
0x9: {  	[sflag:s4] =	ssyncset.done $0x0  }
0xa: {  	[sflag:s4] =	ssyncadd.s32 $0xFFFFFFE0  }
0xb: {  	v1 =	vld [tilespmem:$0x0]  }
0xc: {  	v2 =	vld [tilespmem:$0x10];
	_ =	sdelay $0x2  }
0xd: {  	v3 =	vlaneseq.u32;
	s6 =	sshll.u32 s12, $0x5  }
0xe: {  	v0 =	vor.u32 s6, v3;
	v3 =	vor.u32 $0x10, v3;
	v4 =	vshll.u32 v1, $0xA  }
0xf: {  	v1 =	vor.u32 s6, v3;
	v2 =	vshll.u32 v2, $0xA;
	v3 =	vor.u32 v0, v4  }
0x10: {  	s7 =	simm.s32 $0x80;
	v2 =	vor.u32 v1, v2;
	[tilespmem:$0x80] =	vst v3  }
0x11: {  	s8 =	simm.s32 $0x100;
	s9 =	simm.s32 $0x1;
	s6 =	simm.s32 $0x20;
	[tilespmem:$0x90] =	vst v2  }
0x12: {  	[tilespmem:s8], [sflag:$0x1] =	stream.indirect.gather [hbm4b:s2+s6], $0x1, s7, s6, $0xb8;
	[tilespmem:$0x200] =	vst v63  }
0x13: {  	_ =	swait.ge [sflag:s9], $0x20  }
0x14: {  	[sflag:s9] =	ssyncset.done $0x0  }
0x15: {  	s10 =	ssub.s32 $0x2, s10;
	[sflag:s9] =	ssyncadd.s32 $0xFFFFFFE0  }
0x16: {  	s13 =	sshrl.u32 s10, $0x1;
	v2 =	vld [tilespmem:$0x10]  }
0x17: {  	s10 =	ssub.s32 s10, s13;
	v3 =	vld [tilespmem:$0x110]  }
0x18: {  	s13 =	smax.u32 s10, $0x1;
	v63 =	vld [tilespmem:$0x0]  }
0x19: {  	p0 =	sne.s32 s13, $0x1;
	v5 =	vld [tilespmem:$0x100]  }
.Ltmp0:
0x1a: {  	_ = 	snop;
	(pc) =	sbr.rel @!p0 .LBB2_2-.Ltmp0, $4  }
0x1b: {  	_ = 	snop  }
0x1c: {  	s12 =	sshll.u32 s12, $0x4;
	vm0 =	veq.s32 v2, $0x0  }
0x1d: {  	s31 =	sadd.s32 s12, s11;
	vm15 =	veq.s32 v63, $0x0;
	v2 =	vsel vm0, $0x0, v3  }
0x1e: {  	s11 =	simm.s32 $0x180;
	s10 =	sadd.s32 $0x800, s31;
	s12 =	sadd.s32 $0xFFFFFFFF, s13;
	[tilespmem:$0x190] =	vst v2;
	v2 =	vsel vm15, $0x0, v5  }
.LBB2_1:
0x1f: {  	p0 =	sne.s32 s12, $0x1;
	s12 =	sadd.s32 $0xFFFFFFFF, s12;
	[tilespmem:$0x180] =	vst v2  }
0x20: {  	[hbm4b:s10+s3] =	stream.linear.scatter [tilespmem:s11], [sflag:$0x2], $0x80, $0x38;
	[tilespmem:$0x200] =	vst v63  }
0x21: {  	_ =	swait.ge [sflag:s4], $0x80  }
0x22: {  	[sflag:s4] =	ssyncset.done $0x0  }
0x23: {  	[sflag:s4] =	ssyncadd.s32 $0xFFFFFF80  }
0x24: {  	[tilespmem:s3], [sflag:$0x2] =	stream.linear.gather [hbm4b:s5+s3], $0x20, $0x38;
	[tilespmem:$0x200] =	vst v63  }
0x25: {  	_ =	swait.ge [sflag:s4], $0x20  }
0x26: {  	[sflag:s4] =	ssyncset.done $0x0  }
0x27: {  	[sflag:s4] =	ssyncadd.s32 $0xFFFFFFE0  }
0x28: {  	v2 =	vld [tilespmem:$0x0]  }
0x29: {  	v3 =	vld [tilespmem:$0x10];
	_ =	sdelay $0x3  }
0x2a: {  	v2 =	vshll.u32 v2, $0xA  }
0x2b: {  	v2 =	vor.u32 v0, v2;
	v3 =	vshll.u32 v3, $0xA  }
0x2c: {  	[tilespmem:$0x80] =	vst v2;
	v2 =	vor.u32 v1, v3  }
0x2d: {  	[tilespmem:$0x90] =	vst v2  }
0x2e: {  	[tilespmem:s8], [sflag:$0x1] =	stream.indirect.gather [hbm4b:s2+s6], $0x1, s7, s6, $0xb8;
	[tilespmem:$0x200] =	vst v63  }
0x2f: {  	_ =	swait.ge [sflag:s9], $0x20  }
0x30: {  	[sflag:s9] =	ssyncset.done $0x0  }
0x31: {  	[sflag:s9] =	ssyncadd.s32 $0xFFFFFFE0  }
0x32: {  	v2 =	vld [tilespmem:$0x10]  }
0x33: {  	v3 =	vld [tilespmem:$0x110]  }
0x34: {  	v4 =	vld [tilespmem:$0x0]  }
0x35: {  	v5 =	vld [tilespmem:$0x100]  }
.Ltmp1:
0x36: {  	(pc) =	sbr.rel @p0 .LBB2_1-.Ltmp1, $4  }
0x37: {  	vm0 =	veq.s32 v2, $0x0  }
0x38: {  	v2 =	vsel vm0, $0x0, v3  }
0x39: {  	vm0 =	veq.s32 v4, $0x0;
	[tilespmem:$0x190] =	vst v2  }
0x3a: {  	v2 =	vsel vm0, $0x0, v5  }
.LBB2_2:
0x3b: {  	[tilespmem:$0x180] =	vst v2  }
0x3c: {  	[hbm4b:s10+s3] =	stream.linear.scatter [tilespmem:s11], [sflag:$0x2], $0x80, $0x38;
	[tilespmem:$0x200] =	vst v63  }
0x3d: {  	_ =	swait.ge [sflag:s4], $0x80  }
0x3e: {  	[sflag:s4] =	ssyncset.done $0x0  }
0x3f: {  	[sflag:s4] =	ssyncadd.s32 $0xFFFFFF80  }
0x40: {  	_ =	sfence.sel $0x180000  }
0x41: {  	[bflag:$0x0] =	sbarrier.arrive $0xFFFF  }
0x42: {  	p0 =	sne.s32 s0, $0x0;
	_ =	strace $0x90000047  }
0x43: {  	s0 =	sadd.s32 @!p0 $0x100000, s1;
	[bflag:$0x2] =	sbarrier.arrive $0xFFFF  }
0x44: {  	[sflag:s0] =	ssyncadd.tile.s32 @!p0 $0x1;
	_ =	shalt  }
.Lfunc_end2:
_tile_overlayer_lowered:
.L_overlay_start_2:
0x45: {  	(tag) =	ssettag $0x2  }
0x46: {  	s0 =	rddreg [dreg:$0x0];
	s2 =	stileid.u32  }
0x47: {  	s1 =	rddreg [dreg:$0x1];
	p0 =	sne.s32 s2, $0x0  }
0x48: {  	s3 =	rddreg [dreg:$0x2];
	[bflag:$0x3] =	sbarrier.arrive $0xFFFF;
	s2 =	simm.s32 @!p0 $0x1C02  }
0x49: {  	[timem:s3], [sflag:s2] =	dma.local @!p0 [hbm:s0], s1  }
0x4a: {  	s0 =	simm.s32 @!p0 $0x2  }
0x4b: {  	_ =	swait.ge @!p0 [sflag:s0], s1  }
0x4c: {  	s1 =	ssub.s32 @!p0 $0x0, s1;
	[sflag:s0] =	ssyncset.done @!p0 $0x0  }
0x4d: {  	[sflag:s0] =	ssyncadd.s32 @!p0 s1  }
0x4e: {  	[bflag:$0x3] =	sbarrier.arrive $0xFFFF  }
0x4f: {  	_ =	shalt  }

</sc_bundles>
